<compile_context>
chip_gen: v7x
topology: tpu7x:2x2x1
jax: 0.10.2.dev20260603
libtpu: 0.0.44.dev20260713+nightly
codegen_flags: <defaults>
</compile_context>

<pallas_src>
import functools

import jax
import jax.numpy as jnp
from jax import lax
from jax.experimental import pallas as pl
from jax.experimental.pallas import tpu as pltpu
from jax.experimental.pallas import tpu_sc as plsc

NC = 2
NS = 16
NW = NC * NS

V = 1000000
D = 64
FULL_BLOCKS = V // 128
BASE_BLOCKS = FULL_BLOCKS // NW
EXTRA_BLOCKS = FULL_BLOCKS - BASE_BLOCKS * NW
TAIL_ROWS = V - FULL_BLOCKS * 128
TAIL_WORKER = NW - 1

GROUP = 128
NBUF = 4
NB1 = 4


PAD = 129


def _transpose_pairs(sbuf, tbuf, width):
    iota = lax.iota(jnp.int32, 16)
    mv = [(iota // 2) + 8 * k for k in range(width // 16)]
    qb = (iota % 2) * 64

    @plsc.parallel_loop(0, D, unroll=2)
    def f_body(f):
        qv = qb + f
        for k in range(width // 16):
            vals = sbuf[f, pl.ds(16 * k, 16)]
            plsc.store_scatter(tbuf, [mv[k], qv], vals)


@functools.partial(jax.jit, static_argnames=())
def _convert(wt, tail2d):
    mesh = plsc.VectorSubcoreMesh(core_axis_name="c", subcore_axis_name="s")

    @functools.partial(
        pl.kernel,
        out_type=jax.ShapeDtypeStruct((V // 2, 128), jnp.float32),
        mesh=mesh,
        scratch_types=[
            [pltpu.VMEM((D, 128), jnp.float32) for _ in range(NB1)],
            [pltpu.VMEM((D, PAD), jnp.float32) for _ in range(NB1)],
            [pltpu.SemaphoreType.DMA for _ in range(NB1)],
            [pltpu.SemaphoreType.DMA for _ in range(NB1)],
        ],
        compiler_params=pltpu.CompilerParams(use_tc_tiling_on_sc=True, needs_layout_passes=False),
    )
    def body(wt_hbm, tail_hbm, out_hbm, sbufs, tbufs, gsems, wsems):
        wid = lax.axis_index("s") * NC + lax.axis_index("c")
        base_blk = wid * BASE_BLOCKS

        def in_copy(blk, b):
            return pltpu.make_async_copy(
                wt_hbm.at[:, pl.ds(blk * 128, 128)], sbufs[b], gsems[b]
            )

        for b in range(NB1):
            in_copy(base_blk + b, b).start()

        def ring(i, carry):
            for b in range(NB1):
                c = i * NB1 + b
                blk = base_blk + c
                in_copy(blk, b).wait()

                @pl.when(i > 0)
                def _():
                    pltpu.make_async_copy(
                        tbufs[b].at[:, pl.ds(0, 128)],
                        out_hbm.at[pl.ds(blk * 64, 64)], wsems[b]
                    ).wait()

                _transpose_pairs(sbufs[b], tbufs[b], 128)
                pltpu.async_copy(
                    tbufs[b].at[:, pl.ds(0, 128)],
                    out_hbm.at[pl.ds(blk * 64, 64)], wsems[b]
                )

                @pl.when(c + NB1 < BASE_BLOCKS)
                def _():
                    in_copy(blk + NB1, b).start()
            return carry

        lax.fori_loop(0, BASE_BLOCKS // NB1, ring, 0)
        for b in range(NB1):
            pltpu.make_async_copy(
                tbufs[b].at[:, pl.ds(0, 128)], out_hbm.at[pl.ds(0, 64)],
                wsems[b]
            ).wait()

        @pl.when(wid < EXTRA_BLOCKS)
        def _():
            blk = FULL_BLOCKS - EXTRA_BLOCKS + wid
            in_copy(blk, 0).start()
            in_copy(blk, 0).wait()
            _transpose_pairs(sbufs[0], tbufs[0], 128)
            pltpu.async_copy(
                tbufs[0].at[:, pl.ds(0, 128)],
                out_hbm.at[pl.ds(blk * 64, 64)], wsems[0]
            ).wait()

        @pl.when(wid == TAIL_WORKER)
        def _():
            tsl = tbufs[1].at[pl.ds(0, TAIL_ROWS // 2), pl.ds(0, 128)]
            pltpu.sync_copy(tail_hbm, tsl)
            pltpu.sync_copy(
                tsl, out_hbm.at[pl.ds(FULL_BLOCKS * 64, TAIL_ROWS // 2)]
            )

    return body(wt, tail2d)


@functools.partial(jax.jit, static_argnames=())
def _gather(y2, table):
    n_units = y2.shape[0]
    units_per_w = n_units // NW
    bt_per_t = 16384 // GROUP
    mesh = plsc.VectorSubcoreMesh(core_axis_name="c", subcore_axis_name="s")

    @functools.partial(
        pl.kernel,
        out_type=jax.ShapeDtypeStruct((50, 8, bt_per_t, 8, GROUP),
                                      jnp.float32),
        mesh=mesh,
        scratch_types=[
            pltpu.VMEM((units_per_w, GROUP), jnp.int32),
            [pltpu.VMEM((GROUP, D), jnp.float32) for _ in range(NBUF)],
            [pltpu.VMEM((8, 8, PAD), jnp.float32) for _ in range(NBUF)],
            [pltpu.SemaphoreType.DMA for _ in range(NBUF)],
            [pltpu.SemaphoreType.DMA for _ in range(NBUF)],
        ],
        compiler_params=pltpu.CompilerParams(use_tc_tiling_on_sc=False, needs_layout_passes=False),
    )
    def body(y_hbm, w_hbm, out_hbm, idx_v, rows, tbs, gsems, wsems):
        wid = lax.axis_index("s") * NC + lax.axis_index("c")
        ubase = wid * units_per_w
        pltpu.sync_copy(
            y_hbm.at[pl.ds(pl.multiple_of(ubase, 8), units_per_w)], idx_v
        )
        iota = lax.iota(jnp.int32, 16)
        ftv = [(iota + 16 * k) // 8 for k in range(4)]
        fiv = [(iota + 16 * k) % 8 for k in range(4)]

        def transpose_rows(rbuf, tb):
            @plsc.parallel_loop(0, GROUP, unroll=4)
            def bi_body(bi):
                colv = jnp.full((16,), bi, jnp.int32)
                for k in range(4):
                    vals = rbuf[bi, pl.ds(16 * k, 16)]
                    plsc.store_scatter(tb, [ftv[k], fiv[k], colv], vals)

        def unit_out_ref(u):
            t = u // bt_per_t
            bt = lax.rem(u, bt_per_t)
            return out_hbm.at[t, :, bt, :, :]

        def ring_body(i, carry):
            for b in range(NBUF):
                u = ubase + i * NBUF + b

                @pl.when(i > 0)
                def _():
                    pltpu.make_async_copy(tbs[b].at[:, :, pl.ds(0, GROUP)],
                                          unit_out_ref(u), wsems[b]).wait()

                pltpu.async_copy(
                    w_hbm.at[idx_v.at[i * NBUF + b]], rows[b], gsems[b]
                )
            for b in range(NBUF):
                u = ubase + i * NBUF + b
                pltpu.make_async_copy(
                    w_hbm.at[idx_v.at[i * NBUF + b]], rows[b], gsems[b]
                ).wait()
                transpose_rows(rows[b], tbs[b])
                pltpu.async_copy(tbs[b].at[:, :, pl.ds(0, GROUP)],
                                 unit_out_ref(u), wsems[b])
            return carry

        lax.fori_loop(0, units_per_w // NBUF, ring_body, 0)
        for b in range(NBUF):
            pltpu.make_async_copy(tbs[b].at[:, :, pl.ds(0, GROUP)],
                                  unit_out_ref(ubase + b), wsems[b]).wait()

    return body(y2, table)


def kernel(Y, weight):
    wt = weight.T
    tail2d = weight[FULL_BLOCKS * 128:].reshape(TAIL_ROWS // 2, 128)
    table2 = _convert(wt, tail2d)
    table = table2.reshape(V, D)
    y2 = Y.astype(jnp.int32).T.reshape(6400, GROUP)
    out5 = _gather(y2, table)
    return out5.transpose(2, 4, 0, 1, 3).reshape(16384, 50, D)

# --- scband reference (transcript-rebuilt; emitter-appended) ---
"""Pipeline reference for scband-embedding-8667244003435 (READ-ONLY COPY).

The authoritative reference and input builder live on the scoring server;
editing this copy changes nothing except your own understanding.
"""

import jax, jax.numpy as jnp
import numpy as np

NUM_TOKENS = 1000000
DIM = 64

def setup_inputs(seed: int = 0) -> dict:
    key = jax.random.key(seed)
    k_idx, k_w = jax.random.split(key)
    Y = jax.random.randint(k_idx, (16384, 50), 0, NUM_TOKENS, dtype=jnp.int64 if jax.config.read('jax_enable_x64') else jnp.int32)
    weight = jax.random.normal(k_w, (NUM_TOKENS, DIM), dtype=jnp.float32)
    return {"Y": Y, "weight": weight}

def reference(Y, weight):
    # Embedding lookup: weight[Y]
    return jnp.take(weight, Y, axis=0)

if __name__ == "__main__":
    import jax
    _d = setup_inputs()
    print(jax.jit(kernel)(*tuple(_d.values())))

</pallas_src>

<mosaic_0001>
#map = affine_map<(d0, d1) -> (0, 0)>
module attributes {stable_mosaic.version = 14 : i64} {
  func.func @body(%arg0: i32, %arg1: i32, %arg2: memref<64x1000000xf32, #tpu.memory_space<hbm>>, %arg3: memref<32x128xf32, #tpu.memory_space<hbm>>, %arg4: memref<500000x128xf32, #tpu.memory_space<hbm>>, %arg5: memref<64x128xf32, #tpu.memory_space<vmem>>, %arg6: memref<64x128xf32, #tpu.memory_space<vmem>>, %arg7: memref<64x128xf32, #tpu.memory_space<vmem>>, %arg8: memref<64x128xf32, #tpu.memory_space<vmem>>, %arg9: memref<64x129xf32, #tpu.memory_space<vmem>>, %arg10: memref<64x129xf32, #tpu.memory_space<vmem>>, %arg11: memref<64x129xf32, #tpu.memory_space<vmem>>, %arg12: memref<64x129xf32, #tpu.memory_space<vmem>>, %arg13: memref<!tpu.dma_semaphore, #tpu.memory_space<semaphore_mem>>, %arg14: memref<!tpu.dma_semaphore, #tpu.memory_space<semaphore_mem>>, %arg15: memref<!tpu.dma_semaphore, #tpu.memory_space<semaphore_mem>>, %arg16: memref<!tpu.dma_semaphore, #tpu.memory_space<semaphore_mem>>, %arg17: memref<!tpu.dma_semaphore, #tpu.memory_space<semaphore_mem>>, %arg18: memref<!tpu.dma_semaphore, #tpu.memory_space<semaphore_mem>>, %arg19: memref<!tpu.dma_semaphore, #tpu.memory_space<semaphore_mem>>, %arg20: memref<!tpu.dma_semaphore, #tpu.memory_space<semaphore_mem>>) attributes {dimension_semantics = [#tpu.dimension_semantics<core_parallel>, #tpu.dimension_semantics<subcore_parallel>], iteration_bounds = array<i64: 2, 16>, scalar_prefetch = 0 : i64, scratch_operands = 16 : i64, tpu.core_type = #tpu.core_type<sc_vector_subcore>, window_params = [{transform_indices = #map}, {transform_indices = #map}, {transform_indices = #map}]} {
    %mul3A = arith.constant 2 : i32
    %mul3A_0 = arith.muli %arg1, %mul3A : i32
    %add3A = arith.addi %mul3A_0, %arg0 : i32
    %mul3A_1 = arith.constant 244 : i32
    %mul3A_2 = arith.muli %add3A, %mul3A_1 : i32
    %add3A_3 = arith.constant 0 : i32
    %add3A_4 = arith.addi %mul3A_2, %add3A_3 : i32
    %mul3A_5 = arith.constant 128 : i32
    %mul3A_6 = arith.muli %add3A_4, %mul3A_5 : i32
    %dma_start3A = arith.constant 0 : i32
    %dma_start3A_7 = tpu.memref_slice %arg2[%dma_start3A, %mul3A_6] : memref<64x1000000xf32, #tpu.memory_space<hbm>> -> memref<64x128xf32, #tpu.memory_space<hbm>>
    %dma_start3A_8 = arith.constant 0 : i32
    %dma_start3A_9 = tpu.memref_slice %arg2[%dma_start3A_8, %mul3A_6] : memref<64x1000000xf32, #tpu.memory_space<hbm>> -> memref<64x128xf32, #tpu.memory_space<hbm>>
    tpu.enqueue_dma source(%dma_start3A_9 : memref<64x128xf32, #tpu.memory_space<hbm>>) target(%arg5 : memref<64x128xf32, #tpu.memory_space<vmem>>) target_semaphore(%arg13 : memref<!tpu.dma_semaphore, #tpu.memory_space<semaphore_mem>>)
    %add3A_10 = arith.constant 1 : i32
    %add3A_11 = arith.addi %mul3A_2, %add3A_10 : i32
    %mul3A_12 = arith.constant 128 : i32
    %mul3A_13 = arith.muli %add3A_11, %mul3A_12 : i32
    %dma_start3A_14 = arith.constant 0 : i32
    %dma_start3A_15 = tpu.memref_slice %arg2[%dma_start3A_14, %mul3A_13] : memref<64x1000000xf32, #tpu.memory_space<hbm>> -> memref<64x128xf32, #tpu.memory_space<hbm>>
    %dma_start3A_16 = arith.constant 0 : i32
    %dma_start3A_17 = tpu.memref_slice %arg2[%dma_start3A_16, %mul3A_13] : memref<64x1000000xf32, #tpu.memory_space<hbm>> -> memref<64x128xf32, #tpu.memory_space<hbm>>
    tpu.enqueue_dma source(%dma_start3A_17 : memref<64x128xf32, #tpu.memory_space<hbm>>) target(%arg6 : memref<64x128xf32, #tpu.memory_space<vmem>>) target_semaphore(%arg14 : memref<!tpu.dma_semaphore, #tpu.memory_space<semaphore_mem>>)
    %add3A_18 = arith.constant 2 : i32
    %add3A_19 = arith.addi %mul3A_2, %add3A_18 : i32
    %mul3A_20 = arith.constant 128 : i32
    %mul3A_21 = arith.muli %add3A_19, %mul3A_20 : i32
    %dma_start3A_22 = arith.constant 0 : i32
    %dma_start3A_23 = tpu.memref_slice %arg2[%dma_start3A_22, %mul3A_21] : memref<64x1000000xf32, #tpu.memory_space<hbm>> -> memref<64x128xf32, #tpu.memory_space<hbm>>
    %dma_start3A_24 = arith.constant 0 : i32
    %dma_start3A_25 = tpu.memref_slice %arg2[%dma_start3A_24, %mul3A_21] : memref<64x1000000xf32, #tpu.memory_space<hbm>> -> memref<64x128xf32, #tpu.memory_space<hbm>>
    tpu.enqueue_dma source(%dma_start3A_25 : memref<64x128xf32, #tpu.memory_space<hbm>>) target(%arg7 : memref<64x128xf32, #tpu.memory_space<vmem>>) target_semaphore(%arg15 : memref<!tpu.dma_semaphore, #tpu.memory_space<semaphore_mem>>)
    %add3A_26 = arith.constant 3 : i32
    %add3A_27 = arith.addi %mul3A_2, %add3A_26 : i32
    %mul3A_28 = arith.constant 128 : i32
    %mul3A_29 = arith.muli %add3A_27, %mul3A_28 : i32
    %dma_start3A_30 = arith.constant 0 : i32
    %dma_start3A_31 = tpu.memref_slice %arg2[%dma_start3A_30, %mul3A_29] : memref<64x1000000xf32, #tpu.memory_space<hbm>> -> memref<64x128xf32, #tpu.memory_space<hbm>>
    %dma_start3A_32 = arith.constant 0 : i32
    %dma_start3A_33 = tpu.memref_slice %arg2[%dma_start3A_32, %mul3A_29] : memref<64x1000000xf32, #tpu.memory_space<hbm>> -> memref<64x128xf32, #tpu.memory_space<hbm>>
    tpu.enqueue_dma source(%dma_start3A_33 : memref<64x128xf32, #tpu.memory_space<hbm>>) target(%arg8 : memref<64x128xf32, #tpu.memory_space<vmem>>) target_semaphore(%arg16 : memref<!tpu.dma_semaphore, #tpu.memory_space<semaphore_mem>>)
    %scan3A = arith.constant 0 : i32
    %scan3A_34 = arith.constant 0 : i32
    %scan3A_35 = arith.constant 61 : i32
    %scan3A_36 = arith.addi %scan3A_34, %scan3A_35 : i32
    %scan3A_37 = arith.constant 1 : i32
    scf.for %scan3A_92 = %scan3A_34 to %scan3A_36 step %scan3A_37  : i32 {
      %mul3A_93 = arith.constant 4 : i32
      %mul3A_94 = arith.muli %scan3A_92, %mul3A_93 : i32
      %add3A_95 = arith.constant 0 : i32
      %add3A_96 = arith.addi %mul3A_94, %add3A_95 : i32
      %add3A_97 = arith.addi %mul3A_2, %add3A_96 : i32
      %mul3A_98 = arith.constant 128 : i32
      %mul3A_99 = arith.muli %add3A_97, %mul3A_98 : i32
      %dma_wait3A_100 = arith.constant 0 : i32
      %dma_wait3A_101 = tpu.memref_slice %arg2[%dma_wait3A_100, %mul3A_99] : memref<64x1000000xf32, #tpu.memory_space<hbm>> -> memref<64x128xf32, #tpu.memory_space<hbm>>
      %dma_wait3A_102 = arith.constant 0 : i32
      %dma_wait3A_103 = tpu.memref_slice %arg2[%dma_wait3A_102, %mul3A_99] : memref<64x1000000xf32, #tpu.memory_space<hbm>> -> memref<64x128xf32, #tpu.memory_space<hbm>>
      tpu.wait_dma2 semaphore(%arg13 : memref<!tpu.dma_semaphore, #tpu.memory_space<semaphore_mem>>) src(%dma_wait3A_103 : memref<64x128xf32, #tpu.memory_space<hbm>>) dst(%arg5 : memref<64x128xf32, #tpu.memory_space<vmem>>)
      %gt3A = arith.constant 0 : i32
      %gt3A_104 = arith.cmpi sgt, %scan3A_92, %gt3A : i32
      %convert_element_type3A_105 = arith.extui %gt3A_104 : i1 to i32
      %cond3A_106 = arith.constant 0 : i32
      %cond3A_107 = arith.cmpi ne, %convert_element_type3A_105, %cond3A_106 : i32
      scf.if %cond3A_107 {
        %mul3A_1426 = arith.constant 64 : i32
        %mul3A_1427 = arith.muli %add3A_97, %mul3A_1426 : i32
        %dma_wait3A_1428 = arith.constant 0 : i32
        %dma_wait3A_1429 = arith.constant 0 : i32
        %dma_wait3A_1430 = tpu.memref_slice %arg9[%dma_wait3A_1428, %dma_wait3A_1429] : memref<64x129xf32, #tpu.memory_space<vmem>> -> memref<64x128xf32, #tpu.memory_space<vmem>>
        %dma_wait3A_1431 = arith.constant 0 : i32
        %dma_wait3A_1432 = tpu.memref_slice %arg4[%mul3A_1427, %dma_wait3A_1431] : memref<500000x128xf32, #tpu.memory_space<hbm>> -> memref<64x128xf32, #tpu.memory_space<hbm>>
        %dma_wait3A_1433 = arith.constant 0 : i32
        %dma_wait3A_1434 = tpu.memref_slice %arg4[%mul3A_1427, %dma_wait3A_1433] : memref<500000x128xf32, #tpu.memory_space<hbm>> -> memref<64x128xf32, #tpu.memory_space<hbm>>
        %dma_wait3A_1435 = arith.constant 0 : i32
        %dma_wait3A_1436 = arith.constant 0 : i32
        %dma_wait3A_1437 = tpu.memref_slice %arg9[%dma_wait3A_1435, %dma_wait3A_1436] : memref<64x129xf32, #tpu.memory_space<vmem>> -> memref<64x128xf32, #tpu.memory_space<vmem>>
        tpu.wait_dma2 semaphore(%arg17 : memref<!tpu.dma_semaphore, #tpu.memory_space<semaphore_mem>>) src(%dma_wait3A_1437 : memref<64x128xf32, #tpu.memory_space<vmem>>) dst(%dma_wait3A_1434 : memref<64x128xf32, #tpu.memory_space<hbm>>)
      } else {
      }
      %iota3A = tpu.iota {dimensions = array<i32: 0>} : vector<16xi32>
      %jit3A = arith.constant 2 : i32
      %div3A = vector.broadcast %jit3A : i32 to vector<16xi32>
      %div3A_108 = arith.divsi %iota3A, %div3A : vector<16xi32>
      %sign3A = arith.constant 0 : i32
      %sign3A_109 = vector.broadcast %sign3A : i32 to vector<16xi32>
      %sign3A_110 = arith.cmpi sgt, %iota3A, %sign3A_109 : vector<16xi32>
      %sign3A_111 = arith.extui %sign3A_110 : vector<16xi1> to vector<16xi32>
      %sign3A_112 = arith.constant 0 : i32
      %sign3A_113 = vector.broadcast %sign3A_112 : i32 to vector<16xi32>
      %sign3A_114 = arith.cmpi slt, %iota3A, %sign3A_113 : vector<16xi32>
      %sign3A_115 = arith.extui %sign3A_114 : vector<16xi1> to vector<16xi32>
      %sign3A_116 = arith.subi %sign3A_111, %sign3A_115 : vector<16xi32>
      %sign3A_117 = arith.constant 0 : i32
      %sign3A_118 = arith.cmpi sgt, %jit3A, %sign3A_117 : i32
      %sign3A_119 = arith.extui %sign3A_118 : i1 to i32
      %sign3A_120 = arith.constant 0 : i32
      %sign3A_121 = arith.cmpi slt, %jit3A, %sign3A_120 : i32
      %sign3A_122 = arith.extui %sign3A_121 : i1 to i32
      %sign3A_123 = arith.subi %sign3A_119, %sign3A_122 : i32
      %ne3A = vector.broadcast %sign3A_123 : i32 to vector<16xi32>
      %ne3A_124 = arith.cmpi ne, %sign3A_116, %ne3A : vector<16xi32>
      %rem3A = vector.broadcast %jit3A : i32 to vector<16xi32>
      %rem3A_125 = arith.remsi %iota3A, %rem3A : vector<16xi32>
      %ne3A_126 = arith.constant 0 : i32
      %ne3A_127 = vector.broadcast %ne3A_126 : i32 to vector<16xi32>
      %ne3A_128 = arith.cmpi ne, %rem3A_125, %ne3A_127 : vector<16xi32>
      %and3A = arith.andi %ne3A_124, %ne3A_128 : vector<16xi1>
      %sub3A = arith.constant 1 : i32
      %sub3A_129 = vector.broadcast %sub3A : i32 to vector<16xi32>
      %sub3A_130 = arith.subi %div3A_108, %sub3A_129 : vector<16xi32>
      %select_n3A = arith.select %and3A, %sub3A_130, %div3A_108 : vector<16xi1>, vector<16xi32>
      %add3A_131 = arith.constant 0 : i32
      %add3A_132 = vector.broadcast %add3A_131 : i32 to vector<16xi32>
      %add3A_133 = arith.addi %select_n3A, %add3A_132 : vector<16xi32>
      %jit3A_134 = arith.constant 2 : i32
      %div3A_135 = vector.broadcast %jit3A_134 : i32 to vector<16xi32>
      %div3A_136 = arith.divsi %iota3A, %div3A_135 : vector<16xi32>
      %sign3A_137 = arith.constant 0 : i32
      %sign3A_138 = vector.broadcast %sign3A_137 : i32 to vector<16xi32>
      %sign3A_139 = arith.cmpi sgt, %iota3A, %sign3A_138 : vector<16xi32>
      %sign3A_140 = arith.extui %sign3A_139 : vector<16xi1> to vector<16xi32>
      %sign3A_141 = arith.constant 0 : i32
      %sign3A_142 = vector.broadcast %sign3A_141 : i32 to vector<16xi32>
      %sign3A_143 = arith.cmpi slt, %iota3A, %sign3A_142 : vector<16xi32>
      %sign3A_144 = arith.extui %sign3A_143 : vector<16xi1> to vector<16xi32>
      %sign3A_145 = arith.subi %sign3A_140, %sign3A_144 : vector<16xi32>
      %sign3A_146 = arith.constant 0 : i32
      %sign3A_147 = arith.cmpi sgt, %jit3A_134, %sign3A_146 : i32
      %sign3A_148 = arith.extui %sign3A_147 : i1 to i32
      %sign3A_149 = arith.constant 0 : i32
      %sign3A_150 = arith.cmpi slt, %jit3A_134, %sign3A_149 : i32
      %sign3A_151 = arith.extui %sign3A_150 : i1 to i32
      %sign3A_152 = arith.subi %sign3A_148, %sign3A_151 : i32
      %ne3A_153 = vector.broadcast %sign3A_152 : i32 to vector<16xi32>
      %ne3A_154 = arith.cmpi ne, %sign3A_145, %ne3A_153 : vector<16xi32>
      %rem3A_155 = vector.broadcast %jit3A_134 : i32 to vector<16xi32>
      %rem3A_156 = arith.remsi %iota3A, %rem3A_155 : vector<16xi32>
      %ne3A_157 = arith.constant 0 : i32
      %ne3A_158 = vector.broadcast %ne3A_157 : i32 to vector<16xi32>
      %ne3A_159 = arith.cmpi ne, %rem3A_156, %ne3A_158 : vector<16xi32>
      %and3A_160 = arith.andi %ne3A_154, %ne3A_159 : vector<16xi1>
      %sub3A_161 = arith.constant 1 : i32
      %sub3A_162 = vector.broadcast %sub3A_161 : i32 to vector<16xi32>
      %sub3A_163 = arith.subi %div3A_136, %sub3A_162 : vector<16xi32>
      %select_n3A_164 = arith.select %and3A_160, %sub3A_163, %div3A_136 : vector<16xi1>, vector<16xi32>
      %add3A_165 = arith.constant 8 : i32
      %add3A_166 = vector.broadcast %add3A_165 : i32 to vector<16xi32>
      %add3A_167 = arith.addi %select_n3A_164, %add3A_166 : vector<16xi32>
      %jit3A_168 = arith.constant 2 : i32
      %div3A_169 = vector.broadcast %jit3A_168 : i32 to vector<16xi32>
      %div3A_170 = arith.divsi %iota3A, %div3A_169 : vector<16xi32>
      %sign3A_171 = arith.constant 0 : i32
      %sign3A_172 = vector.broadcast %sign3A_171 : i32 to vector<16xi32>
      %sign3A_173 = arith.cmpi sgt, %iota3A, %sign3A_172 : vector<16xi32>
      %sign3A_174 = arith.extui %sign3A_173 : vector<16xi1> to vector<16xi32>
      %sign3A_175 = arith.constant 0 : i32
      %sign3A_176 = vector.broadcast %sign3A_175 : i32 to vector<16xi32>
      %sign3A_177 = arith.cmpi slt, %iota3A, %sign3A_176 : vector<16xi32>
      %sign3A_178 = arith.extui %sign3A_177 : vector<16xi1> to vector<16xi32>
      %sign3A_179 = arith.subi %sign3A_174, %sign3A_178 : vector<16xi32>
      %sign3A_180 = arith.constant 0 : i32
      %sign3A_181 = arith.cmpi sgt, %jit3A_168, %sign3A_180 : i32
      %sign3A_182 = arith.extui %sign3A_181 : i1 to i32
      %sign3A_183 = arith.constant 0 : i32
      %sign3A_184 = arith.cmpi slt, %jit3A_168, %sign3A_183 : i32
      %sign3A_185 = arith.extui %sign3A_184 : i1 to i32
      %sign3A_186 = arith.subi %sign3A_182, %sign3A_185 : i32
      %ne3A_187 = vector.broadcast %sign3A_186 : i32 to vector<16xi32>
      %ne3A_188 = arith.cmpi ne, %sign3A_179, %ne3A_187 : vector<16xi32>
      %rem3A_189 = vector.broadcast %jit3A_168 : i32 to vector<16xi32>
      %rem3A_190 = arith.remsi %iota3A, %rem3A_189 : vector<16xi32>
      %ne3A_191 = arith.constant 0 : i32
      %ne3A_192 = vector.broadcast %ne3A_191 : i32 to vector<16xi32>
      %ne3A_193 = arith.cmpi ne, %rem3A_190, %ne3A_192 : vector<16xi32>
      %and3A_194 = arith.andi %ne3A_188, %ne3A_193 : vector<16xi1>
      %sub3A_195 = arith.constant 1 : i32
      %sub3A_196 = vector.broadcast %sub3A_195 : i32 to vector<16xi32>
      %sub3A_197 = arith.subi %div3A_170, %sub3A_196 : vector<16xi32>
      %select_n3A_198 = arith.select %and3A_194, %sub3A_197, %div3A_170 : vector<16xi1>, vector<16xi32>
      %add3A_199 = arith.constant 16 : i32
      %add3A_200 = vector.broadcast %add3A_199 : i32 to vector<16xi32>
      %add3A_201 = arith.addi %select_n3A_198, %add3A_200 : vector<16xi32>
      %jit3A_202 = arith.constant 2 : i32
      %div3A_203 = vector.broadcast %jit3A_202 : i32 to vector<16xi32>
      %div3A_204 = arith.divsi %iota3A, %div3A_203 : vector<16xi32>
      %sign3A_205 = arith.constant 0 : i32
      %sign3A_206 = vector.broadcast %sign3A_205 : i32 to vector<16xi32>
      %sign3A_207 = arith.cmpi sgt, %iota3A, %sign3A_206 : vector<16xi32>
      %sign3A_208 = arith.extui %sign3A_207 : vector<16xi1> to vector<16xi32>
      %sign3A_209 = arith.constant 0 : i32
      %sign3A_210 = vector.broadcast %sign3A_209 : i32 to vector<16xi32>
      %sign3A_211 = arith.cmpi slt, %iota3A, %sign3A_210 : vector<16xi32>
      %sign3A_212 = arith.extui %sign3A_211 : vector<16xi1> to vector<16xi32>
      %sign3A_213 = arith.subi %sign3A_208, %sign3A_212 : vector<16xi32>
      %sign3A_214 = arith.constant 0 : i32
      %sign3A_215 = arith.cmpi sgt, %jit3A_202, %sign3A_214 : i32
      %sign3A_216 = arith.extui %sign3A_215 : i1 to i32
      %sign3A_217 = arith.constant 0 : i32
      %sign3A_218 = arith.cmpi slt, %jit3A_202, %sign3A_217 : i32
      %sign3A_219 = arith.extui %sign3A_218 : i1 to i32
      %sign3A_220 = arith.subi %sign3A_216, %sign3A_219 : i32
      %ne3A_221 = vector.broadcast %sign3A_220 : i32 to vector<16xi32>
      %ne3A_222 = arith.cmpi ne, %sign3A_213, %ne3A_221 : vector<16xi32>
      %rem3A_223 = vector.broadcast %jit3A_202 : i32 to vector<16xi32>
      %rem3A_224 = arith.remsi %iota3A, %rem3A_223 : vector<16xi32>
      %ne3A_225 = arith.constant 0 : i32
      %ne3A_226 = vector.broadcast %ne3A_225 : i32 to vector<16xi32>
      %ne3A_227 = arith.cmpi ne, %rem3A_224, %ne3A_226 : vector<16xi32>
      %and3A_228 = arith.andi %ne3A_222, %ne3A_227 : vector<16xi1>
      %sub3A_229 = arith.constant 1 : i32
      %sub3A_230 = vector.broadcast %sub3A_229 : i32 to vector<16xi32>
      %sub3A_231 = arith.subi %div3A_204, %sub3A_230 : vector<16xi32>
      %select_n3A_232 = arith.select %and3A_228, %sub3A_231, %div3A_204 : vector<16xi1>, vector<16xi32>
      %add3A_233 = arith.constant 24 : i32
      %add3A_234 = vector.broadcast %add3A_233 : i32 to vector<16xi32>
      %add3A_235 = arith.addi %select_n3A_232, %add3A_234 : vector<16xi32>
      %jit3A_236 = arith.constant 2 : i32
      %div3A_237 = vector.broadcast %jit3A_236 : i32 to vector<16xi32>
      %div3A_238 = arith.divsi %iota3A, %div3A_237 : vector<16xi32>
      %sign3A_239 = arith.constant 0 : i32
      %sign3A_240 = vector.broadcast %sign3A_239 : i32 to vector<16xi32>
      %sign3A_241 = arith.cmpi sgt, %iota3A, %sign3A_240 : vector<16xi32>
      %sign3A_242 = arith.extui %sign3A_241 : vector<16xi1> to vector<16xi32>
      %sign3A_243 = arith.constant 0 : i32
      %sign3A_244 = vector.broadcast %sign3A_243 : i32 to vector<16xi32>
      %sign3A_245 = arith.cmpi slt, %iota3A, %sign3A_244 : vector<16xi32>
      %sign3A_246 = arith.extui %sign3A_245 : vector<16xi1> to vector<16xi32>
      %sign3A_247 = arith.subi %sign3A_242, %sign3A_246 : vector<16xi32>
      %sign3A_248 = arith.constant 0 : i32
      %sign3A_249 = arith.cmpi sgt, %jit3A_236, %sign3A_248 : i32
      %sign3A_250 = arith.extui %sign3A_249 : i1 to i32
      %sign3A_251 = arith.constant 0 : i32
      %sign3A_252 = arith.cmpi slt, %jit3A_236, %sign3A_251 : i32
      %sign3A_253 = arith.extui %sign3A_252 : i1 to i32
      %sign3A_254 = arith.subi %sign3A_250, %sign3A_253 : i32
      %ne3A_255 = vector.broadcast %sign3A_254 : i32 to vector<16xi32>
      %ne3A_256 = arith.cmpi ne, %sign3A_247, %ne3A_255 : vector<16xi32>
      %rem3A_257 = vector.broadcast %jit3A_236 : i32 to vector<16xi32>
      %rem3A_258 = arith.remsi %iota3A, %rem3A_257 : vector<16xi32>
      %ne3A_259 = arith.constant 0 : i32
      %ne3A_260 = vector.broadcast %ne3A_259 : i32 to vector<16xi32>
      %ne3A_261 = arith.cmpi ne, %rem3A_258, %ne3A_260 : vector<16xi32>
      %and3A_262 = arith.andi %ne3A_256, %ne3A_261 : vector<16xi1>
      %sub3A_263 = arith.constant 1 : i32
      %sub3A_264 = vector.broadcast %sub3A_263 : i32 to vector<16xi32>
      %sub3A_265 = arith.subi %div3A_238, %sub3A_264 : vector<16xi32>
      %select_n3A_266 = arith.select %and3A_262, %sub3A_265, %div3A_238 : vector<16xi1>, vector<16xi32>
      %add3A_267 = arith.constant 32 : i32
      %add3A_268 = vector.broadcast %add3A_267 : i32 to vector<16xi32>
      %add3A_269 = arith.addi %select_n3A_266, %add3A_268 : vector<16xi32>
      %jit3A_270 = arith.constant 2 : i32
      %div3A_271 = vector.broadcast %jit3A_270 : i32 to vector<16xi32>
      %div3A_272 = arith.divsi %iota3A, %div3A_271 : vector<16xi32>
      %sign3A_273 = arith.constant 0 : i32
      %sign3A_274 = vector.broadcast %sign3A_273 : i32 to vector<16xi32>
      %sign3A_275 = arith.cmpi sgt, %iota3A, %sign3A_274 : vector<16xi32>
      %sign3A_276 = arith.extui %sign3A_275 : vector<16xi1> to vector<16xi32>
      %sign3A_277 = arith.constant 0 : i32
      %sign3A_278 = vector.broadcast %sign3A_277 : i32 to vector<16xi32>
      %sign3A_279 = arith.cmpi slt, %iota3A, %sign3A_278 : vector<16xi32>
      %sign3A_280 = arith.extui %sign3A_279 : vector<16xi1> to vector<16xi32>
      %sign3A_281 = arith.subi %sign3A_276, %sign3A_280 : vector<16xi32>
      %sign3A_282 = arith.constant 0 : i32
      %sign3A_283 = arith.cmpi sgt, %jit3A_270, %sign3A_282 : i32
      %sign3A_284 = arith.extui %sign3A_283 : i1 to i32
      %sign3A_285 = arith.constant 0 : i32
      %sign3A_286 = arith.cmpi slt, %jit3A_270, %sign3A_285 : i32
      %sign3A_287 = arith.extui %sign3A_286 : i1 to i32
      %sign3A_288 = arith.subi %sign3A_284, %sign3A_287 : i32
      %ne3A_289 = vector.broadcast %sign3A_288 : i32 to vector<16xi32>
      %ne3A_290 = arith.cmpi ne, %sign3A_281, %ne3A_289 : vector<16xi32>
      %rem3A_291 = vector.broadcast %jit3A_270 : i32 to vector<16xi32>
      %rem3A_292 = arith.remsi %iota3A, %rem3A_291 : vector<16xi32>
      %ne3A_293 = arith.constant 0 : i32
      %ne3A_294 = vector.broadcast %ne3A_293 : i32 to vector<16xi32>
      %ne3A_295 = arith.cmpi ne, %rem3A_292, %ne3A_294 : vector<16xi32>
      %and3A_296 = arith.andi %ne3A_290, %ne3A_295 : vector<16xi1>
      %sub3A_297 = arith.constant 1 : i32
      %sub3A_298 = vector.broadcast %sub3A_297 : i32 to vector<16xi32>
      %sub3A_299 = arith.subi %div3A_272, %sub3A_298 : vector<16xi32>
      %select_n3A_300 = arith.select %and3A_296, %sub3A_299, %div3A_272 : vector<16xi1>, vector<16xi32>
      %add3A_301 = arith.constant 40 : i32
      %add3A_302 = vector.broadcast %add3A_301 : i32 to vector<16xi32>
      %add3A_303 = arith.addi %select_n3A_300, %add3A_302 : vector<16xi32>
      %jit3A_304 = arith.constant 2 : i32
      %div3A_305 = vector.broadcast %jit3A_304 : i32 to vector<16xi32>
      %div3A_306 = arith.divsi %iota3A, %div3A_305 : vector<16xi32>
      %sign3A_307 = arith.constant 0 : i32
      %sign3A_308 = vector.broadcast %sign3A_307 : i32 to vector<16xi32>
      %sign3A_309 = arith.cmpi sgt, %iota3A, %sign3A_308 : vector<16xi32>
      %sign3A_310 = arith.extui %sign3A_309 : vector<16xi1> to vector<16xi32>
      %sign3A_311 = arith.constant 0 : i32
      %sign3A_312 = vector.broadcast %sign3A_311 : i32 to vector<16xi32>
      %sign3A_313 = arith.cmpi slt, %iota3A, %sign3A_312 : vector<16xi32>
      %sign3A_314 = arith.extui %sign3A_313 : vector<16xi1> to vector<16xi32>
      %sign3A_315 = arith.subi %sign3A_310, %sign3A_314 : vector<16xi32>
      %sign3A_316 = arith.constant 0 : i32
      %sign3A_317 = arith.cmpi sgt, %jit3A_304, %sign3A_316 : i32
      %sign3A_318 = arith.extui %sign3A_317 : i1 to i32
      %sign3A_319 = arith.constant 0 : i32
      %sign3A_320 = arith.cmpi slt, %jit3A_304, %sign3A_319 : i32
      %sign3A_321 = arith.extui %sign3A_320 : i1 to i32
      %sign3A_322 = arith.subi %sign3A_318, %sign3A_321 : i32
      %ne3A_323 = vector.broadcast %sign3A_322 : i32 to vector<16xi32>
      %ne3A_324 = arith.cmpi ne, %sign3A_315, %ne3A_323 : vector<16xi32>
      %rem3A_325 = vector.broadcast %jit3A_304 : i32 to vector<16xi32>
      %rem3A_326 = arith.remsi %iota3A, %rem3A_325 : vector<16xi32>
      %ne3A_327 = arith.constant 0 : i32
      %ne3A_328 = vector.broadcast %ne3A_327 : i32 to vector<16xi32>
      %ne3A_329 = arith.cmpi ne, %rem3A_326, %ne3A_328 : vector<16xi32>
      %and3A_330 = arith.andi %ne3A_324, %ne3A_329 : vector<16xi1>
      %sub3A_331 = arith.constant 1 : i32
      %sub3A_332 = vector.broadcast %sub3A_331 : i32 to vector<16xi32>
      %sub3A_333 = arith.subi %div3A_306, %sub3A_332 : vector<16xi32>
      %select_n3A_334 = arith.select %and3A_330, %sub3A_333, %div3A_306 : vector<16xi1>, vector<16xi32>
      %add3A_335 = arith.constant 48 : i32
      %add3A_336 = vector.broadcast %add3A_335 : i32 to vector<16xi32>
      %add3A_337 = arith.addi %select_n3A_334, %add3A_336 : vector<16xi32>
      %jit3A_338 = arith.constant 2 : i32
      %div3A_339 = vector.broadcast %jit3A_338 : i32 to vector<16xi32>
      %div3A_340 = arith.divsi %iota3A, %div3A_339 : vector<16xi32>
      %sign3A_341 = arith.constant 0 : i32
      %sign3A_342 = vector.broadcast %sign3A_341 : i32 to vector<16xi32>
      %sign3A_343 = arith.cmpi sgt, %iota3A, %sign3A_342 : vector<16xi32>
      %sign3A_344 = arith.extui %sign3A_343 : vector<16xi1> to vector<16xi32>
      %sign3A_345 = arith.constant 0 : i32
      %sign3A_346 = vector.broadcast %sign3A_345 : i32 to vector<16xi32>
      %sign3A_347 = arith.cmpi slt, %iota3A, %sign3A_346 : vector<16xi32>
      %sign3A_348 = arith.extui %sign3A_347 : vector<16xi1> to vector<16xi32>
      %sign3A_349 = arith.subi %sign3A_344, %sign3A_348 : vector<16xi32>
      %sign3A_350 = arith.constant 0 : i32
      %sign3A_351 = arith.cmpi sgt, %jit3A_338, %sign3A_350 : i32
      %sign3A_352 = arith.extui %sign3A_351 : i1 to i32
      %sign3A_353 = arith.constant 0 : i32
      %sign3A_354 = arith.cmpi slt, %jit3A_338, %sign3A_353 : i32
      %sign3A_355 = arith.extui %sign3A_354 : i1 to i32
      %sign3A_356 = arith.subi %sign3A_352, %sign3A_355 : i32
      %ne3A_357 = vector.broadcast %sign3A_356 : i32 to vector<16xi32>
      %ne3A_358 = arith.cmpi ne, %sign3A_349, %ne3A_357 : vector<16xi32>
      %rem3A_359 = vector.broadcast %jit3A_338 : i32 to vector<16xi32>
      %rem3A_360 = arith.remsi %iota3A, %rem3A_359 : vector<16xi32>
      %ne3A_361 = arith.constant 0 : i32
      %ne3A_362 = vector.broadcast %ne3A_361 : i32 to vector<16xi32>
      %ne3A_363 = arith.cmpi ne, %rem3A_360, %ne3A_362 : vector<16xi32>
      %and3A_364 = arith.andi %ne3A_358, %ne3A_363 : vector<16xi1>
      %sub3A_365 = arith.constant 1 : i32
      %sub3A_366 = vector.broadcast %sub3A_365 : i32 to vector<16xi32>
      %sub3A_367 = arith.subi %div3A_340, %sub3A_366 : vector<16xi32>
      %select_n3A_368 = arith.select %and3A_364, %sub3A_367, %div3A_340 : vector<16xi1>, vector<16xi32>
      %add3A_369 = arith.constant 56 : i32
      %add3A_370 = vector.broadcast %add3A_369 : i32 to vector<16xi32>
      %add3A_371 = arith.addi %select_n3A_368, %add3A_370 : vector<16xi32>
      %jit3A_372 = arith.constant 2 : i32
      %eq3A_373 = arith.constant 0 : i32
      %eq3A_374 = arith.cmpi eq, %jit3A_372, %eq3A_373 : i32
      %jit3A_375 = arith.constant 1 : i32
      %select_n3A_376 = arith.select %eq3A_374, %jit3A_375, %jit3A_372 : i32
      %rem3A_377 = vector.broadcast %select_n3A_376 : i32 to vector<16xi32>
      %rem3A_378 = arith.remsi %iota3A, %rem3A_377 : vector<16xi32>
      %ne3A_379 = arith.constant 0 : i32
      %ne3A_380 = vector.broadcast %ne3A_379 : i32 to vector<16xi32>
      %ne3A_381 = arith.cmpi ne, %rem3A_378, %ne3A_380 : vector<16xi32>
      %lt3A_382 = arith.constant 0 : i32
      %lt3A_383 = vector.broadcast %lt3A_382 : i32 to vector<16xi32>
      %lt3A_384 = arith.cmpi slt, %rem3A_378, %lt3A_383 : vector<16xi32>
      %lt3A_385 = arith.constant 0 : i32
      %lt3A_386 = arith.cmpi slt, %select_n3A_376, %lt3A_385 : i32
      %ne3A_387 = vector.broadcast %lt3A_386 : i1 to vector<16xi1>
      %ne3A_388 = vector.broadcast %ne3A_387 : vector<16xi1> to vector<16xi1>
      %ne3A_389 = arith.xori %lt3A_384, %ne3A_388 : vector<16xi1>
      %and3A_390 = arith.andi %ne3A_389, %ne3A_381 : vector<16xi1>
      %add3A_391 = vector.broadcast %select_n3A_376 : i32 to vector<16xi32>
      %add3A_392 = arith.addi %rem3A_378, %add3A_391 : vector<16xi32>
      %select_n3A_393 = arith.select %and3A_390, %add3A_392, %rem3A_378 : vector<16xi1>, vector<16xi32>
      %mul3A_394 = arith.constant 64 : i32
      %mul3A_395 = vector.broadcast %mul3A_394 : i32 to vector<16xi32>
      %mul3A_396 = arith.muli %select_n3A_393, %mul3A_395 : vector<16xi32>
      %parallel_loop3A = arith.constant 0 : i32
      %parallel_loop3A_397 = arith.constant 64 : i32
      %parallel_loop3A_398 = arith.constant 1 : i32
      scf.for %parallel_loop3A_1426 = %parallel_loop3A to %parallel_loop3A_397 step %parallel_loop3A_398  : i32 {
        %parallel_loop3A_1427 = vector.broadcast %parallel_loop3A_1426 : i32 to vector<16xi32>
        %parallel_loop3A_1428 = arith.addi %mul3A_396, %parallel_loop3A_1427 : vector<16xi32>
        %parallel_loop3A_1429 = arith.index_cast %parallel_loop3A_1426 : i32 to index
        %parallel_loop3A_1430 = arith.constant 0 : index
        %parallel_loop3A_1431 = tpu.vector_load %arg5[%parallel_loop3A_1429, %parallel_loop3A_1430] {strides = array<i32>} : memref<64x128xf32, #tpu.memory_space<vmem>>, vector<16xf32>,
        tpu.vector_store_idx %arg9[%add3A_133, %parallel_loop3A_1428], %parallel_loop3A_1431 : memref<64x129xf32, #tpu.memory_space<vmem>>[vector<16xi32>, vector<16xi32>], vector<16xf32>,
        %parallel_loop3A_1432 = arith.index_cast %parallel_loop3A_1426 : i32 to index
        %parallel_loop3A_1433 = arith.constant 16 : index
        %parallel_loop3A_1434 = tpu.vector_load %arg5[%parallel_loop3A_1432, %parallel_loop3A_1433] {strides = array<i32>} : memref<64x128xf32, #tpu.memory_space<vmem>>, vector<16xf32>,
        tpu.vector_store_idx %arg9[%add3A_167, %parallel_loop3A_1428], %parallel_loop3A_1434 : memref<64x129xf32, #tpu.memory_space<vmem>>[vector<16xi32>, vector<16xi32>], vector<16xf32>,
        %parallel_loop3A_1435 = arith.index_cast %parallel_loop3A_1426 : i32 to index
        %parallel_loop3A_1436 = arith.constant 32 : index
        %parallel_loop3A_1437 = tpu.vector_load %arg5[%parallel_loop3A_1435, %parallel_loop3A_1436] {strides = array<i32>} : memref<64x128xf32, #tpu.memory_space<vmem>>, vector<16xf32>,
        tpu.vector_store_idx %arg9[%add3A_201, %parallel_loop3A_1428], %parallel_loop3A_1437 : memref<64x129xf32, #tpu.memory_space<vmem>>[vector<16xi32>, vector<16xi32>], vector<16xf32>,
        %parallel_loop3A_1438 = arith.index_cast %parallel_loop3A_1426 : i32 to index
        %parallel_loop3A_1439 = arith.constant 48 : index
        %parallel_loop3A_1440 = tpu.vector_load %arg5[%parallel_loop3A_1438, %parallel_loop3A_1439] {strides = array<i32>} : memref<64x128xf32, #tpu.memory_space<vmem>>, vector<16xf32>,
        tpu.vector_store_idx %arg9[%add3A_235, %parallel_loop3A_1428], %parallel_loop3A_1440 : memref<64x129xf32, #tpu.memory_space<vmem>>[vector<16xi32>, vector<16xi32>], vector<16xf32>,
        %parallel_loop3A_1441 = arith.index_cast %parallel_loop3A_1426 : i32 to index
        %parallel_loop3A_1442 = arith.constant 64 : index
        %parallel_loop3A_1443 = tpu.vector_load %arg5[%parallel_loop3A_1441, %parallel_loop3A_1442] {strides = array<i32>} : memref<64x128xf32, #tpu.memory_space<vmem>>, vector<16xf32>,
        tpu.vector_store_idx %arg9[%add3A_269, %parallel_loop3A_1428], %parallel_loop3A_1443 : memref<64x129xf32, #tpu.memory_space<vmem>>[vector<16xi32>, vector<16xi32>], vector<16xf32>,
        %parallel_loop3A_1444 = arith.index_cast %parallel_loop3A_1426 : i32 to index
        %parallel_loop3A_1445 = arith.constant 80 : index
        %parallel_loop3A_1446 = tpu.vector_load %arg5[%parallel_loop3A_1444, %parallel_loop3A_1445] {strides = array<i32>} : memref<64x128xf32, #tpu.memory_space<vmem>>, vector<16xf32>,
        tpu.vector_store_idx %arg9[%add3A_303, %parallel_loop3A_1428], %parallel_loop3A_1446 : memref<64x129xf32, #tpu.memory_space<vmem>>[vector<16xi32>, vector<16xi32>], vector<16xf32>,
        %parallel_loop3A_1447 = arith.index_cast %parallel_loop3A_1426 : i32 to index
        %parallel_loop3A_1448 = arith.constant 96 : index
        %parallel_loop3A_1449 = tpu.vector_load %arg5[%parallel_loop3A_1447, %parallel_loop3A_1448] {strides = array<i32>} : memref<64x128xf32, #tpu.memory_space<vmem>>, vector<16xf32>,
        tpu.vector_store_idx %arg9[%add3A_337, %parallel_loop3A_1428], %parallel_loop3A_1449 : memref<64x129xf32, #tpu.memory_space<vmem>>[vector<16xi32>, vector<16xi32>], vector<16xf32>,
        %parallel_loop3A_1450 = arith.index_cast %parallel_loop3A_1426 : i32 to index
        %parallel_loop3A_1451 = arith.constant 112 : index
        %parallel_loop3A_1452 = tpu.vector_load %arg5[%parallel_loop3A_1450, %parallel_loop3A_1451] {strides = array<i32>} : memref<64x128xf32, #tpu.memory_space<vmem>>, vector<16xf32>,
        tpu.vector_store_idx %arg9[%add3A_371, %parallel_loop3A_1428], %parallel_loop3A_1452 : memref<64x129xf32, #tpu.memory_space<vmem>>[vector<16xi32>, vector<16xi32>], vector<16xf32>,
      } {sc.loop_unroll_factor = 2 : i64, sc.parallel_access}
      %mul3A_399 = arith.constant 64 : i32
      %mul3A_400 = arith.muli %add3A_97, %mul3A_399 : i32
      %dma_start3A_401 = arith.constant 0 : i32
      %dma_start3A_402 = arith.constant 0 : i32
      %dma_start3A_403 = tpu.memref_slice %arg9[%dma_start3A_401, %dma_start3A_402] : memref<64x129xf32, #tpu.memory_space<vmem>> -> memref<64x128xf32, #tpu.memory_space<vmem>>
      %dma_start3A_404 = arith.constant 0 : i32
      %dma_start3A_405 = tpu.memref_slice %arg4[%mul3A_400, %dma_start3A_404] : memref<500000x128xf32, #tpu.memory_space<hbm>> -> memref<64x128xf32, #tpu.memory_space<hbm>>
      %dma_start3A_406 = arith.constant 0 : i32
      %dma_start3A_407 = tpu.memref_slice %arg4[%mul3A_400, %dma_start3A_406] : memref<500000x128xf32, #tpu.memory_space<hbm>> -> memref<64x128xf32, #tpu.memory_space<hbm>>
      %dma_start3A_408 = arith.constant 0 : i32
      %dma_start3A_409 = arith.constant 0 : i32
      %dma_start3A_410 = tpu.memref_slice %arg9[%dma_start3A_408, %dma_start3A_409] : memref<64x129xf32, #tpu.memory_space<vmem>> -> memref<64x128xf32, #tpu.memory_space<vmem>>
      tpu.enqueue_dma source(%dma_start3A_410 : memref<64x128xf32, #tpu.memory_space<vmem>>) target(%dma_start3A_407 : memref<64x128xf32, #tpu.memory_space<hbm>>) target_semaphore(%arg17 : memref<!tpu.dma_semaphore, #tpu.memory_space<semaphore_mem>>)
      %add3A_411 = arith.constant 4 : i32
      %add3A_412 = arith.addi %add3A_96, %add3A_411 : i32
      %lt3A_413 = arith.constant 244 : i32
      %lt3A_414 = arith.cmpi slt, %add3A_412, %lt3A_413 : i32
      %convert_element_type3A_415 = arith.extui %lt3A_414 : i1 to i32
      %cond3A_416 = arith.constant 0 : i32
      %cond3A_417 = arith.cmpi ne, %convert_element_type3A_415, %cond3A_416 : i32
      scf.if %cond3A_417 {
        %add3A_1426 = arith.constant 4 : i32
        %add3A_1427 = arith.addi %add3A_97, %add3A_1426 : i32
        %mul3A_1428 = arith.constant 128 : i32
        %mul3A_1429 = arith.muli %add3A_1427, %mul3A_1428 : i32
        %dma_start3A_1430 = arith.constant 0 : i32
        %dma_start3A_1431 = tpu.memref_slice %arg2[%dma_start3A_1430, %mul3A_1429] : memref<64x1000000xf32, #tpu.memory_space<hbm>> -> memref<64x128xf32, #tpu.memory_space<hbm>>
        %dma_start3A_1432 = arith.constant 0 : i32
        %dma_start3A_1433 = tpu.memref_slice %arg2[%dma_start3A_1432, %mul3A_1429] : memref<64x1000000xf32, #tpu.memory_space<hbm>> -> memref<64x128xf32, #tpu.memory_space<hbm>>
        tpu.enqueue_dma source(%dma_start3A_1433 : memref<64x128xf32, #tpu.memory_space<hbm>>) target(%arg5 : memref<64x128xf32, #tpu.memory_space<vmem>>) target_semaphore(%arg13 : memref<!tpu.dma_semaphore, #tpu.memory_space<semaphore_mem>>)
      } else {
      }
      %mul3A_418 = arith.constant 4 : i32
      %mul3A_419 = arith.muli %scan3A_92, %mul3A_418 : i32
      %add3A_420 = arith.constant 1 : i32
      %add3A_421 = arith.addi %mul3A_419, %add3A_420 : i32
      %add3A_422 = arith.addi %mul3A_2, %add3A_421 : i32
      %mul3A_423 = arith.constant 128 : i32
      %mul3A_424 = arith.muli %add3A_422, %mul3A_423 : i32
      %dma_wait3A_425 = arith.constant 0 : i32
      %dma_wait3A_426 = tpu.memref_slice %arg2[%dma_wait3A_425, %mul3A_424] : memref<64x1000000xf32, #tpu.memory_space<hbm>> -> memref<64x128xf32, #tpu.memory_space<hbm>>
      %dma_wait3A_427 = arith.constant 0 : i32
      %dma_wait3A_428 = tpu.memref_slice %arg2[%dma_wait3A_427, %mul3A_424] : memref<64x1000000xf32, #tpu.memory_space<hbm>> -> memref<64x128xf32, #tpu.memory_space<hbm>>
      tpu.wait_dma2 semaphore(%arg14 : memref<!tpu.dma_semaphore, #tpu.memory_space<semaphore_mem>>) src(%dma_wait3A_428 : memref<64x128xf32, #tpu.memory_space<hbm>>) dst(%arg6 : memref<64x128xf32, #tpu.memory_space<vmem>>)
      %gt3A_429 = arith.constant 0 : i32
      %gt3A_430 = arith.cmpi sgt, %scan3A_92, %gt3A_429 : i32
      %convert_element_type3A_431 = arith.extui %gt3A_430 : i1 to i32
      %cond3A_432 = arith.constant 0 : i32
      %cond3A_433 = arith.cmpi ne, %convert_element_type3A_431, %cond3A_432 : i32
      scf.if %cond3A_433 {
        %mul3A_1426 = arith.constant 64 : i32
        %mul3A_1427 = arith.muli %add3A_422, %mul3A_1426 : i32
        %dma_wait3A_1428 = arith.constant 0 : i32
        %dma_wait3A_1429 = arith.constant 0 : i32
        %dma_wait3A_1430 = tpu.memref_slice %arg10[%dma_wait3A_1428, %dma_wait3A_1429] : memref<64x129xf32, #tpu.memory_space<vmem>> -> memref<64x128xf32, #tpu.memory_space<vmem>>
        %dma_wait3A_1431 = arith.constant 0 : i32
        %dma_wait3A_1432 = tpu.memref_slice %arg4[%mul3A_1427, %dma_wait3A_1431] : memref<500000x128xf32, #tpu.memory_space<hbm>> -> memref<64x128xf32, #tpu.memory_space<hbm>>
        %dma_wait3A_1433 = arith.constant 0 : i32
        %dma_wait3A_1434 = tpu.memref_slice %arg4[%mul3A_1427, %dma_wait3A_1433] : memref<500000x128xf32, #tpu.memory_space<hbm>> -> memref<64x128xf32, #tpu.memory_space<hbm>>
        %dma_wait3A_1435 = arith.constant 0 : i32
        %dma_wait3A_1436 = arith.constant 0 : i32
        %dma_wait3A_1437 = tpu.memref_slice %arg10[%dma_wait3A_1435, %dma_wait3A_1436] : memref<64x129xf32, #tpu.memory_space<vmem>> -> memref<64x128xf32, #tpu.memory_space<vmem>>
        tpu.wait_dma2 semaphore(%arg18 : memref<!tpu.dma_semaphore, #tpu.memory_space<semaphore_mem>>) src(%dma_wait3A_1437 : memref<64x128xf32, #tpu.memory_space<vmem>>) dst(%dma_wait3A_1434 : memref<64x128xf32, #tpu.memory_space<hbm>>)
      } else {
      }
      %iota3A_434 = tpu.iota {dimensions = array<i32: 0>} : vector<16xi32>
      %jit3A_435 = arith.constant 2 : i32
      %div3A_436 = vector.broadcast %jit3A_435 : i32 to vector<16xi32>
      %div3A_437 = arith.divsi %iota3A_434, %div3A_436 : vector<16xi32>
      %sign3A_438 = arith.constant 0 : i32
      %sign3A_439 = vector.broadcast %sign3A_438 : i32 to vector<16xi32>
      %sign3A_440 = arith.cmpi sgt, %iota3A_434, %sign3A_439 : vector<16xi32>
      %sign3A_441 = arith.extui %sign3A_440 : vector<16xi1> to vector<16xi32>
      %sign3A_442 = arith.constant 0 : i32
      %sign3A_443 = vector.broadcast %sign3A_442 : i32 to vector<16xi32>
      %sign3A_444 = arith.cmpi slt, %iota3A_434, %sign3A_443 : vector<16xi32>
      %sign3A_445 = arith.extui %sign3A_444 : vector<16xi1> to vector<16xi32>
      %sign3A_446 = arith.subi %sign3A_441, %sign3A_445 : vector<16xi32>
      %sign3A_447 = arith.constant 0 : i32
      %sign3A_448 = arith.cmpi sgt, %jit3A_435, %sign3A_447 : i32
      %sign3A_449 = arith.extui %sign3A_448 : i1 to i32
      %sign3A_450 = arith.constant 0 : i32
      %sign3A_451 = arith.cmpi slt, %jit3A_435, %sign3A_450 : i32
      %sign3A_452 = arith.extui %sign3A_451 : i1 to i32
      %sign3A_453 = arith.subi %sign3A_449, %sign3A_452 : i32
      %ne3A_454 = vector.broadcast %sign3A_453 : i32 to vector<16xi32>
      %ne3A_455 = arith.cmpi ne, %sign3A_446, %ne3A_454 : vector<16xi32>
      %rem3A_456 = vector.broadcast %jit3A_435 : i32 to vector<16xi32>
      %rem3A_457 = arith.remsi %iota3A_434, %rem3A_456 : vector<16xi32>
      %ne3A_458 = arith.constant 0 : i32
      %ne3A_459 = vector.broadcast %ne3A_458 : i32 to vector<16xi32>
      %ne3A_460 = arith.cmpi ne, %rem3A_457, %ne3A_459 : vector<16xi32>
      %and3A_461 = arith.andi %ne3A_455, %ne3A_460 : vector<16xi1>
      %sub3A_462 = arith.constant 1 : i32
      %sub3A_463 = vector.broadcast %sub3A_462 : i32 to vector<16xi32>
      %sub3A_464 = arith.subi %div3A_437, %sub3A_463 : vector<16xi32>
      %select_n3A_465 = arith.select %and3A_461, %sub3A_464, %div3A_437 : vector<16xi1>, vector<16xi32>
      %add3A_466 = arith.constant 0 : i32
      %add3A_467 = vector.broadcast %add3A_466 : i32 to vector<16xi32>
      %add3A_468 = arith.addi %select_n3A_465, %add3A_467 : vector<16xi32>
      %jit3A_469 = arith.constant 2 : i32
      %div3A_470 = vector.broadcast %jit3A_469 : i32 to vector<16xi32>
      %div3A_471 = arith.divsi %iota3A_434, %div3A_470 : vector<16xi32>
      %sign3A_472 = arith.constant 0 : i32
      %sign3A_473 = vector.broadcast %sign3A_472 : i32 to vector<16xi32>
      %sign3A_474 = arith.cmpi sgt, %iota3A_434, %sign3A_473 : vector<16xi32>
      %sign3A_475 = arith.extui %sign3A_474 : vector<16xi1> to vector<16xi32>
      %sign3A_476 = arith.constant 0 : i32
      %sign3A_477 = vector.broadcast %sign3A_476 : i32 to vector<16xi32>
      %sign3A_478 = arith.cmpi slt, %iota3A_434, %sign3A_477 : vector<16xi32>
      %sign3A_479 = arith.extui %sign3A_478 : vector<16xi1> to vector<16xi32>
      %sign3A_480 = arith.subi %sign3A_475, %sign3A_479 : vector<16xi32>
      %sign3A_481 = arith.constant 0 : i32
      %sign3A_482 = arith.cmpi sgt, %jit3A_469, %sign3A_481 : i32
      %sign3A_483 = arith.extui %sign3A_482 : i1 to i32
      %sign3A_484 = arith.constant 0 : i32
      %sign3A_485 = arith.cmpi slt, %jit3A_469, %sign3A_484 : i32
      %sign3A_486 = arith.extui %sign3A_485 : i1 to i32
      %sign3A_487 = arith.subi %sign3A_483, %sign3A_486 : i32
      %ne3A_488 = vector.broadcast %sign3A_487 : i32 to vector<16xi32>
      %ne3A_489 = arith.cmpi ne, %sign3A_480, %ne3A_488 : vector<16xi32>
      %rem3A_490 = vector.broadcast %jit3A_469 : i32 to vector<16xi32>
      %rem3A_491 = arith.remsi %iota3A_434, %rem3A_490 : vector<16xi32>
      %ne3A_492 = arith.constant 0 : i32
      %ne3A_493 = vector.broadcast %ne3A_492 : i32 to vector<16xi32>
      %ne3A_494 = arith.cmpi ne, %rem3A_491, %ne3A_493 : vector<16xi32>
      %and3A_495 = arith.andi %ne3A_489, %ne3A_494 : vector<16xi1>
      %sub3A_496 = arith.constant 1 : i32
      %sub3A_497 = vector.broadcast %sub3A_496 : i32 to vector<16xi32>
      %sub3A_498 = arith.subi %div3A_471, %sub3A_497 : vector<16xi32>
      %select_n3A_499 = arith.select %and3A_495, %sub3A_498, %div3A_471 : vector<16xi1>, vector<16xi32>
      %add3A_500 = arith.constant 8 : i32
      %add3A_501 = vector.broadcast %add3A_500 : i32 to vector<16xi32>
      %add3A_502 = arith.addi %select_n3A_499, %add3A_501 : vector<16xi32>
      %jit3A_503 = arith.constant 2 : i32
      %div3A_504 = vector.broadcast %jit3A_503 : i32 to vector<16xi32>
      %div3A_505 = arith.divsi %iota3A_434, %div3A_504 : vector<16xi32>
      %sign3A_506 = arith.constant 0 : i32
      %sign3A_507 = vector.broadcast %sign3A_506 : i32 to vector<16xi32>
      %sign3A_508 = arith.cmpi sgt, %iota3A_434, %sign3A_507 : vector<16xi32>
      %sign3A_509 = arith.extui %sign3A_508 : vector<16xi1> to vector<16xi32>
      %sign3A_510 = arith.constant 0 : i32
      %sign3A_511 = vector.broadcast %sign3A_510 : i32 to vector<16xi32>
      %sign3A_512 = arith.cmpi slt, %iota3A_434, %sign3A_511 : vector<16xi32>
      %sign3A_513 = arith.extui %sign3A_512 : vector<16xi1> to vector<16xi32>
      %sign3A_514 = arith.subi %sign3A_509, %sign3A_513 : vector<16xi32>
      %sign3A_515 = arith.constant 0 : i32
      %sign3A_516 = arith.cmpi sgt, %jit3A_503, %sign3A_515 : i32
      %sign3A_517 = arith.extui %sign3A_516 : i1 to i32
      %sign3A_518 = arith.constant 0 : i32
      %sign3A_519 = arith.cmpi slt, %jit3A_503, %sign3A_518 : i32
      %sign3A_520 = arith.extui %sign3A_519 : i1 to i32
      %sign3A_521 = arith.subi %sign3A_517, %sign3A_520 : i32
      %ne3A_522 = vector.broadcast %sign3A_521 : i32 to vector<16xi32>
      %ne3A_523 = arith.cmpi ne, %sign3A_514, %ne3A_522 : vector<16xi32>
      %rem3A_524 = vector.broadcast %jit3A_503 : i32 to vector<16xi32>
      %rem3A_525 = arith.remsi %iota3A_434, %rem3A_524 : vector<16xi32>
      %ne3A_526 = arith.constant 0 : i32
      %ne3A_527 = vector.broadcast %ne3A_526 : i32 to vector<16xi32>
      %ne3A_528 = arith.cmpi ne, %rem3A_525, %ne3A_527 : vector<16xi32>
      %and3A_529 = arith.andi %ne3A_523, %ne3A_528 : vector<16xi1>
      %sub3A_530 = arith.constant 1 : i32
      %sub3A_531 = vector.broadcast %sub3A_530 : i32 to vector<16xi32>
      %sub3A_532 = arith.subi %div3A_505, %sub3A_531 : vector<16xi32>
      %select_n3A_533 = arith.select %and3A_529, %sub3A_532, %div3A_505 : vector<16xi1>, vector<16xi32>
      %add3A_534 = arith.constant 16 : i32
      %add3A_535 = vector.broadcast %add3A_534 : i32 to vector<16xi32>
      %add3A_536 = arith.addi %select_n3A_533, %add3A_535 : vector<16xi32>
      %jit3A_537 = arith.constant 2 : i32
      %div3A_538 = vector.broadcast %jit3A_537 : i32 to vector<16xi32>
      %div3A_539 = arith.divsi %iota3A_434, %div3A_538 : vector<16xi32>
      %sign3A_540 = arith.constant 0 : i32
      %sign3A_541 = vector.broadcast %sign3A_540 : i32 to vector<16xi32>
      %sign3A_542 = arith.cmpi sgt, %iota3A_434, %sign3A_541 : vector<16xi32>
      %sign3A_543 = arith.extui %sign3A_542 : vector<16xi1> to vector<16xi32>
      %sign3A_544 = arith.constant 0 : i32
      %sign3A_545 = vector.broadcast %sign3A_544 : i32 to vector<16xi32>
      %sign3A_546 = arith.cmpi slt, %iota3A_434, %sign3A_545 : vector<16xi32>
      %sign3A_547 = arith.extui %sign3A_546 : vector<16xi1> to vector<16xi32>
      %sign3A_548 = arith.subi %sign3A_543, %sign3A_547 : vector<16xi32>
      %sign3A_549 = arith.constant 0 : i32
      %sign3A_550 = arith.cmpi sgt, %jit3A_537, %sign3A_549 : i32
      %sign3A_551 = arith.extui %sign3A_550 : i1 to i32
      %sign3A_552 = arith.constant 0 : i32
      %sign3A_553 = arith.cmpi slt, %jit3A_537, %sign3A_552 : i32
      %sign3A_554 = arith.extui %sign3A_553 : i1 to i32
      %sign3A_555 = arith.subi %sign3A_551, %sign3A_554 : i32
      %ne3A_556 = vector.broadcast %sign3A_555 : i32 to vector<16xi32>
      %ne3A_557 = arith.cmpi ne, %sign3A_548, %ne3A_556 : vector<16xi32>
      %rem3A_558 = vector.broadcast %jit3A_537 : i32 to vector<16xi32>
      %rem3A_559 = arith.remsi %iota3A_434, %rem3A_558 : vector<16xi32>
      %ne3A_560 = arith.constant 0 : i32
      %ne3A_561 = vector.broadcast %ne3A_560 : i32 to vector<16xi32>
      %ne3A_562 = arith.cmpi ne, %rem3A_559, %ne3A_561 : vector<16xi32>
      %and3A_563 = arith.andi %ne3A_557, %ne3A_562 : vector<16xi1>
      %sub3A_564 = arith.constant 1 : i32
      %sub3A_565 = vector.broadcast %sub3A_564 : i32 to vector<16xi32>
      %sub3A_566 = arith.subi %div3A_539, %sub3A_565 : vector<16xi32>
      %select_n3A_567 = arith.select %and3A_563, %sub3A_566, %div3A_539 : vector<16xi1>, vector<16xi32>
      %add3A_568 = arith.constant 24 : i32
      %add3A_569 = vector.broadcast %add3A_568 : i32 to vector<16xi32>
      %add3A_570 = arith.addi %select_n3A_567, %add3A_569 : vector<16xi32>
      %jit3A_571 = arith.constant 2 : i32
      %div3A_572 = vector.broadcast %jit3A_571 : i32 to vector<16xi32>
      %div3A_573 = arith.divsi %iota3A_434, %div3A_572 : vector<16xi32>
      %sign3A_574 = arith.constant 0 : i32
      %sign3A_575 = vector.broadcast %sign3A_574 : i32 to vector<16xi32>
      %sign3A_576 = arith.cmpi sgt, %iota3A_434, %sign3A_575 : vector<16xi32>
      %sign3A_577 = arith.extui %sign3A_576 : vector<16xi1> to vector<16xi32>
      %sign3A_578 = arith.constant 0 : i32
      %sign3A_579 = vector.broadcast %sign3A_578 : i32 to vector<16xi32>
      %sign3A_580 = arith.cmpi slt, %iota3A_434, %sign3A_579 : vector<16xi32>
      %sign3A_581 = arith.extui %sign3A_580 : vector<16xi1> to vector<16xi32>
      %sign3A_582 = arith.subi %sign3A_577, %sign3A_581 : vector<16xi32>
      %sign3A_583 = arith.constant 0 : i32
      %sign3A_584 = arith.cmpi sgt, %jit3A_571, %sign3A_583 : i32
      %sign3A_585 = arith.extui %sign3A_584 : i1 to i32
      %sign3A_586 = arith.constant 0 : i32
      %sign3A_587 = arith.cmpi slt, %jit3A_571, %sign3A_586 : i32
      %sign3A_588 = arith.extui %sign3A_587 : i1 to i32
      %sign3A_589 = arith.subi %sign3A_585, %sign3A_588 : i32
      %ne3A_590 = vector.broadcast %sign3A_589 : i32 to vector<16xi32>
      %ne3A_591 = arith.cmpi ne, %sign3A_582, %ne3A_590 : vector<16xi32>
      %rem3A_592 = vector.broadcast %jit3A_571 : i32 to vector<16xi32>
      %rem3A_593 = arith.remsi %iota3A_434, %rem3A_592 : vector<16xi32>
      %ne3A_594 = arith.constant 0 : i32
      %ne3A_595 = vector.broadcast %ne3A_594 : i32 to vector<16xi32>
      %ne3A_596 = arith.cmpi ne, %rem3A_593, %ne3A_595 : vector<16xi32>
      %and3A_597 = arith.andi %ne3A_591, %ne3A_596 : vector<16xi1>
      %sub3A_598 = arith.constant 1 : i32
      %sub3A_599 = vector.broadcast %sub3A_598 : i32 to vector<16xi32>
      %sub3A_600 = arith.subi %div3A_573, %sub3A_599 : vector<16xi32>
      %select_n3A_601 = arith.select %and3A_597, %sub3A_600, %div3A_573 : vector<16xi1>, vector<16xi32>
      %add3A_602 = arith.constant 32 : i32
      %add3A_603 = vector.broadcast %add3A_602 : i32 to vector<16xi32>
      %add3A_604 = arith.addi %select_n3A_601, %add3A_603 : vector<16xi32>
      %jit3A_605 = arith.constant 2 : i32
      %div3A_606 = vector.broadcast %jit3A_605 : i32 to vector<16xi32>
      %div3A_607 = arith.divsi %iota3A_434, %div3A_606 : vector<16xi32>
      %sign3A_608 = arith.constant 0 : i32
      %sign3A_609 = vector.broadcast %sign3A_608 : i32 to vector<16xi32>
      %sign3A_610 = arith.cmpi sgt, %iota3A_434, %sign3A_609 : vector<16xi32>
      %sign3A_611 = arith.extui %sign3A_610 : vector<16xi1> to vector<16xi32>
      %sign3A_612 = arith.constant 0 : i32
      %sign3A_613 = vector.broadcast %sign3A_612 : i32 to vector<16xi32>
      %sign3A_614 = arith.cmpi slt, %iota3A_434, %sign3A_613 : vector<16xi32>
      %sign3A_615 = arith.extui %sign3A_614 : vector<16xi1> to vector<16xi32>
      %sign3A_616 = arith.subi %sign3A_611, %sign3A_615 : vector<16xi32>
      %sign3A_617 = arith.constant 0 : i32
      %sign3A_618 = arith.cmpi sgt, %jit3A_605, %sign3A_617 : i32
      %sign3A_619 = arith.extui %sign3A_618 : i1 to i32
      %sign3A_620 = arith.constant 0 : i32
      %sign3A_621 = arith.cmpi slt, %jit3A_605, %sign3A_620 : i32
      %sign3A_622 = arith.extui %sign3A_621 : i1 to i32
      %sign3A_623 = arith.subi %sign3A_619, %sign3A_622 : i32
      %ne3A_624 = vector.broadcast %sign3A_623 : i32 to vector<16xi32>
      %ne3A_625 = arith.cmpi ne, %sign3A_616, %ne3A_624 : vector<16xi32>
      %rem3A_626 = vector.broadcast %jit3A_605 : i32 to vector<16xi32>
      %rem3A_627 = arith.remsi %iota3A_434, %rem3A_626 : vector<16xi32>
      %ne3A_628 = arith.constant 0 : i32
      %ne3A_629 = vector.broadcast %ne3A_628 : i32 to vector<16xi32>
      %ne3A_630 = arith.cmpi ne, %rem3A_627, %ne3A_629 : vector<16xi32>
      %and3A_631 = arith.andi %ne3A_625, %ne3A_630 : vector<16xi1>
      %sub3A_632 = arith.constant 1 : i32
      %sub3A_633 = vector.broadcast %sub3A_632 : i32 to vector<16xi32>
      %sub3A_634 = arith.subi %div3A_607, %sub3A_633 : vector<16xi32>
      %select_n3A_635 = arith.select %and3A_631, %sub3A_634, %div3A_607 : vector<16xi1>, vector<16xi32>
      %add3A_636 = arith.constant 40 : i32
      %add3A_637 = vector.broadcast %add3A_636 : i32 to vector<16xi32>
      %add3A_638 = arith.addi %select_n3A_635, %add3A_637 : vector<16xi32>
      %jit3A_639 = arith.constant 2 : i32
      %div3A_640 = vector.broadcast %jit3A_639 : i32 to vector<16xi32>
      %div3A_641 = arith.divsi %iota3A_434, %div3A_640 : vector<16xi32>
      %sign3A_642 = arith.constant 0 : i32
      %sign3A_643 = vector.broadcast %sign3A_642 : i32 to vector<16xi32>
      %sign3A_644 = arith.cmpi sgt, %iota3A_434, %sign3A_643 : vector<16xi32>
      %sign3A_645 = arith.extui %sign3A_644 : vector<16xi1> to vector<16xi32>
      %sign3A_646 = arith.constant 0 : i32
      %sign3A_647 = vector.broadcast %sign3A_646 : i32 to vector<16xi32>
      %sign3A_648 = arith.cmpi slt, %iota3A_434, %sign3A_647 : vector<16xi32>
      %sign3A_649 = arith.extui %sign3A_648 : vector<16xi1> to vector<16xi32>
      %sign3A_650 = arith.subi %sign3A_645, %sign3A_649 : vector<16xi32>
      %sign3A_651 = arith.constant 0 : i32
      %sign3A_652 = arith.cmpi sgt, %jit3A_639, %sign3A_651 : i32
      %sign3A_653 = arith.extui %sign3A_652 : i1 to i32
      %sign3A_654 = arith.constant 0 : i32
      %sign3A_655 = arith.cmpi slt, %jit3A_639, %sign3A_654 : i32
      %sign3A_656 = arith.extui %sign3A_655 : i1 to i32
      %sign3A_657 = arith.subi %sign3A_653, %sign3A_656 : i32
      %ne3A_658 = vector.broadcast %sign3A_657 : i32 to vector<16xi32>
      %ne3A_659 = arith.cmpi ne, %sign3A_650, %ne3A_658 : vector<16xi32>
      %rem3A_660 = vector.broadcast %jit3A_639 : i32 to vector<16xi32>
      %rem3A_661 = arith.remsi %iota3A_434, %rem3A_660 : vector<16xi32>
      %ne3A_662 = arith.constant 0 : i32
      %ne3A_663 = vector.broadcast %ne3A_662 : i32 to vector<16xi32>
      %ne3A_664 = arith.cmpi ne, %rem3A_661, %ne3A_663 : vector<16xi32>
      %and3A_665 = arith.andi %ne3A_659, %ne3A_664 : vector<16xi1>
      %sub3A_666 = arith.constant 1 : i32
      %sub3A_667 = vector.broadcast %sub3A_666 : i32 to vector<16xi32>
      %sub3A_668 = arith.subi %div3A_641, %sub3A_667 : vector<16xi32>
      %select_n3A_669 = arith.select %and3A_665, %sub3A_668, %div3A_641 : vector<16xi1>, vector<16xi32>
      %add3A_670 = arith.constant 48 : i32
      %add3A_671 = vector.broadcast %add3A_670 : i32 to vector<16xi32>
      %add3A_672 = arith.addi %select_n3A_669, %add3A_671 : vector<16xi32>
      %jit3A_673 = arith.constant 2 : i32
      %div3A_674 = vector.broadcast %jit3A_673 : i32 to vector<16xi32>
      %div3A_675 = arith.divsi %iota3A_434, %div3A_674 : vector<16xi32>
      %sign3A_676 = arith.constant 0 : i32
      %sign3A_677 = vector.broadcast %sign3A_676 : i32 to vector<16xi32>
      %sign3A_678 = arith.cmpi sgt, %iota3A_434, %sign3A_677 : vector<16xi32>
      %sign3A_679 = arith.extui %sign3A_678 : vector<16xi1> to vector<16xi32>
      %sign3A_680 = arith.constant 0 : i32
      %sign3A_681 = vector.broadcast %sign3A_680 : i32 to vector<16xi32>
      %sign3A_682 = arith.cmpi slt, %iota3A_434, %sign3A_681 : vector<16xi32>
      %sign3A_683 = arith.extui %sign3A_682 : vector<16xi1> to vector<16xi32>
      %sign3A_684 = arith.subi %sign3A_679, %sign3A_683 : vector<16xi32>
      %sign3A_685 = arith.constant 0 : i32
      %sign3A_686 = arith.cmpi sgt, %jit3A_673, %sign3A_685 : i32
      %sign3A_687 = arith.extui %sign3A_686 : i1 to i32
      %sign3A_688 = arith.constant 0 : i32
      %sign3A_689 = arith.cmpi slt, %jit3A_673, %sign3A_688 : i32
      %sign3A_690 = arith.extui %sign3A_689 : i1 to i32
      %sign3A_691 = arith.subi %sign3A_687, %sign3A_690 : i32
      %ne3A_692 = vector.broadcast %sign3A_691 : i32 to vector<16xi32>
      %ne3A_693 = arith.cmpi ne, %sign3A_684, %ne3A_692 : vector<16xi32>
      %rem3A_694 = vector.broadcast %jit3A_673 : i32 to vector<16xi32>
      %rem3A_695 = arith.remsi %iota3A_434, %rem3A_694 : vector<16xi32>
      %ne3A_696 = arith.constant 0 : i32
      %ne3A_697 = vector.broadcast %ne3A_696 : i32 to vector<16xi32>
      %ne3A_698 = arith.cmpi ne, %rem3A_695, %ne3A_697 : vector<16xi32>
      %and3A_699 = arith.andi %ne3A_693, %ne3A_698 : vector<16xi1>
      %sub3A_700 = arith.constant 1 : i32
      %sub3A_701 = vector.broadcast %sub3A_700 : i32 to vector<16xi32>
      %sub3A_702 = arith.subi %div3A_675, %sub3A_701 : vector<16xi32>
      %select_n3A_703 = arith.select %and3A_699, %sub3A_702, %div3A_675 : vector<16xi1>, vector<16xi32>
      %add3A_704 = arith.constant 56 : i32
      %add3A_705 = vector.broadcast %add3A_704 : i32 to vector<16xi32>
      %add3A_706 = arith.addi %select_n3A_703, %add3A_705 : vector<16xi32>
      %jit3A_707 = arith.constant 2 : i32
      %eq3A_708 = arith.constant 0 : i32
      %eq3A_709 = arith.cmpi eq, %jit3A_707, %eq3A_708 : i32
      %jit3A_710 = arith.constant 1 : i32
      %select_n3A_711 = arith.select %eq3A_709, %jit3A_710, %jit3A_707 : i32
      %rem3A_712 = vector.broadcast %select_n3A_711 : i32 to vector<16xi32>
      %rem3A_713 = arith.remsi %iota3A_434, %rem3A_712 : vector<16xi32>
      %ne3A_714 = arith.constant 0 : i32
      %ne3A_715 = vector.broadcast %ne3A_714 : i32 to vector<16xi32>
      %ne3A_716 = arith.cmpi ne, %rem3A_713, %ne3A_715 : vector<16xi32>
      %lt3A_717 = arith.constant 0 : i32
      %lt3A_718 = vector.broadcast %lt3A_717 : i32 to vector<16xi32>
      %lt3A_719 = arith.cmpi slt, %rem3A_713, %lt3A_718 : vector<16xi32>
      %lt3A_720 = arith.constant 0 : i32
      %lt3A_721 = arith.cmpi slt, %select_n3A_711, %lt3A_720 : i32
      %ne3A_722 = vector.broadcast %lt3A_721 : i1 to vector<16xi1>
      %ne3A_723 = vector.broadcast %ne3A_722 : vector<16xi1> to vector<16xi1>
      %ne3A_724 = arith.xori %lt3A_719, %ne3A_723 : vector<16xi1>
      %and3A_725 = arith.andi %ne3A_724, %ne3A_716 : vector<16xi1>
      %add3A_726 = vector.broadcast %select_n3A_711 : i32 to vector<16xi32>
      %add3A_727 = arith.addi %rem3A_713, %add3A_726 : vector<16xi32>
      %select_n3A_728 = arith.select %and3A_725, %add3A_727, %rem3A_713 : vector<16xi1>, vector<16xi32>
      %mul3A_729 = arith.constant 64 : i32
      %mul3A_730 = vector.broadcast %mul3A_729 : i32 to vector<16xi32>
      %mul3A_731 = arith.muli %select_n3A_728, %mul3A_730 : vector<16xi32>
      %parallel_loop3A_732 = arith.constant 0 : i32
      %parallel_loop3A_733 = arith.constant 64 : i32
      %parallel_loop3A_734 = arith.constant 1 : i32
      scf.for %parallel_loop3A_1426 = %parallel_loop3A_732 to %parallel_loop3A_733 step %parallel_loop3A_734  : i32 {
        %parallel_loop3A_1427 = vector.broadcast %parallel_loop3A_1426 : i32 to vector<16xi32>
        %parallel_loop3A_1428 = arith.addi %mul3A_731, %parallel_loop3A_1427 : vector<16xi32>
        %parallel_loop3A_1429 = arith.index_cast %parallel_loop3A_1426 : i32 to index
        %parallel_loop3A_1430 = arith.constant 0 : index
        %parallel_loop3A_1431 = tpu.vector_load %arg6[%parallel_loop3A_1429, %parallel_loop3A_1430] {strides = array<i32>} : memref<64x128xf32, #tpu.memory_space<vmem>>, vector<16xf32>,
        tpu.vector_store_idx %arg10[%add3A_468, %parallel_loop3A_1428], %parallel_loop3A_1431 : memref<64x129xf32, #tpu.memory_space<vmem>>[vector<16xi32>, vector<16xi32>], vector<16xf32>,
        %parallel_loop3A_1432 = arith.index_cast %parallel_loop3A_1426 : i32 to index
        %parallel_loop3A_1433 = arith.constant 16 : index
        %parallel_loop3A_1434 = tpu.vector_load %arg6[%parallel_loop3A_1432, %parallel_loop3A_1433] {strides = array<i32>} : memref<64x128xf32, #tpu.memory_space<vmem>>, vector<16xf32>,
        tpu.vector_store_idx %arg10[%add3A_502, %parallel_loop3A_1428], %parallel_loop3A_1434 : memref<64x129xf32, #tpu.memory_space<vmem>>[vector<16xi32>, vector<16xi32>], vector<16xf32>,
        %parallel_loop3A_1435 = arith.index_cast %parallel_loop3A_1426 : i32 to index
        %parallel_loop3A_1436 = arith.constant 32 : index
        %parallel_loop3A_1437 = tpu.vector_load %arg6[%parallel_loop3A_1435, %parallel_loop3A_1436] {strides = array<i32>} : memref<64x128xf32, #tpu.memory_space<vmem>>, vector<16xf32>,
        tpu.vector_store_idx %arg10[%add3A_536, %parallel_loop3A_1428], %parallel_loop3A_1437 : memref<64x129xf32, #tpu.memory_space<vmem>>[vector<16xi32>, vector<16xi32>], vector<16xf32>,
        %parallel_loop3A_1438 = arith.index_cast %parallel_loop3A_1426 : i32 to index
        %parallel_loop3A_1439 = arith.constant 48 : index
        %parallel_loop3A_1440 = tpu.vector_load %arg6[%parallel_loop3A_1438, %parallel_loop3A_1439] {strides = array<i32>} : memref<64x128xf32, #tpu.memory_space<vmem>>, vector<16xf32>,
        tpu.vector_store_idx %arg10[%add3A_570, %parallel_loop3A_1428], %parallel_loop3A_1440 : memref<64x129xf32, #tpu.memory_space<vmem>>[vector<16xi32>, vector<16xi32>], vector<16xf32>,
        %parallel_loop3A_1441 = arith.index_cast %parallel_loop3A_1426 : i32 to index
        %parallel_loop3A_1442 = arith.constant 64 : index
        %parallel_loop3A_1443 = tpu.vector_load %arg6[%parallel_loop3A_1441, %parallel_loop3A_1442] {strides = array<i32>} : memref<64x128xf32, #tpu.memory_space<vmem>>, vector<16xf32>,
        tpu.vector_store_idx %arg10[%add3A_604, %parallel_loop3A_1428], %parallel_loop3A_1443 : memref<64x129xf32, #tpu.memory_space<vmem>>[vector<16xi32>, vector<16xi32>], vector<16xf32>,
        %parallel_loop3A_1444 = arith.index_cast %parallel_loop3A_1426 : i32 to index
        %parallel_loop3A_1445 = arith.constant 80 : index
        %parallel_loop3A_1446 = tpu.vector_load %arg6[%parallel_loop3A_1444, %parallel_loop3A_1445] {strides = array<i32>} : memref<64x128xf32, #tpu.memory_space<vmem>>, vector<16xf32>,
        tpu.vector_store_idx %arg10[%add3A_638, %parallel_loop3A_1428], %parallel_loop3A_1446 : memref<64x129xf32, #tpu.memory_space<vmem>>[vector<16xi32>, vector<16xi32>], vector<16xf32>,
        %parallel_loop3A_1447 = arith.index_cast %parallel_loop3A_1426 : i32 to index
        %parallel_loop3A_1448 = arith.constant 96 : index
        %parallel_loop3A_1449 = tpu.vector_load %arg6[%parallel_loop3A_1447, %parallel_loop3A_1448] {strides = array<i32>} : memref<64x128xf32, #tpu.memory_space<vmem>>, vector<16xf32>,
        tpu.vector_store_idx %arg10[%add3A_672, %parallel_loop3A_1428], %parallel_loop3A_1449 : memref<64x129xf32, #tpu.memory_space<vmem>>[vector<16xi32>, vector<16xi32>], vector<16xf32>,
        %parallel_loop3A_1450 = arith.index_cast %parallel_loop3A_1426 : i32 to index
        %parallel_loop3A_1451 = arith.constant 112 : index
        %parallel_loop3A_1452 = tpu.vector_load %arg6[%parallel_loop3A_1450, %parallel_loop3A_1451] {strides = array<i32>} : memref<64x128xf32, #tpu.memory_space<vmem>>, vector<16xf32>,
        tpu.vector_store_idx %arg10[%add3A_706, %parallel_loop3A_1428], %parallel_loop3A_1452 : memref<64x129xf32, #tpu.memory_space<vmem>>[vector<16xi32>, vector<16xi32>], vector<16xf32>,
      } {sc.loop_unroll_factor = 2 : i64, sc.parallel_access}
      %mul3A_735 = arith.constant 64 : i32
      %mul3A_736 = arith.muli %add3A_422, %mul3A_735 : i32
      %dma_start3A_737 = arith.constant 0 : i32
      %dma_start3A_738 = arith.constant 0 : i32
      %dma_start3A_739 = tpu.memref_slice %arg10[%dma_start3A_737, %dma_start3A_738] : memref<64x129xf32, #tpu.memory_space<vmem>> -> memref<64x128xf32, #tpu.memory_space<vmem>>
      %dma_start3A_740 = arith.constant 0 : i32
      %dma_start3A_741 = tpu.memref_slice %arg4[%mul3A_736, %dma_start3A_740] : memref<500000x128xf32, #tpu.memory_space<hbm>> -> memref<64x128xf32, #tpu.memory_space<hbm>>
      %dma_start3A_742 = arith.constant 0 : i32
      %dma_start3A_743 = tpu.memref_slice %arg4[%mul3A_736, %dma_start3A_742] : memref<500000x128xf32, #tpu.memory_space<hbm>> -> memref<64x128xf32, #tpu.memory_space<hbm>>
      %dma_start3A_744 = arith.constant 0 : i32
      %dma_start3A_745 = arith.constant 0 : i32
      %dma_start3A_746 = tpu.memref_slice %arg10[%dma_start3A_744, %dma_start3A_745] : memref<64x129xf32, #tpu.memory_space<vmem>> -> memref<64x128xf32, #tpu.memory_space<vmem>>
      tpu.enqueue_dma source(%dma_start3A_746 : memref<64x128xf32, #tpu.memory_space<vmem>>) target(%dma_start3A_743 : memref<64x128xf32, #tpu.memory_space<hbm>>) target_semaphore(%arg18 : memref<!tpu.dma_semaphore, #tpu.memory_space<semaphore_mem>>)
      %add3A_747 = arith.constant 4 : i32
      %add3A_748 = arith.addi %add3A_421, %add3A_747 : i32
      %lt3A_749 = arith.constant 244 : i32
      %lt3A_750 = arith.cmpi slt, %add3A_748, %lt3A_749 : i32
      %convert_element_type3A_751 = arith.extui %lt3A_750 : i1 to i32
      %cond3A_752 = arith.constant 0 : i32
      %cond3A_753 = arith.cmpi ne, %convert_element_type3A_751, %cond3A_752 : i32
      scf.if %cond3A_753 {
        %add3A_1426 = arith.constant 4 : i32
        %add3A_1427 = arith.addi %add3A_422, %add3A_1426 : i32
        %mul3A_1428 = arith.constant 128 : i32
        %mul3A_1429 = arith.muli %add3A_1427, %mul3A_1428 : i32
        %dma_start3A_1430 = arith.constant 0 : i32
        %dma_start3A_1431 = tpu.memref_slice %arg2[%dma_start3A_1430, %mul3A_1429] : memref<64x1000000xf32, #tpu.memory_space<hbm>> -> memref<64x128xf32, #tpu.memory_space<hbm>>
        %dma_start3A_1432 = arith.constant 0 : i32
        %dma_start3A_1433 = tpu.memref_slice %arg2[%dma_start3A_1432, %mul3A_1429] : memref<64x1000000xf32, #tpu.memory_space<hbm>> -> memref<64x128xf32, #tpu.memory_space<hbm>>
        tpu.enqueue_dma source(%dma_start3A_1433 : memref<64x128xf32, #tpu.memory_space<hbm>>) target(%arg6 : memref<64x128xf32, #tpu.memory_space<vmem>>) target_semaphore(%arg14 : memref<!tpu.dma_semaphore, #tpu.memory_space<semaphore_mem>>)
      } else {
      }
      %mul3A_754 = arith.constant 4 : i32
      %mul3A_755 = arith.muli %scan3A_92, %mul3A_754 : i32
      %add3A_756 = arith.constant 2 : i32
      %add3A_757 = arith.addi %mul3A_755, %add3A_756 : i32
      %add3A_758 = arith.addi %mul3A_2, %add3A_757 : i32
      %mul3A_759 = arith.constant 128 : i32
      %mul3A_760 = arith.muli %add3A_758, %mul3A_759 : i32
      %dma_wait3A_761 = arith.constant 0 : i32
      %dma_wait3A_762 = tpu.memref_slice %arg2[%dma_wait3A_761, %mul3A_760] : memref<64x1000000xf32, #tpu.memory_space<hbm>> -> memref<64x128xf32, #tpu.memory_space<hbm>>
      %dma_wait3A_763 = arith.constant 0 : i32
      %dma_wait3A_764 = tpu.memref_slice %arg2[%dma_wait3A_763, %mul3A_760] : memref<64x1000000xf32, #tpu.memory_space<hbm>> -> memref<64x128xf32, #tpu.memory_space<hbm>>
      tpu.wait_dma2 semaphore(%arg15 : memref<!tpu.dma_semaphore, #tpu.memory_space<semaphore_mem>>) src(%dma_wait3A_764 : memref<64x128xf32, #tpu.memory_space<hbm>>) dst(%arg7 : memref<64x128xf32, #tpu.memory_space<vmem>>)
      %gt3A_765 = arith.constant 0 : i32
      %gt3A_766 = arith.cmpi sgt, %scan3A_92, %gt3A_765 : i32
      %convert_element_type3A_767 = arith.extui %gt3A_766 : i1 to i32
      %cond3A_768 = arith.constant 0 : i32
      %cond3A_769 = arith.cmpi ne, %convert_element_type3A_767, %cond3A_768 : i32
      scf.if %cond3A_769 {
        %mul3A_1426 = arith.constant 64 : i32
        %mul3A_1427 = arith.muli %add3A_758, %mul3A_1426 : i32
        %dma_wait3A_1428 = arith.constant 0 : i32
        %dma_wait3A_1429 = arith.constant 0 : i32
        %dma_wait3A_1430 = tpu.memref_slice %arg11[%dma_wait3A_1428, %dma_wait3A_1429] : memref<64x129xf32, #tpu.memory_space<vmem>> -> memref<64x128xf32, #tpu.memory_space<vmem>>
        %dma_wait3A_1431 = arith.constant 0 : i32
        %dma_wait3A_1432 = tpu.memref_slice %arg4[%mul3A_1427, %dma_wait3A_1431] : memref<500000x128xf32, #tpu.memory_space<hbm>> -> memref<64x128xf32, #tpu.memory_space<hbm>>
        %dma_wait3A_1433 = arith.constant 0 : i32
        %dma_wait3A_1434 = tpu.memref_slice %arg4[%mul3A_1427, %dma_wait3A_1433] : memref<500000x128xf32, #tpu.memory_space<hbm>> -> memref<64x128xf32, #tpu.memory_space<hbm>>
        %dma_wait3A_1435 = arith.constant 0 : i32
        %dma_wait3A_1436 = arith.constant 0 : i32
        %dma_wait3A_1437 = tpu.memref_slice %arg11[%dma_wait3A_1435, %dma_wait3A_1436] : memref<64x129xf32, #tpu.memory_space<vmem>> -> memref<64x128xf32, #tpu.memory_space<vmem>>
        tpu.wait_dma2 semaphore(%arg19 : memref<!tpu.dma_semaphore, #tpu.memory_space<semaphore_mem>>) src(%dma_wait3A_1437 : memref<64x128xf32, #tpu.memory_space<vmem>>) dst(%dma_wait3A_1434 : memref<64x128xf32, #tpu.memory_space<hbm>>)
      } else {
      }
      %iota3A_770 = tpu.iota {dimensions = array<i32: 0>} : vector<16xi32>
      %jit3A_771 = arith.constant 2 : i32
      %div3A_772 = vector.broadcast %jit3A_771 : i32 to vector<16xi32>
      %div3A_773 = arith.divsi %iota3A_770, %div3A_772 : vector<16xi32>
      %sign3A_774 = arith.constant 0 : i32
      %sign3A_775 = vector.broadcast %sign3A_774 : i32 to vector<16xi32>
      %sign3A_776 = arith.cmpi sgt, %iota3A_770, %sign3A_775 : vector<16xi32>
      %sign3A_777 = arith.extui %sign3A_776 : vector<16xi1> to vector<16xi32>
      %sign3A_778 = arith.constant 0 : i32
      %sign3A_779 = vector.broadcast %sign3A_778 : i32 to vector<16xi32>
      %sign3A_780 = arith.cmpi slt, %iota3A_770, %sign3A_779 : vector<16xi32>
      %sign3A_781 = arith.extui %sign3A_780 : vector<16xi1> to vector<16xi32>
      %sign3A_782 = arith.subi %sign3A_777, %sign3A_781 : vector<16xi32>
      %sign3A_783 = arith.constant 0 : i32
      %sign3A_784 = arith.cmpi sgt, %jit3A_771, %sign3A_783 : i32
      %sign3A_785 = arith.extui %sign3A_784 : i1 to i32
      %sign3A_786 = arith.constant 0 : i32
      %sign3A_787 = arith.cmpi slt, %jit3A_771, %sign3A_786 : i32
      %sign3A_788 = arith.extui %sign3A_787 : i1 to i32
      %sign3A_789 = arith.subi %sign3A_785, %sign3A_788 : i32
      %ne3A_790 = vector.broadcast %sign3A_789 : i32 to vector<16xi32>
      %ne3A_791 = arith.cmpi ne, %sign3A_782, %ne3A_790 : vector<16xi32>
      %rem3A_792 = vector.broadcast %jit3A_771 : i32 to vector<16xi32>
      %rem3A_793 = arith.remsi %iota3A_770, %rem3A_792 : vector<16xi32>
      %ne3A_794 = arith.constant 0 : i32
      %ne3A_795 = vector.broadcast %ne3A_794 : i32 to vector<16xi32>
      %ne3A_796 = arith.cmpi ne, %rem3A_793, %ne3A_795 : vector<16xi32>
      %and3A_797 = arith.andi %ne3A_791, %ne3A_796 : vector<16xi1>
      %sub3A_798 = arith.constant 1 : i32
      %sub3A_799 = vector.broadcast %sub3A_798 : i32 to vector<16xi32>
      %sub3A_800 = arith.subi %div3A_773, %sub3A_799 : vector<16xi32>
      %select_n3A_801 = arith.select %and3A_797, %sub3A_800, %div3A_773 : vector<16xi1>, vector<16xi32>
      %add3A_802 = arith.constant 0 : i32
      %add3A_803 = vector.broadcast %add3A_802 : i32 to vector<16xi32>
      %add3A_804 = arith.addi %select_n3A_801, %add3A_803 : vector<16xi32>
      %jit3A_805 = arith.constant 2 : i32
      %div3A_806 = vector.broadcast %jit3A_805 : i32 to vector<16xi32>
      %div3A_807 = arith.divsi %iota3A_770, %div3A_806 : vector<16xi32>
      %sign3A_808 = arith.constant 0 : i32
      %sign3A_809 = vector.broadcast %sign3A_808 : i32 to vector<16xi32>
      %sign3A_810 = arith.cmpi sgt, %iota3A_770, %sign3A_809 : vector<16xi32>
      %sign3A_811 = arith.extui %sign3A_810 : vector<16xi1> to vector<16xi32>
      %sign3A_812 = arith.constant 0 : i32
      %sign3A_813 = vector.broadcast %sign3A_812 : i32 to vector<16xi32>
      %sign3A_814 = arith.cmpi slt, %iota3A_770, %sign3A_813 : vector<16xi32>
      %sign3A_815 = arith.extui %sign3A_814 : vector<16xi1> to vector<16xi32>
      %sign3A_816 = arith.subi %sign3A_811, %sign3A_815 : vector<16xi32>
      %sign3A_817 = arith.constant 0 : i32
      %sign3A_818 = arith.cmpi sgt, %jit3A_805, %sign3A_817 : i32
      %sign3A_819 = arith.extui %sign3A_818 : i1 to i32
      %sign3A_820 = arith.constant 0 : i32
      %sign3A_821 = arith.cmpi slt, %jit3A_805, %sign3A_820 : i32
      %sign3A_822 = arith.extui %sign3A_821 : i1 to i32
      %sign3A_823 = arith.subi %sign3A_819, %sign3A_822 : i32
      %ne3A_824 = vector.broadcast %sign3A_823 : i32 to vector<16xi32>
      %ne3A_825 = arith.cmpi ne, %sign3A_816, %ne3A_824 : vector<16xi32>
      %rem3A_826 = vector.broadcast %jit3A_805 : i32 to vector<16xi32>
      %rem3A_827 = arith.remsi %iota3A_770, %rem3A_826 : vector<16xi32>
      %ne3A_828 = arith.constant 0 : i32
      %ne3A_829 = vector.broadcast %ne3A_828 : i32 to vector<16xi32>
      %ne3A_830 = arith.cmpi ne, %rem3A_827, %ne3A_829 : vector<16xi32>
      %and3A_831 = arith.andi %ne3A_825, %ne3A_830 : vector<16xi1>
      %sub3A_832 = arith.constant 1 : i32
      %sub3A_833 = vector.broadcast %sub3A_832 : i32 to vector<16xi32>
      %sub3A_834 = arith.subi %div3A_807, %sub3A_833 : vector<16xi32>
      %select_n3A_835 = arith.select %and3A_831, %sub3A_834, %div3A_807 : vector<16xi1>, vector<16xi32>
      %add3A_836 = arith.constant 8 : i32
      %add3A_837 = vector.broadcast %add3A_836 : i32 to vector<16xi32>
      %add3A_838 = arith.addi %select_n3A_835, %add3A_837 : vector<16xi32>
      %jit3A_839 = arith.constant 2 : i32
      %div3A_840 = vector.broadcast %jit3A_839 : i32 to vector<16xi32>
      %div3A_841 = arith.divsi %iota3A_770, %div3A_840 : vector<16xi32>
      %sign3A_842 = arith.constant 0 : i32
      %sign3A_843 = vector.broadcast %sign3A_842 : i32 to vector<16xi32>
      %sign3A_844 = arith.cmpi sgt, %iota3A_770, %sign3A_843 : vector<16xi32>
      %sign3A_845 = arith.extui %sign3A_844 : vector<16xi1> to vector<16xi32>
      %sign3A_846 = arith.constant 0 : i32
      %sign3A_847 = vector.broadcast %sign3A_846 : i32 to vector<16xi32>
      %sign3A_848 = arith.cmpi slt, %iota3A_770, %sign3A_847 : vector<16xi32>
      %sign3A_849 = arith.extui %sign3A_848 : vector<16xi1> to vector<16xi32>
      %sign3A_850 = arith.subi %sign3A_845, %sign3A_849 : vector<16xi32>
      %sign3A_851 = arith.constant 0 : i32
      %sign3A_852 = arith.cmpi sgt, %jit3A_839, %sign3A_851 : i32
      %sign3A_853 = arith.extui %sign3A_852 : i1 to i32
      %sign3A_854 = arith.constant 0 : i32
      %sign3A_855 = arith.cmpi slt, %jit3A_839, %sign3A_854 : i32
      %sign3A_856 = arith.extui %sign3A_855 : i1 to i32
      %sign3A_857 = arith.subi %sign3A_853, %sign3A_856 : i32
      %ne3A_858 = vector.broadcast %sign3A_857 : i32 to vector<16xi32>
      %ne3A_859 = arith.cmpi ne, %sign3A_850, %ne3A_858 : vector<16xi32>
      %rem3A_860 = vector.broadcast %jit3A_839 : i32 to vector<16xi32>
      %rem3A_861 = arith.remsi %iota3A_770, %rem3A_860 : vector<16xi32>
      %ne3A_862 = arith.constant 0 : i32
      %ne3A_863 = vector.broadcast %ne3A_862 : i32 to vector<16xi32>
      %ne3A_864 = arith.cmpi ne, %rem3A_861, %ne3A_863 : vector<16xi32>
      %and3A_865 = arith.andi %ne3A_859, %ne3A_864 : vector<16xi1>
      %sub3A_866 = arith.constant 1 : i32
      %sub3A_867 = vector.broadcast %sub3A_866 : i32 to vector<16xi32>
      %sub3A_868 = arith.subi %div3A_841, %sub3A_867 : vector<16xi32>
      %select_n3A_869 = arith.select %and3A_865, %sub3A_868, %div3A_841 : vector<16xi1>, vector<16xi32>
      %add3A_870 = arith.constant 16 : i32
      %add3A_871 = vector.broadcast %add3A_870 : i32 to vector<16xi32>
      %add3A_872 = arith.addi %select_n3A_869, %add3A_871 : vector<16xi32>
      %jit3A_873 = arith.constant 2 : i32
      %div3A_874 = vector.broadcast %jit3A_873 : i32 to vector<16xi32>
      %div3A_875 = arith.divsi %iota3A_770, %div3A_874 : vector<16xi32>
      %sign3A_876 = arith.constant 0 : i32
      %sign3A_877 = vector.broadcast %sign3A_876 : i32 to vector<16xi32>
      %sign3A_878 = arith.cmpi sgt, %iota3A_770, %sign3A_877 : vector<16xi32>
      %sign3A_879 = arith.extui %sign3A_878 : vector<16xi1> to vector<16xi32>
      %sign3A_880 = arith.constant 0 : i32
      %sign3A_881 = vector.broadcast %sign3A_880 : i32 to vector<16xi32>
      %sign3A_882 = arith.cmpi slt, %iota3A_770, %sign3A_881 : vector<16xi32>
      %sign3A_883 = arith.extui %sign3A_882 : vector<16xi1> to vector<16xi32>
      %sign3A_884 = arith.subi %sign3A_879, %sign3A_883 : vector<16xi32>
      %sign3A_885 = arith.constant 0 : i32
      %sign3A_886 = arith.cmpi sgt, %jit3A_873, %sign3A_885 : i32
      %sign3A_887 = arith.extui %sign3A_886 : i1 to i32
      %sign3A_888 = arith.constant 0 : i32
      %sign3A_889 = arith.cmpi slt, %jit3A_873, %sign3A_888 : i32
      %sign3A_890 = arith.extui %sign3A_889 : i1 to i32
      %sign3A_891 = arith.subi %sign3A_887, %sign3A_890 : i32
      %ne3A_892 = vector.broadcast %sign3A_891 : i32 to vector<16xi32>
      %ne3A_893 = arith.cmpi ne, %sign3A_884, %ne3A_892 : vector<16xi32>
      %rem3A_894 = vector.broadcast %jit3A_873 : i32 to vector<16xi32>
      %rem3A_895 = arith.remsi %iota3A_770, %rem3A_894 : vector<16xi32>
      %ne3A_896 = arith.constant 0 : i32
      %ne3A_897 = vector.broadcast %ne3A_896 : i32 to vector<16xi32>
      %ne3A_898 = arith.cmpi ne, %rem3A_895, %ne3A_897 : vector<16xi32>
      %and3A_899 = arith.andi %ne3A_893, %ne3A_898 : vector<16xi1>
      %sub3A_900 = arith.constant 1 : i32
      %sub3A_901 = vector.broadcast %sub3A_900 : i32 to vector<16xi32>
      %sub3A_902 = arith.subi %div3A_875, %sub3A_901 : vector<16xi32>
      %select_n3A_903 = arith.select %and3A_899, %sub3A_902, %div3A_875 : vector<16xi1>, vector<16xi32>
      %add3A_904 = arith.constant 24 : i32
      %add3A_905 = vector.broadcast %add3A_904 : i32 to vector<16xi32>
      %add3A_906 = arith.addi %select_n3A_903, %add3A_905 : vector<16xi32>
      %jit3A_907 = arith.constant 2 : i32
      %div3A_908 = vector.broadcast %jit3A_907 : i32 to vector<16xi32>
      %div3A_909 = arith.divsi %iota3A_770, %div3A_908 : vector<16xi32>
      %sign3A_910 = arith.constant 0 : i32
      %sign3A_911 = vector.broadcast %sign3A_910 : i32 to vector<16xi32>
      %sign3A_912 = arith.cmpi sgt, %iota3A_770, %sign3A_911 : vector<16xi32>
      %sign3A_913 = arith.extui %sign3A_912 : vector<16xi1> to vector<16xi32>
      %sign3A_914 = arith.constant 0 : i32
      %sign3A_915 = vector.broadcast %sign3A_914 : i32 to vector<16xi32>
      %sign3A_916 = arith.cmpi slt, %iota3A_770, %sign3A_915 : vector<16xi32>
      %sign3A_917 = arith.extui %sign3A_916 : vector<16xi1> to vector<16xi32>
      %sign3A_918 = arith.subi %sign3A_913, %sign3A_917 : vector<16xi32>
      %sign3A_919 = arith.constant 0 : i32
      %sign3A_920 = arith.cmpi sgt, %jit3A_907, %sign3A_919 : i32
      %sign3A_921 = arith.extui %sign3A_920 : i1 to i32
      %sign3A_922 = arith.constant 0 : i32
      %sign3A_923 = arith.cmpi slt, %jit3A_907, %sign3A_922 : i32
      %sign3A_924 = arith.extui %sign3A_923 : i1 to i32
      %sign3A_925 = arith.subi %sign3A_921, %sign3A_924 : i32
      %ne3A_926 = vector.broadcast %sign3A_925 : i32 to vector<16xi32>
      %ne3A_927 = arith.cmpi ne, %sign3A_918, %ne3A_926 : vector<16xi32>
      %rem3A_928 = vector.broadcast %jit3A_907 : i32 to vector<16xi32>
      %rem3A_929 = arith.remsi %iota3A_770, %rem3A_928 : vector<16xi32>
      %ne3A_930 = arith.constant 0 : i32
      %ne3A_931 = vector.broadcast %ne3A_930 : i32 to vector<16xi32>
      %ne3A_932 = arith.cmpi ne, %rem3A_929, %ne3A_931 : vector<16xi32>
      %and3A_933 = arith.andi %ne3A_927, %ne3A_932 : vector<16xi1>
      %sub3A_934 = arith.constant 1 : i32
      %sub3A_935 = vector.broadcast %sub3A_934 : i32 to vector<16xi32>
      %sub3A_936 = arith.subi %div3A_909, %sub3A_935 : vector<16xi32>
      %select_n3A_937 = arith.select %and3A_933, %sub3A_936, %div3A_909 : vector<16xi1>, vector<16xi32>
      %add3A_938 = arith.constant 32 : i32
      %add3A_939 = vector.broadcast %add3A_938 : i32 to vector<16xi32>
      %add3A_940 = arith.addi %select_n3A_937, %add3A_939 : vector<16xi32>
      %jit3A_941 = arith.constant 2 : i32
      %div3A_942 = vector.broadcast %jit3A_941 : i32 to vector<16xi32>
      %div3A_943 = arith.divsi %iota3A_770, %div3A_942 : vector<16xi32>
      %sign3A_944 = arith.constant 0 : i32
      %sign3A_945 = vector.broadcast %sign3A_944 : i32 to vector<16xi32>
      %sign3A_946 = arith.cmpi sgt, %iota3A_770, %sign3A_945 : vector<16xi32>
      %sign3A_947 = arith.extui %sign3A_946 : vector<16xi1> to vector<16xi32>
      %sign3A_948 = arith.constant 0 : i32
      %sign3A_949 = vector.broadcast %sign3A_948 : i32 to vector<16xi32>
      %sign3A_950 = arith.cmpi slt, %iota3A_770, %sign3A_949 : vector<16xi32>
      %sign3A_951 = arith.extui %sign3A_950 : vector<16xi1> to vector<16xi32>
      %sign3A_952 = arith.subi %sign3A_947, %sign3A_951 : vector<16xi32>
      %sign3A_953 = arith.constant 0 : i32
      %sign3A_954 = arith.cmpi sgt, %jit3A_941, %sign3A_953 : i32
      %sign3A_955 = arith.extui %sign3A_954 : i1 to i32
      %sign3A_956 = arith.constant 0 : i32
      %sign3A_957 = arith.cmpi slt, %jit3A_941, %sign3A_956 : i32
      %sign3A_958 = arith.extui %sign3A_957 : i1 to i32
      %sign3A_959 = arith.subi %sign3A_955, %sign3A_958 : i32
      %ne3A_960 = vector.broadcast %sign3A_959 : i32 to vector<16xi32>
      %ne3A_961 = arith.cmpi ne, %sign3A_952, %ne3A_960 : vector<16xi32>
      %rem3A_962 = vector.broadcast %jit3A_941 : i32 to vector<16xi32>
      %rem3A_963 = arith.remsi %iota3A_770, %rem3A_962 : vector<16xi32>
      %ne3A_964 = arith.constant 0 : i32
      %ne3A_965 = vector.broadcast %ne3A_964 : i32 to vector<16xi32>
      %ne3A_966 = arith.cmpi ne, %rem3A_963, %ne3A_965 : vector<16xi32>
      %and3A_967 = arith.andi %ne3A_961, %ne3A_966 : vector<16xi1>
      %sub3A_968 = arith.constant 1 : i32
      %sub3A_969 = vector.broadcast %sub3A_968 : i32 to vector<16xi32>
      %sub3A_970 = arith.subi %div3A_943, %sub3A_969 : vector<16xi32>
      %select_n3A_971 = arith.select %and3A_967, %sub3A_970, %div3A_943 : vector<16xi1>, vector<16xi32>
      %add3A_972 = arith.constant 40 : i32
      %add3A_973 = vector.broadcast %add3A_972 : i32 to vector<16xi32>
      %add3A_974 = arith.addi %select_n3A_971, %add3A_973 : vector<16xi32>
      %jit3A_975 = arith.constant 2 : i32
      %div3A_976 = vector.broadcast %jit3A_975 : i32 to vector<16xi32>
      %div3A_977 = arith.divsi %iota3A_770, %div3A_976 : vector<16xi32>
      %sign3A_978 = arith.constant 0 : i32
      %sign3A_979 = vector.broadcast %sign3A_978 : i32 to vector<16xi32>
      %sign3A_980 = arith.cmpi sgt, %iota3A_770, %sign3A_979 : vector<16xi32>
      %sign3A_981 = arith.extui %sign3A_980 : vector<16xi1> to vector<16xi32>
      %sign3A_982 = arith.constant 0 : i32
      %sign3A_983 = vector.broadcast %sign3A_982 : i32 to vector<16xi32>
      %sign3A_984 = arith.cmpi slt, %iota3A_770, %sign3A_983 : vector<16xi32>
      %sign3A_985 = arith.extui %sign3A_984 : vector<16xi1> to vector<16xi32>
      %sign3A_986 = arith.subi %sign3A_981, %sign3A_985 : vector<16xi32>
      %sign3A_987 = arith.constant 0 : i32
      %sign3A_988 = arith.cmpi sgt, %jit3A_975, %sign3A_987 : i32
      %sign3A_989 = arith.extui %sign3A_988 : i1 to i32
      %sign3A_990 = arith.constant 0 : i32
      %sign3A_991 = arith.cmpi slt, %jit3A_975, %sign3A_990 : i32
      %sign3A_992 = arith.extui %sign3A_991 : i1 to i32
      %sign3A_993 = arith.subi %sign3A_989, %sign3A_992 : i32
      %ne3A_994 = vector.broadcast %sign3A_993 : i32 to vector<16xi32>
      %ne3A_995 = arith.cmpi ne, %sign3A_986, %ne3A_994 : vector<16xi32>
      %rem3A_996 = vector.broadcast %jit3A_975 : i32 to vector<16xi32>
      %rem3A_997 = arith.remsi %iota3A_770, %rem3A_996 : vector<16xi32>
      %ne3A_998 = arith.constant 0 : i32
      %ne3A_999 = vector.broadcast %ne3A_998 : i32 to vector<16xi32>
      %ne3A_1000 = arith.cmpi ne, %rem3A_997, %ne3A_999 : vector<16xi32>
      %and3A_1001 = arith.andi %ne3A_995, %ne3A_1000 : vector<16xi1>
      %sub3A_1002 = arith.constant 1 : i32
      %sub3A_1003 = vector.broadcast %sub3A_1002 : i32 to vector<16xi32>
      %sub3A_1004 = arith.subi %div3A_977, %sub3A_1003 : vector<16xi32>
      %select_n3A_1005 = arith.select %and3A_1001, %sub3A_1004, %div3A_977 : vector<16xi1>, vector<16xi32>
      %add3A_1006 = arith.constant 48 : i32
      %add3A_1007 = vector.broadcast %add3A_1006 : i32 to vector<16xi32>
      %add3A_1008 = arith.addi %select_n3A_1005, %add3A_1007 : vector<16xi32>
      %jit3A_1009 = arith.constant 2 : i32
      %div3A_1010 = vector.broadcast %jit3A_1009 : i32 to vector<16xi32>
      %div3A_1011 = arith.divsi %iota3A_770, %div3A_1010 : vector<16xi32>
      %sign3A_1012 = arith.constant 0 : i32
      %sign3A_1013 = vector.broadcast %sign3A_1012 : i32 to vector<16xi32>
      %sign3A_1014 = arith.cmpi sgt, %iota3A_770, %sign3A_1013 : vector<16xi32>
      %sign3A_1015 = arith.extui %sign3A_1014 : vector<16xi1> to vector<16xi32>
      %sign3A_1016 = arith.constant 0 : i32
      %sign3A_1017 = vector.broadcast %sign3A_1016 : i32 to vector<16xi32>
      %sign3A_1018 = arith.cmpi slt, %iota3A_770, %sign3A_1017 : vector<16xi32>
      %sign3A_1019 = arith.extui %sign3A_1018 : vector<16xi1> to vector<16xi32>
      %sign3A_1020 = arith.subi %sign3A_1015, %sign3A_1019 : vector<16xi32>
      %sign3A_1021 = arith.constant 0 : i32
      %sign3A_1022 = arith.cmpi sgt, %jit3A_1009, %sign3A_1021 : i32
      %sign3A_1023 = arith.extui %sign3A_1022 : i1 to i32
      %sign3A_1024 = arith.constant 0 : i32
      %sign3A_1025 = arith.cmpi slt, %jit3A_1009, %sign3A_1024 : i32
      %sign3A_1026 = arith.extui %sign3A_1025 : i1 to i32
      %sign3A_1027 = arith.subi %sign3A_1023, %sign3A_1026 : i32
      %ne3A_1028 = vector.broadcast %sign3A_1027 : i32 to vector<16xi32>
      %ne3A_1029 = arith.cmpi ne, %sign3A_1020, %ne3A_1028 : vector<16xi32>
      %rem3A_1030 = vector.broadcast %jit3A_1009 : i32 to vector<16xi32>
      %rem3A_1031 = arith.remsi %iota3A_770, %rem3A_1030 : vector<16xi32>
      %ne3A_1032 = arith.constant 0 : i32
      %ne3A_1033 = vector.broadcast %ne3A_1032 : i32 to vector<16xi32>
      %ne3A_1034 = arith.cmpi ne, %rem3A_1031, %ne3A_1033 : vector<16xi32>
      %and3A_1035 = arith.andi %ne3A_1029, %ne3A_1034 : vector<16xi1>
      %sub3A_1036 = arith.constant 1 : i32
      %sub3A_1037 = vector.broadcast %sub3A_1036 : i32 to vector<16xi32>
      %sub3A_1038 = arith.subi %div3A_1011, %sub3A_1037 : vector<16xi32>
      %select_n3A_1039 = arith.select %and3A_1035, %sub3A_1038, %div3A_1011 : vector<16xi1>, vector<16xi32>
      %add3A_1040 = arith.constant 56 : i32
      %add3A_1041 = vector.broadcast %add3A_1040 : i32 to vector<16xi32>
      %add3A_1042 = arith.addi %select_n3A_1039, %add3A_1041 : vector<16xi32>
      %jit3A_1043 = arith.constant 2 : i32
      %eq3A_1044 = arith.constant 0 : i32
      %eq3A_1045 = arith.cmpi eq, %jit3A_1043, %eq3A_1044 : i32
      %jit3A_1046 = arith.constant 1 : i32
      %select_n3A_1047 = arith.select %eq3A_1045, %jit3A_1046, %jit3A_1043 : i32
      %rem3A_1048 = vector.broadcast %select_n3A_1047 : i32 to vector<16xi32>
      %rem3A_1049 = arith.remsi %iota3A_770, %rem3A_1048 : vector<16xi32>
      %ne3A_1050 = arith.constant 0 : i32
      %ne3A_1051 = vector.broadcast %ne3A_1050 : i32 to vector<16xi32>
      %ne3A_1052 = arith.cmpi ne, %rem3A_1049, %ne3A_1051 : vector<16xi32>
      %lt3A_1053 = arith.constant 0 : i32
      %lt3A_1054 = vector.broadcast %lt3A_1053 : i32 to vector<16xi32>
      %lt3A_1055 = arith.cmpi slt, %rem3A_1049, %lt3A_1054 : vector<16xi32>
      %lt3A_1056 = arith.constant 0 : i32
      %lt3A_1057 = arith.cmpi slt, %select_n3A_1047, %lt3A_1056 : i32
      %ne3A_1058 = vector.broadcast %lt3A_1057 : i1 to vector<16xi1>
      %ne3A_1059 = vector.broadcast %ne3A_1058 : vector<16xi1> to vector<16xi1>
      %ne3A_1060 = arith.xori %lt3A_1055, %ne3A_1059 : vector<16xi1>
      %and3A_1061 = arith.andi %ne3A_1060, %ne3A_1052 : vector<16xi1>
      %add3A_1062 = vector.broadcast %select_n3A_1047 : i32 to vector<16xi32>
      %add3A_1063 = arith.addi %rem3A_1049, %add3A_1062 : vector<16xi32>
      %select_n3A_1064 = arith.select %and3A_1061, %add3A_1063, %rem3A_1049 : vector<16xi1>, vector<16xi32>
      %mul3A_1065 = arith.constant 64 : i32
      %mul3A_1066 = vector.broadcast %mul3A_1065 : i32 to vector<16xi32>
      %mul3A_1067 = arith.muli %select_n3A_1064, %mul3A_1066 : vector<16xi32>
      %parallel_loop3A_1068 = arith.constant 0 : i32
      %parallel_loop3A_1069 = arith.constant 64 : i32
      %parallel_loop3A_1070 = arith.constant 1 : i32
      scf.for %parallel_loop3A_1426 = %parallel_loop3A_1068 to %parallel_loop3A_1069 step %parallel_loop3A_1070  : i32 {
        %parallel_loop3A_1427 = vector.broadcast %parallel_loop3A_1426 : i32 to vector<16xi32>
        %parallel_loop3A_1428 = arith.addi %mul3A_1067, %parallel_loop3A_1427 : vector<16xi32>
        %parallel_loop3A_1429 = arith.index_cast %parallel_loop3A_1426 : i32 to index
        %parallel_loop3A_1430 = arith.constant 0 : index
        %parallel_loop3A_1431 = tpu.vector_load %arg7[%parallel_loop3A_1429, %parallel_loop3A_1430] {strides = array<i32>} : memref<64x128xf32, #tpu.memory_space<vmem>>, vector<16xf32>,
        tpu.vector_store_idx %arg11[%add3A_804, %parallel_loop3A_1428], %parallel_loop3A_1431 : memref<64x129xf32, #tpu.memory_space<vmem>>[vector<16xi32>, vector<16xi32>], vector<16xf32>,
        %parallel_loop3A_1432 = arith.index_cast %parallel_loop3A_1426 : i32 to index
        %parallel_loop3A_1433 = arith.constant 16 : index
        %parallel_loop3A_1434 = tpu.vector_load %arg7[%parallel_loop3A_1432, %parallel_loop3A_1433] {strides = array<i32>} : memref<64x128xf32, #tpu.memory_space<vmem>>, vector<16xf32>,
        tpu.vector_store_idx %arg11[%add3A_838, %parallel_loop3A_1428], %parallel_loop3A_1434 : memref<64x129xf32, #tpu.memory_space<vmem>>[vector<16xi32>, vector<16xi32>], vector<16xf32>,
        %parallel_loop3A_1435 = arith.index_cast %parallel_loop3A_1426 : i32 to index
        %parallel_loop3A_1436 = arith.constant 32 : index
        %parallel_loop3A_1437 = tpu.vector_load %arg7[%parallel_loop3A_1435, %parallel_loop3A_1436] {strides = array<i32>} : memref<64x128xf32, #tpu.memory_space<vmem>>, vector<16xf32>,
        tpu.vector_store_idx %arg11[%add3A_872, %parallel_loop3A_1428], %parallel_loop3A_1437 : memref<64x129xf32, #tpu.memory_space<vmem>>[vector<16xi32>, vector<16xi32>], vector<16xf32>,
        %parallel_loop3A_1438 = arith.index_cast %parallel_loop3A_1426 : i32 to index
        %parallel_loop3A_1439 = arith.constant 48 : index
        %parallel_loop3A_1440 = tpu.vector_load %arg7[%parallel_loop3A_1438, %parallel_loop3A_1439] {strides = array<i32>} : memref<64x128xf32, #tpu.memory_space<vmem>>, vector<16xf32>,
        tpu.vector_store_idx %arg11[%add3A_906, %parallel_loop3A_1428], %parallel_loop3A_1440 : memref<64x129xf32, #tpu.memory_space<vmem>>[vector<16xi32>, vector<16xi32>], vector<16xf32>,
        %parallel_loop3A_1441 = arith.index_cast %parallel_loop3A_1426 : i32 to index
        %parallel_loop3A_1442 = arith.constant 64 : index
        %parallel_loop3A_1443 = tpu.vector_load %arg7[%parallel_loop3A_1441, %parallel_loop3A_1442] {strides = array<i32>} : memref<64x128xf32, #tpu.memory_space<vmem>>, vector<16xf32>,
        tpu.vector_store_idx %arg11[%add3A_940, %parallel_loop3A_1428], %parallel_loop3A_1443 : memref<64x129xf32, #tpu.memory_space<vmem>>[vector<16xi32>, vector<16xi32>], vector<16xf32>,
        %parallel_loop3A_1444 = arith.index_cast %parallel_loop3A_1426 : i32 to index
        %parallel_loop3A_1445 = arith.constant 80 : index
        %parallel_loop3A_1446 = tpu.vector_load %arg7[%parallel_loop3A_1444, %parallel_loop3A_1445] {strides = array<i32>} : memref<64x128xf32, #tpu.memory_space<vmem>>, vector<16xf32>,
        tpu.vector_store_idx %arg11[%add3A_974, %parallel_loop3A_1428], %parallel_loop3A_1446 : memref<64x129xf32, #tpu.memory_space<vmem>>[vector<16xi32>, vector<16xi32>], vector<16xf32>,
        %parallel_loop3A_1447 = arith.index_cast %parallel_loop3A_1426 : i32 to index
        %parallel_loop3A_1448 = arith.constant 96 : index
        %parallel_loop3A_1449 = tpu.vector_load %arg7[%parallel_loop3A_1447, %parallel_loop3A_1448] {strides = array<i32>} : memref<64x128xf32, #tpu.memory_space<vmem>>, vector<16xf32>,
        tpu.vector_store_idx %arg11[%add3A_1008, %parallel_loop3A_1428], %parallel_loop3A_1449 : memref<64x129xf32, #tpu.memory_space<vmem>>[vector<16xi32>, vector<16xi32>], vector<16xf32>,
        %parallel_loop3A_1450 = arith.index_cast %parallel_loop3A_1426 : i32 to index
        %parallel_loop3A_1451 = arith.constant 112 : index
        %parallel_loop3A_1452 = tpu.vector_load %arg7[%parallel_loop3A_1450, %parallel_loop3A_1451] {strides = array<i32>} : memref<64x128xf32, #tpu.memory_space<vmem>>, vector<16xf32>,
        tpu.vector_store_idx %arg11[%add3A_1042, %parallel_loop3A_1428], %parallel_loop3A_1452 : memref<64x129xf32, #tpu.memory_space<vmem>>[vector<16xi32>, vector<16xi32>], vector<16xf32>,
      } {sc.loop_unroll_factor = 2 : i64, sc.parallel_access}
      %mul3A_1071 = arith.constant 64 : i32
      %mul3A_1072 = arith.muli %add3A_758, %mul3A_1071 : i32
      %dma_start3A_1073 = arith.constant 0 : i32
      %dma_start3A_1074 = arith.constant 0 : i32
      %dma_start3A_1075 = tpu.memref_slice %arg11[%dma_start3A_1073, %dma_start3A_1074] : memref<64x129xf32, #tpu.memory_space<vmem>> -> memref<64x128xf32, #tpu.memory_space<vmem>>
      %dma_start3A_1076 = arith.constant 0 : i32
      %dma_start3A_1077 = tpu.memref_slice %arg4[%mul3A_1072, %dma_start3A_1076] : memref<500000x128xf32, #tpu.memory_space<hbm>> -> memref<64x128xf32, #tpu.memory_space<hbm>>
      %dma_start3A_1078 = arith.constant 0 : i32
      %dma_start3A_1079 = tpu.memref_slice %arg4[%mul3A_1072, %dma_start3A_1078] : memref<500000x128xf32, #tpu.memory_space<hbm>> -> memref<64x128xf32, #tpu.memory_space<hbm>>
      %dma_start3A_1080 = arith.constant 0 : i32
      %dma_start3A_1081 = arith.constant 0 : i32
      %dma_start3A_1082 = tpu.memref_slice %arg11[%dma_start3A_1080, %dma_start3A_1081] : memref<64x129xf32, #tpu.memory_space<vmem>> -> memref<64x128xf32, #tpu.memory_space<vmem>>
      tpu.enqueue_dma source(%dma_start3A_1082 : memref<64x128xf32, #tpu.memory_space<vmem>>) target(%dma_start3A_1079 : memref<64x128xf32, #tpu.memory_space<hbm>>) target_semaphore(%arg19 : memref<!tpu.dma_semaphore, #tpu.memory_space<semaphore_mem>>)
      %add3A_1083 = arith.constant 4 : i32
      %add3A_1084 = arith.addi %add3A_757, %add3A_1083 : i32
      %lt3A_1085 = arith.constant 244 : i32
      %lt3A_1086 = arith.cmpi slt, %add3A_1084, %lt3A_1085 : i32
      %convert_element_type3A_1087 = arith.extui %lt3A_1086 : i1 to i32
      %cond3A_1088 = arith.constant 0 : i32
      %cond3A_1089 = arith.cmpi ne, %convert_element_type3A_1087, %cond3A_1088 : i32
      scf.if %cond3A_1089 {
        %add3A_1426 = arith.constant 4 : i32
        %add3A_1427 = arith.addi %add3A_758, %add3A_1426 : i32
        %mul3A_1428 = arith.constant 128 : i32
        %mul3A_1429 = arith.muli %add3A_1427, %mul3A_1428 : i32
        %dma_start3A_1430 = arith.constant 0 : i32
        %dma_start3A_1431 = tpu.memref_slice %arg2[%dma_start3A_1430, %mul3A_1429] : memref<64x1000000xf32, #tpu.memory_space<hbm>> -> memref<64x128xf32, #tpu.memory_space<hbm>>
        %dma_start3A_1432 = arith.constant 0 : i32
        %dma_start3A_1433 = tpu.memref_slice %arg2[%dma_start3A_1432, %mul3A_1429] : memref<64x1000000xf32, #tpu.memory_space<hbm>> -> memref<64x128xf32, #tpu.memory_space<hbm>>
        tpu.enqueue_dma source(%dma_start3A_1433 : memref<64x128xf32, #tpu.memory_space<hbm>>) target(%arg7 : memref<64x128xf32, #tpu.memory_space<vmem>>) target_semaphore(%arg15 : memref<!tpu.dma_semaphore, #tpu.memory_space<semaphore_mem>>)
      } else {
      }
      %mul3A_1090 = arith.constant 4 : i32
      %mul3A_1091 = arith.muli %scan3A_92, %mul3A_1090 : i32
      %add3A_1092 = arith.constant 3 : i32
      %add3A_1093 = arith.addi %mul3A_1091, %add3A_1092 : i32
      %add3A_1094 = arith.addi %mul3A_2, %add3A_1093 : i32
      %mul3A_1095 = arith.constant 128 : i32
      %mul3A_1096 = arith.muli %add3A_1094, %mul3A_1095 : i32
      %dma_wait3A_1097 = arith.constant 0 : i32
      %dma_wait3A_1098 = tpu.memref_slice %arg2[%dma_wait3A_1097, %mul3A_1096] : memref<64x1000000xf32, #tpu.memory_space<hbm>> -> memref<64x128xf32, #tpu.memory_space<hbm>>
      %dma_wait3A_1099 = arith.constant 0 : i32
      %dma_wait3A_1100 = tpu.memref_slice %arg2[%dma_wait3A_1099, %mul3A_1096] : memref<64x1000000xf32, #tpu.memory_space<hbm>> -> memref<64x128xf32, #tpu.memory_space<hbm>>
      tpu.wait_dma2 semaphore(%arg16 : memref<!tpu.dma_semaphore, #tpu.memory_space<semaphore_mem>>) src(%dma_wait3A_1100 : memref<64x128xf32, #tpu.memory_space<hbm>>) dst(%arg8 : memref<64x128xf32, #tpu.memory_space<vmem>>)
      %gt3A_1101 = arith.constant 0 : i32
      %gt3A_1102 = arith.cmpi sgt, %scan3A_92, %gt3A_1101 : i32
      %convert_element_type3A_1103 = arith.extui %gt3A_1102 : i1 to i32
      %cond3A_1104 = arith.constant 0 : i32
      %cond3A_1105 = arith.cmpi ne, %convert_element_type3A_1103, %cond3A_1104 : i32
      scf.if %cond3A_1105 {
        %mul3A_1426 = arith.constant 64 : i32
        %mul3A_1427 = arith.muli %add3A_1094, %mul3A_1426 : i32
        %dma_wait3A_1428 = arith.constant 0 : i32
        %dma_wait3A_1429 = arith.constant 0 : i32
        %dma_wait3A_1430 = tpu.memref_slice %arg12[%dma_wait3A_1428, %dma_wait3A_1429] : memref<64x129xf32, #tpu.memory_space<vmem>> -> memref<64x128xf32, #tpu.memory_space<vmem>>
        %dma_wait3A_1431 = arith.constant 0 : i32
        %dma_wait3A_1432 = tpu.memref_slice %arg4[%mul3A_1427, %dma_wait3A_1431] : memref<500000x128xf32, #tpu.memory_space<hbm>> -> memref<64x128xf32, #tpu.memory_space<hbm>>
        %dma_wait3A_1433 = arith.constant 0 : i32
        %dma_wait3A_1434 = tpu.memref_slice %arg4[%mul3A_1427, %dma_wait3A_1433] : memref<500000x128xf32, #tpu.memory_space<hbm>> -> memref<64x128xf32, #tpu.memory_space<hbm>>
        %dma_wait3A_1435 = arith.constant 0 : i32
        %dma_wait3A_1436 = arith.constant 0 : i32
        %dma_wait3A_1437 = tpu.memref_slice %arg12[%dma_wait3A_1435, %dma_wait3A_1436] : memref<64x129xf32, #tpu.memory_space<vmem>> -> memref<64x128xf32, #tpu.memory_space<vmem>>
        tpu.wait_dma2 semaphore(%arg20 : memref<!tpu.dma_semaphore, #tpu.memory_space<semaphore_mem>>) src(%dma_wait3A_1437 : memref<64x128xf32, #tpu.memory_space<vmem>>) dst(%dma_wait3A_1434 : memref<64x128xf32, #tpu.memory_space<hbm>>)
      } else {
      }
      %iota3A_1106 = tpu.iota {dimensions = array<i32: 0>} : vector<16xi32>
      %jit3A_1107 = arith.constant 2 : i32
      %div3A_1108 = vector.broadcast %jit3A_1107 : i32 to vector<16xi32>
      %div3A_1109 = arith.divsi %iota3A_1106, %div3A_1108 : vector<16xi32>
      %sign3A_1110 = arith.constant 0 : i32
      %sign3A_1111 = vector.broadcast %sign3A_1110 : i32 to vector<16xi32>
      %sign3A_1112 = arith.cmpi sgt, %iota3A_1106, %sign3A_1111 : vector<16xi32>
      %sign3A_1113 = arith.extui %sign3A_1112 : vector<16xi1> to vector<16xi32>
      %sign3A_1114 = arith.constant 0 : i32
      %sign3A_1115 = vector.broadcast %sign3A_1114 : i32 to vector<16xi32>
      %sign3A_1116 = arith.cmpi slt, %iota3A_1106, %sign3A_1115 : vector<16xi32>
      %sign3A_1117 = arith.extui %sign3A_1116 : vector<16xi1> to vector<16xi32>
      %sign3A_1118 = arith.subi %sign3A_1113, %sign3A_1117 : vector<16xi32>
      %sign3A_1119 = arith.constant 0 : i32
      %sign3A_1120 = arith.cmpi sgt, %jit3A_1107, %sign3A_1119 : i32
      %sign3A_1121 = arith.extui %sign3A_1120 : i1 to i32
      %sign3A_1122 = arith.constant 0 : i32
      %sign3A_1123 = arith.cmpi slt, %jit3A_1107, %sign3A_1122 : i32
      %sign3A_1124 = arith.extui %sign3A_1123 : i1 to i32
      %sign3A_1125 = arith.subi %sign3A_1121, %sign3A_1124 : i32
      %ne3A_1126 = vector.broadcast %sign3A_1125 : i32 to vector<16xi32>
      %ne3A_1127 = arith.cmpi ne, %sign3A_1118, %ne3A_1126 : vector<16xi32>
      %rem3A_1128 = vector.broadcast %jit3A_1107 : i32 to vector<16xi32>
      %rem3A_1129 = arith.remsi %iota3A_1106, %rem3A_1128 : vector<16xi32>
      %ne3A_1130 = arith.constant 0 : i32
      %ne3A_1131 = vector.broadcast %ne3A_1130 : i32 to vector<16xi32>
      %ne3A_1132 = arith.cmpi ne, %rem3A_1129, %ne3A_1131 : vector<16xi32>
      %and3A_1133 = arith.andi %ne3A_1127, %ne3A_1132 : vector<16xi1>
      %sub3A_1134 = arith.constant 1 : i32
      %sub3A_1135 = vector.broadcast %sub3A_1134 : i32 to vector<16xi32>
      %sub3A_1136 = arith.subi %div3A_1109, %sub3A_1135 : vector<16xi32>
      %select_n3A_1137 = arith.select %and3A_1133, %sub3A_1136, %div3A_1109 : vector<16xi1>, vector<16xi32>
      %add3A_1138 = arith.constant 0 : i32
      %add3A_1139 = vector.broadcast %add3A_1138 : i32 to vector<16xi32>
      %add3A_1140 = arith.addi %select_n3A_1137, %add3A_1139 : vector<16xi32>
      %jit3A_1141 = arith.constant 2 : i32
      %div3A_1142 = vector.broadcast %jit3A_1141 : i32 to vector<16xi32>
      %div3A_1143 = arith.divsi %iota3A_1106, %div3A_1142 : vector<16xi32>
      %sign3A_1144 = arith.constant 0 : i32
      %sign3A_1145 = vector.broadcast %sign3A_1144 : i32 to vector<16xi32>
      %sign3A_1146 = arith.cmpi sgt, %iota3A_1106, %sign3A_1145 : vector<16xi32>
      %sign3A_1147 = arith.extui %sign3A_1146 : vector<16xi1> to vector<16xi32>
      %sign3A_1148 = arith.constant 0 : i32
      %sign3A_1149 = vector.broadcast %sign3A_1148 : i32 to vector<16xi32>
      %sign3A_1150 = arith.cmpi slt, %iota3A_1106, %sign3A_1149 : vector<16xi32>
      %sign3A_1151 = arith.extui %sign3A_1150 : vector<16xi1> to vector<16xi32>
      %sign3A_1152 = arith.subi %sign3A_1147, %sign3A_1151 : vector<16xi32>
      %sign3A_1153 = arith.constant 0 : i32
      %sign3A_1154 = arith.cmpi sgt, %jit3A_1141, %sign3A_1153 : i32
      %sign3A_1155 = arith.extui %sign3A_1154 : i1 to i32
      %sign3A_1156 = arith.constant 0 : i32
      %sign3A_1157 = arith.cmpi slt, %jit3A_1141, %sign3A_1156 : i32
      %sign3A_1158 = arith.extui %sign3A_1157 : i1 to i32
      %sign3A_1159 = arith.subi %sign3A_1155, %sign3A_1158 : i32
      %ne3A_1160 = vector.broadcast %sign3A_1159 : i32 to vector<16xi32>
      %ne3A_1161 = arith.cmpi ne, %sign3A_1152, %ne3A_1160 : vector<16xi32>
      %rem3A_1162 = vector.broadcast %jit3A_1141 : i32 to vector<16xi32>
      %rem3A_1163 = arith.remsi %iota3A_1106, %rem3A_1162 : vector<16xi32>
      %ne3A_1164 = arith.constant 0 : i32
      %ne3A_1165 = vector.broadcast %ne3A_1164 : i32 to vector<16xi32>
      %ne3A_1166 = arith.cmpi ne, %rem3A_1163, %ne3A_1165 : vector<16xi32>
      %and3A_1167 = arith.andi %ne3A_1161, %ne3A_1166 : vector<16xi1>
      %sub3A_1168 = arith.constant 1 : i32
      %sub3A_1169 = vector.broadcast %sub3A_1168 : i32 to vector<16xi32>
      %sub3A_1170 = arith.subi %div3A_1143, %sub3A_1169 : vector<16xi32>
      %select_n3A_1171 = arith.select %and3A_1167, %sub3A_1170, %div3A_1143 : vector<16xi1>, vector<16xi32>
      %add3A_1172 = arith.constant 8 : i32
      %add3A_1173 = vector.broadcast %add3A_1172 : i32 to vector<16xi32>
      %add3A_1174 = arith.addi %select_n3A_1171, %add3A_1173 : vector<16xi32>
      %jit3A_1175 = arith.constant 2 : i32
      %div3A_1176 = vector.broadcast %jit3A_1175 : i32 to vector<16xi32>
      %div3A_1177 = arith.divsi %iota3A_1106, %div3A_1176 : vector<16xi32>
      %sign3A_1178 = arith.constant 0 : i32
      %sign3A_1179 = vector.broadcast %sign3A_1178 : i32 to vector<16xi32>
      %sign3A_1180 = arith.cmpi sgt, %iota3A_1106, %sign3A_1179 : vector<16xi32>
      %sign3A_1181 = arith.extui %sign3A_1180 : vector<16xi1> to vector<16xi32>
      %sign3A_1182 = arith.constant 0 : i32
      %sign3A_1183 = vector.broadcast %sign3A_1182 : i32 to vector<16xi32>
      %sign3A_1184 = arith.cmpi slt, %iota3A_1106, %sign3A_1183 : vector<16xi32>
      %sign3A_1185 = arith.extui %sign3A_1184 : vector<16xi1> to vector<16xi32>
      %sign3A_1186 = arith.subi %sign3A_1181, %sign3A_1185 : vector<16xi32>
      %sign3A_1187 = arith.constant 0 : i32
      %sign3A_1188 = arith.cmpi sgt, %jit3A_1175, %sign3A_1187 : i32
      %sign3A_1189 = arith.extui %sign3A_1188 : i1 to i32
      %sign3A_1190 = arith.constant 0 : i32
      %sign3A_1191 = arith.cmpi slt, %jit3A_1175, %sign3A_1190 : i32
      %sign3A_1192 = arith.extui %sign3A_1191 : i1 to i32
      %sign3A_1193 = arith.subi %sign3A_1189, %sign3A_1192 : i32
      %ne3A_1194 = vector.broadcast %sign3A_1193 : i32 to vector<16xi32>
      %ne3A_1195 = arith.cmpi ne, %sign3A_1186, %ne3A_1194 : vector<16xi32>
      %rem3A_1196 = vector.broadcast %jit3A_1175 : i32 to vector<16xi32>
      %rem3A_1197 = arith.remsi %iota3A_1106, %rem3A_1196 : vector<16xi32>
      %ne3A_1198 = arith.constant 0 : i32
      %ne3A_1199 = vector.broadcast %ne3A_1198 : i32 to vector<16xi32>
      %ne3A_1200 = arith.cmpi ne, %rem3A_1197, %ne3A_1199 : vector<16xi32>
      %and3A_1201 = arith.andi %ne3A_1195, %ne3A_1200 : vector<16xi1>
      %sub3A_1202 = arith.constant 1 : i32
      %sub3A_1203 = vector.broadcast %sub3A_1202 : i32 to vector<16xi32>
      %sub3A_1204 = arith.subi %div3A_1177, %sub3A_1203 : vector<16xi32>
      %select_n3A_1205 = arith.select %and3A_1201, %sub3A_1204, %div3A_1177 : vector<16xi1>, vector<16xi32>
      %add3A_1206 = arith.constant 16 : i32
      %add3A_1207 = vector.broadcast %add3A_1206 : i32 to vector<16xi32>
      %add3A_1208 = arith.addi %select_n3A_1205, %add3A_1207 : vector<16xi32>
      %jit3A_1209 = arith.constant 2 : i32
      %div3A_1210 = vector.broadcast %jit3A_1209 : i32 to vector<16xi32>
      %div3A_1211 = arith.divsi %iota3A_1106, %div3A_1210 : vector<16xi32>
      %sign3A_1212 = arith.constant 0 : i32
      %sign3A_1213 = vector.broadcast %sign3A_1212 : i32 to vector<16xi32>
      %sign3A_1214 = arith.cmpi sgt, %iota3A_1106, %sign3A_1213 : vector<16xi32>
      %sign3A_1215 = arith.extui %sign3A_1214 : vector<16xi1> to vector<16xi32>
      %sign3A_1216 = arith.constant 0 : i32
      %sign3A_1217 = vector.broadcast %sign3A_1216 : i32 to vector<16xi32>
      %sign3A_1218 = arith.cmpi slt, %iota3A_1106, %sign3A_1217 : vector<16xi32>
      %sign3A_1219 = arith.extui %sign3A_1218 : vector<16xi1> to vector<16xi32>
      %sign3A_1220 = arith.subi %sign3A_1215, %sign3A_1219 : vector<16xi32>
      %sign3A_1221 = arith.constant 0 : i32
      %sign3A_1222 = arith.cmpi sgt, %jit3A_1209, %sign3A_1221 : i32
      %sign3A_1223 = arith.extui %sign3A_1222 : i1 to i32
      %sign3A_1224 = arith.constant 0 : i32
      %sign3A_1225 = arith.cmpi slt, %jit3A_1209, %sign3A_1224 : i32
      %sign3A_1226 = arith.extui %sign3A_1225 : i1 to i32
      %sign3A_1227 = arith.subi %sign3A_1223, %sign3A_1226 : i32
      %ne3A_1228 = vector.broadcast %sign3A_1227 : i32 to vector<16xi32>
      %ne3A_1229 = arith.cmpi ne, %sign3A_1220, %ne3A_1228 : vector<16xi32>
      %rem3A_1230 = vector.broadcast %jit3A_1209 : i32 to vector<16xi32>
      %rem3A_1231 = arith.remsi %iota3A_1106, %rem3A_1230 : vector<16xi32>
      %ne3A_1232 = arith.constant 0 : i32
      %ne3A_1233 = vector.broadcast %ne3A_1232 : i32 to vector<16xi32>
      %ne3A_1234 = arith.cmpi ne, %rem3A_1231, %ne3A_1233 : vector<16xi32>
      %and3A_1235 = arith.andi %ne3A_1229, %ne3A_1234 : vector<16xi1>
      %sub3A_1236 = arith.constant 1 : i32
      %sub3A_1237 = vector.broadcast %sub3A_1236 : i32 to vector<16xi32>
      %sub3A_1238 = arith.subi %div3A_1211, %sub3A_1237 : vector<16xi32>
      %select_n3A_1239 = arith.select %and3A_1235, %sub3A_1238, %div3A_1211 : vector<16xi1>, vector<16xi32>
      %add3A_1240 = arith.constant 24 : i32
      %add3A_1241 = vector.broadcast %add3A_1240 : i32 to vector<16xi32>
      %add3A_1242 = arith.addi %select_n3A_1239, %add3A_1241 : vector<16xi32>
      %jit3A_1243 = arith.constant 2 : i32
      %div3A_1244 = vector.broadcast %jit3A_1243 : i32 to vector<16xi32>
      %div3A_1245 = arith.divsi %iota3A_1106, %div3A_1244 : vector<16xi32>
      %sign3A_1246 = arith.constant 0 : i32
      %sign3A_1247 = vector.broadcast %sign3A_1246 : i32 to vector<16xi32>
      %sign3A_1248 = arith.cmpi sgt, %iota3A_1106, %sign3A_1247 : vector<16xi32>
      %sign3A_1249 = arith.extui %sign3A_1248 : vector<16xi1> to vector<16xi32>
      %sign3A_1250 = arith.constant 0 : i32
      %sign3A_1251 = vector.broadcast %sign3A_1250 : i32 to vector<16xi32>
      %sign3A_1252 = arith.cmpi slt, %iota3A_1106, %sign3A_1251 : vector<16xi32>
      %sign3A_1253 = arith.extui %sign3A_1252 : vector<16xi1> to vector<16xi32>
      %sign3A_1254 = arith.subi %sign3A_1249, %sign3A_1253 : vector<16xi32>
      %sign3A_1255 = arith.constant 0 : i32
      %sign3A_1256 = arith.cmpi sgt, %jit3A_1243, %sign3A_1255 : i32
      %sign3A_1257 = arith.extui %sign3A_1256 : i1 to i32
      %sign3A_1258 = arith.constant 0 : i32
      %sign3A_1259 = arith.cmpi slt, %jit3A_1243, %sign3A_1258 : i32
      %sign3A_1260 = arith.extui %sign3A_1259 : i1 to i32
      %sign3A_1261 = arith.subi %sign3A_1257, %sign3A_1260 : i32
      %ne3A_1262 = vector.broadcast %sign3A_1261 : i32 to vector<16xi32>
      %ne3A_1263 = arith.cmpi ne, %sign3A_1254, %ne3A_1262 : vector<16xi32>
      %rem3A_1264 = vector.broadcast %jit3A_1243 : i32 to vector<16xi32>
      %rem3A_1265 = arith.remsi %iota3A_1106, %rem3A_1264 : vector<16xi32>
      %ne3A_1266 = arith.constant 0 : i32
      %ne3A_1267 = vector.broadcast %ne3A_1266 : i32 to vector<16xi32>
      %ne3A_1268 = arith.cmpi ne, %rem3A_1265, %ne3A_1267 : vector<16xi32>
      %and3A_1269 = arith.andi %ne3A_1263, %ne3A_1268 : vector<16xi1>
      %sub3A_1270 = arith.constant 1 : i32
      %sub3A_1271 = vector.broadcast %sub3A_1270 : i32 to vector<16xi32>
      %sub3A_1272 = arith.subi %div3A_1245, %sub3A_1271 : vector<16xi32>
      %select_n3A_1273 = arith.select %and3A_1269, %sub3A_1272, %div3A_1245 : vector<16xi1>, vector<16xi32>
      %add3A_1274 = arith.constant 32 : i32
      %add3A_1275 = vector.broadcast %add3A_1274 : i32 to vector<16xi32>
      %add3A_1276 = arith.addi %select_n3A_1273, %add3A_1275 : vector<16xi32>
      %jit3A_1277 = arith.constant 2 : i32
      %div3A_1278 = vector.broadcast %jit3A_1277 : i32 to vector<16xi32>
      %div3A_1279 = arith.divsi %iota3A_1106, %div3A_1278 : vector<16xi32>
      %sign3A_1280 = arith.constant 0 : i32
      %sign3A_1281 = vector.broadcast %sign3A_1280 : i32 to vector<16xi32>
      %sign3A_1282 = arith.cmpi sgt, %iota3A_1106, %sign3A_1281 : vector<16xi32>
      %sign3A_1283 = arith.extui %sign3A_1282 : vector<16xi1> to vector<16xi32>
      %sign3A_1284 = arith.constant 0 : i32
      %sign3A_1285 = vector.broadcast %sign3A_1284 : i32 to vector<16xi32>
      %sign3A_1286 = arith.cmpi slt, %iota3A_1106, %sign3A_1285 : vector<16xi32>
      %sign3A_1287 = arith.extui %sign3A_1286 : vector<16xi1> to vector<16xi32>
      %sign3A_1288 = arith.subi %sign3A_1283, %sign3A_1287 : vector<16xi32>
      %sign3A_1289 = arith.constant 0 : i32
      %sign3A_1290 = arith.cmpi sgt, %jit3A_1277, %sign3A_1289 : i32
      %sign3A_1291 = arith.extui %sign3A_1290 : i1 to i32
      %sign3A_1292 = arith.constant 0 : i32
      %sign3A_1293 = arith.cmpi slt, %jit3A_1277, %sign3A_1292 : i32
      %sign3A_1294 = arith.extui %sign3A_1293 : i1 to i32
      %sign3A_1295 = arith.subi %sign3A_1291, %sign3A_1294 : i32
      %ne3A_1296 = vector.broadcast %sign3A_1295 : i32 to vector<16xi32>
      %ne3A_1297 = arith.cmpi ne, %sign3A_1288, %ne3A_1296 : vector<16xi32>
      %rem3A_1298 = vector.broadcast %jit3A_1277 : i32 to vector<16xi32>
      %rem3A_1299 = arith.remsi %iota3A_1106, %rem3A_1298 : vector<16xi32>
      %ne3A_1300 = arith.constant 0 : i32
      %ne3A_1301 = vector.broadcast %ne3A_1300 : i32 to vector<16xi32>
      %ne3A_1302 = arith.cmpi ne, %rem3A_1299, %ne3A_1301 : vector<16xi32>
      %and3A_1303 = arith.andi %ne3A_1297, %ne3A_1302 : vector<16xi1>
      %sub3A_1304 = arith.constant 1 : i32
      %sub3A_1305 = vector.broadcast %sub3A_1304 : i32 to vector<16xi32>
      %sub3A_1306 = arith.subi %div3A_1279, %sub3A_1305 : vector<16xi32>
      %select_n3A_1307 = arith.select %and3A_1303, %sub3A_1306, %div3A_1279 : vector<16xi1>, vector<16xi32>
      %add3A_1308 = arith.constant 40 : i32
      %add3A_1309 = vector.broadcast %add3A_1308 : i32 to vector<16xi32>
      %add3A_1310 = arith.addi %select_n3A_1307, %add3A_1309 : vector<16xi32>
      %jit3A_1311 = arith.constant 2 : i32
      %div3A_1312 = vector.broadcast %jit3A_1311 : i32 to vector<16xi32>
      %div3A_1313 = arith.divsi %iota3A_1106, %div3A_1312 : vector<16xi32>
      %sign3A_1314 = arith.constant 0 : i32
      %sign3A_1315 = vector.broadcast %sign3A_1314 : i32 to vector<16xi32>
      %sign3A_1316 = arith.cmpi sgt, %iota3A_1106, %sign3A_1315 : vector<16xi32>
      %sign3A_1317 = arith.extui %sign3A_1316 : vector<16xi1> to vector<16xi32>
      %sign3A_1318 = arith.constant 0 : i32
      %sign3A_1319 = vector.broadcast %sign3A_1318 : i32 to vector<16xi32>
      %sign3A_1320 = arith.cmpi slt, %iota3A_1106, %sign3A_1319 : vector<16xi32>
      %sign3A_1321 = arith.extui %sign3A_1320 : vector<16xi1> to vector<16xi32>
      %sign3A_1322 = arith.subi %sign3A_1317, %sign3A_1321 : vector<16xi32>
      %sign3A_1323 = arith.constant 0 : i32
      %sign3A_1324 = arith.cmpi sgt, %jit3A_1311, %sign3A_1323 : i32
      %sign3A_1325 = arith.extui %sign3A_1324 : i1 to i32
      %sign3A_1326 = arith.constant 0 : i32
      %sign3A_1327 = arith.cmpi slt, %jit3A_1311, %sign3A_1326 : i32
      %sign3A_1328 = arith.extui %sign3A_1327 : i1 to i32
      %sign3A_1329 = arith.subi %sign3A_1325, %sign3A_1328 : i32
      %ne3A_1330 = vector.broadcast %sign3A_1329 : i32 to vector<16xi32>
      %ne3A_1331 = arith.cmpi ne, %sign3A_1322, %ne3A_1330 : vector<16xi32>
      %rem3A_1332 = vector.broadcast %jit3A_1311 : i32 to vector<16xi32>
      %rem3A_1333 = arith.remsi %iota3A_1106, %rem3A_1332 : vector<16xi32>
      %ne3A_1334 = arith.constant 0 : i32
      %ne3A_1335 = vector.broadcast %ne3A_1334 : i32 to vector<16xi32>
      %ne3A_1336 = arith.cmpi ne, %rem3A_1333, %ne3A_1335 : vector<16xi32>
      %and3A_1337 = arith.andi %ne3A_1331, %ne3A_1336 : vector<16xi1>
      %sub3A_1338 = arith.constant 1 : i32
      %sub3A_1339 = vector.broadcast %sub3A_1338 : i32 to vector<16xi32>
      %sub3A_1340 = arith.subi %div3A_1313, %sub3A_1339 : vector<16xi32>
      %select_n3A_1341 = arith.select %and3A_1337, %sub3A_1340, %div3A_1313 : vector<16xi1>, vector<16xi32>
      %add3A_1342 = arith.constant 48 : i32
      %add3A_1343 = vector.broadcast %add3A_1342 : i32 to vector<16xi32>
      %add3A_1344 = arith.addi %select_n3A_1341, %add3A_1343 : vector<16xi32>
      %jit3A_1345 = arith.constant 2 : i32
      %div3A_1346 = vector.broadcast %jit3A_1345 : i32 to vector<16xi32>
      %div3A_1347 = arith.divsi %iota3A_1106, %div3A_1346 : vector<16xi32>
      %sign3A_1348 = arith.constant 0 : i32
      %sign3A_1349 = vector.broadcast %sign3A_1348 : i32 to vector<16xi32>
      %sign3A_1350 = arith.cmpi sgt, %iota3A_1106, %sign3A_1349 : vector<16xi32>
      %sign3A_1351 = arith.extui %sign3A_1350 : vector<16xi1> to vector<16xi32>
      %sign3A_1352 = arith.constant 0 : i32
      %sign3A_1353 = vector.broadcast %sign3A_1352 : i32 to vector<16xi32>
      %sign3A_1354 = arith.cmpi slt, %iota3A_1106, %sign3A_1353 : vector<16xi32>
      %sign3A_1355 = arith.extui %sign3A_1354 : vector<16xi1> to vector<16xi32>
      %sign3A_1356 = arith.subi %sign3A_1351, %sign3A_1355 : vector<16xi32>
      %sign3A_1357 = arith.constant 0 : i32
      %sign3A_1358 = arith.cmpi sgt, %jit3A_1345, %sign3A_1357 : i32
      %sign3A_1359 = arith.extui %sign3A_1358 : i1 to i32
      %sign3A_1360 = arith.constant 0 : i32
      %sign3A_1361 = arith.cmpi slt, %jit3A_1345, %sign3A_1360 : i32
      %sign3A_1362 = arith.extui %sign3A_1361 : i1 to i32
      %sign3A_1363 = arith.subi %sign3A_1359, %sign3A_1362 : i32
      %ne3A_1364 = vector.broadcast %sign3A_1363 : i32 to vector<16xi32>
      %ne3A_1365 = arith.cmpi ne, %sign3A_1356, %ne3A_1364 : vector<16xi32>
      %rem3A_1366 = vector.broadcast %jit3A_1345 : i32 to vector<16xi32>
      %rem3A_1367 = arith.remsi %iota3A_1106, %rem3A_1366 : vector<16xi32>
      %ne3A_1368 = arith.constant 0 : i32
      %ne3A_1369 = vector.broadcast %ne3A_1368 : i32 to vector<16xi32>
      %ne3A_1370 = arith.cmpi ne, %rem3A_1367, %ne3A_1369 : vector<16xi32>
      %and3A_1371 = arith.andi %ne3A_1365, %ne3A_1370 : vector<16xi1>
      %sub3A_1372 = arith.constant 1 : i32
      %sub3A_1373 = vector.broadcast %sub3A_1372 : i32 to vector<16xi32>
      %sub3A_1374 = arith.subi %div3A_1347, %sub3A_1373 : vector<16xi32>
      %select_n3A_1375 = arith.select %and3A_1371, %sub3A_1374, %div3A_1347 : vector<16xi1>, vector<16xi32>
      %add3A_1376 = arith.constant 56 : i32
      %add3A_1377 = vector.broadcast %add3A_1376 : i32 to vector<16xi32>
      %add3A_1378 = arith.addi %select_n3A_1375, %add3A_1377 : vector<16xi32>
      %jit3A_1379 = arith.constant 2 : i32
      %eq3A_1380 = arith.constant 0 : i32
      %eq3A_1381 = arith.cmpi eq, %jit3A_1379, %eq3A_1380 : i32
      %jit3A_1382 = arith.constant 1 : i32
      %select_n3A_1383 = arith.select %eq3A_1381, %jit3A_1382, %jit3A_1379 : i32
      %rem3A_1384 = vector.broadcast %select_n3A_1383 : i32 to vector<16xi32>
      %rem3A_1385 = arith.remsi %iota3A_1106, %rem3A_1384 : vector<16xi32>
      %ne3A_1386 = arith.constant 0 : i32
      %ne3A_1387 = vector.broadcast %ne3A_1386 : i32 to vector<16xi32>
      %ne3A_1388 = arith.cmpi ne, %rem3A_1385, %ne3A_1387 : vector<16xi32>
      %lt3A_1389 = arith.constant 0 : i32
      %lt3A_1390 = vector.broadcast %lt3A_1389 : i32 to vector<16xi32>
      %lt3A_1391 = arith.cmpi slt, %rem3A_1385, %lt3A_1390 : vector<16xi32>
      %lt3A_1392 = arith.constant 0 : i32
      %lt3A_1393 = arith.cmpi slt, %select_n3A_1383, %lt3A_1392 : i32
      %ne3A_1394 = vector.broadcast %lt3A_1393 : i1 to vector<16xi1>
      %ne3A_1395 = vector.broadcast %ne3A_1394 : vector<16xi1> to vector<16xi1>
      %ne3A_1396 = arith.xori %lt3A_1391, %ne3A_1395 : vector<16xi1>
      %and3A_1397 = arith.andi %ne3A_1396, %ne3A_1388 : vector<16xi1>
      %add3A_1398 = vector.broadcast %select_n3A_1383 : i32 to vector<16xi32>
      %add3A_1399 = arith.addi %rem3A_1385, %add3A_1398 : vector<16xi32>
      %select_n3A_1400 = arith.select %and3A_1397, %add3A_1399, %rem3A_1385 : vector<16xi1>, vector<16xi32>
      %mul3A_1401 = arith.constant 64 : i32
      %mul3A_1402 = vector.broadcast %mul3A_1401 : i32 to vector<16xi32>
      %mul3A_1403 = arith.muli %select_n3A_1400, %mul3A_1402 : vector<16xi32>
      %parallel_loop3A_1404 = arith.constant 0 : i32
      %parallel_loop3A_1405 = arith.constant 64 : i32
      %parallel_loop3A_1406 = arith.constant 1 : i32
      scf.for %parallel_loop3A_1426 = %parallel_loop3A_1404 to %parallel_loop3A_1405 step %parallel_loop3A_1406  : i32 {
        %parallel_loop3A_1427 = vector.broadcast %parallel_loop3A_1426 : i32 to vector<16xi32>
        %parallel_loop3A_1428 = arith.addi %mul3A_1403, %parallel_loop3A_1427 : vector<16xi32>
        %parallel_loop3A_1429 = arith.index_cast %parallel_loop3A_1426 : i32 to index
        %parallel_loop3A_1430 = arith.constant 0 : index
        %parallel_loop3A_1431 = tpu.vector_load %arg8[%parallel_loop3A_1429, %parallel_loop3A_1430] {strides = array<i32>} : memref<64x128xf32, #tpu.memory_space<vmem>>, vector<16xf32>,
        tpu.vector_store_idx %arg12[%add3A_1140, %parallel_loop3A_1428], %parallel_loop3A_1431 : memref<64x129xf32, #tpu.memory_space<vmem>>[vector<16xi32>, vector<16xi32>], vector<16xf32>,
        %parallel_loop3A_1432 = arith.index_cast %parallel_loop3A_1426 : i32 to index
        %parallel_loop3A_1433 = arith.constant 16 : index
        %parallel_loop3A_1434 = tpu.vector_load %arg8[%parallel_loop3A_1432, %parallel_loop3A_1433] {strides = array<i32>} : memref<64x128xf32, #tpu.memory_space<vmem>>, vector<16xf32>,
        tpu.vector_store_idx %arg12[%add3A_1174, %parallel_loop3A_1428], %parallel_loop3A_1434 : memref<64x129xf32, #tpu.memory_space<vmem>>[vector<16xi32>, vector<16xi32>], vector<16xf32>,
        %parallel_loop3A_1435 = arith.index_cast %parallel_loop3A_1426 : i32 to index
        %parallel_loop3A_1436 = arith.constant 32 : index
        %parallel_loop3A_1437 = tpu.vector_load %arg8[%parallel_loop3A_1435, %parallel_loop3A_1436] {strides = array<i32>} : memref<64x128xf32, #tpu.memory_space<vmem>>, vector<16xf32>,
        tpu.vector_store_idx %arg12[%add3A_1208, %parallel_loop3A_1428], %parallel_loop3A_1437 : memref<64x129xf32, #tpu.memory_space<vmem>>[vector<16xi32>, vector<16xi32>], vector<16xf32>,
        %parallel_loop3A_1438 = arith.index_cast %parallel_loop3A_1426 : i32 to index
        %parallel_loop3A_1439 = arith.constant 48 : index
        %parallel_loop3A_1440 = tpu.vector_load %arg8[%parallel_loop3A_1438, %parallel_loop3A_1439] {strides = array<i32>} : memref<64x128xf32, #tpu.memory_space<vmem>>, vector<16xf32>,
        tpu.vector_store_idx %arg12[%add3A_1242, %parallel_loop3A_1428], %parallel_loop3A_1440 : memref<64x129xf32, #tpu.memory_space<vmem>>[vector<16xi32>, vector<16xi32>], vector<16xf32>,
        %parallel_loop3A_1441 = arith.index_cast %parallel_loop3A_1426 : i32 to index
        %parallel_loop3A_1442 = arith.constant 64 : index
        %parallel_loop3A_1443 = tpu.vector_load %arg8[%parallel_loop3A_1441, %parallel_loop3A_1442] {strides = array<i32>} : memref<64x128xf32, #tpu.memory_space<vmem>>, vector<16xf32>,
        tpu.vector_store_idx %arg12[%add3A_1276, %parallel_loop3A_1428], %parallel_loop3A_1443 : memref<64x129xf32, #tpu.memory_space<vmem>>[vector<16xi32>, vector<16xi32>], vector<16xf32>,
        %parallel_loop3A_1444 = arith.index_cast %parallel_loop3A_1426 : i32 to index
        %parallel_loop3A_1445 = arith.constant 80 : index
        %parallel_loop3A_1446 = tpu.vector_load %arg8[%parallel_loop3A_1444, %parallel_loop3A_1445] {strides = array<i32>} : memref<64x128xf32, #tpu.memory_space<vmem>>, vector<16xf32>,
        tpu.vector_store_idx %arg12[%add3A_1310, %parallel_loop3A_1428], %parallel_loop3A_1446 : memref<64x129xf32, #tpu.memory_space<vmem>>[vector<16xi32>, vector<16xi32>], vector<16xf32>,
        %parallel_loop3A_1447 = arith.index_cast %parallel_loop3A_1426 : i32 to index
        %parallel_loop3A_1448 = arith.constant 96 : index
        %parallel_loop3A_1449 = tpu.vector_load %arg8[%parallel_loop3A_1447, %parallel_loop3A_1448] {strides = array<i32>} : memref<64x128xf32, #tpu.memory_space<vmem>>, vector<16xf32>,
        tpu.vector_store_idx %arg12[%add3A_1344, %parallel_loop3A_1428], %parallel_loop3A_1449 : memref<64x129xf32, #tpu.memory_space<vmem>>[vector<16xi32>, vector<16xi32>], vector<16xf32>,
        %parallel_loop3A_1450 = arith.index_cast %parallel_loop3A_1426 : i32 to index
        %parallel_loop3A_1451 = arith.constant 112 : index
        %parallel_loop3A_1452 = tpu.vector_load %arg8[%parallel_loop3A_1450, %parallel_loop3A_1451] {strides = array<i32>} : memref<64x128xf32, #tpu.memory_space<vmem>>, vector<16xf32>,
        tpu.vector_store_idx %arg12[%add3A_1378, %parallel_loop3A_1428], %parallel_loop3A_1452 : memref<64x129xf32, #tpu.memory_space<vmem>>[vector<16xi32>, vector<16xi32>], vector<16xf32>,
      } {sc.loop_unroll_factor = 2 : i64, sc.parallel_access}
      %mul3A_1407 = arith.constant 64 : i32
      %mul3A_1408 = arith.muli %add3A_1094, %mul3A_1407 : i32
      %dma_start3A_1409 = arith.constant 0 : i32
      %dma_start3A_1410 = arith.constant 0 : i32
      %dma_start3A_1411 = tpu.memref_slice %arg12[%dma_start3A_1409, %dma_start3A_1410] : memref<64x129xf32, #tpu.memory_space<vmem>> -> memref<64x128xf32, #tpu.memory_space<vmem>>
      %dma_start3A_1412 = arith.constant 0 : i32
      %dma_start3A_1413 = tpu.memref_slice %arg4[%mul3A_1408, %dma_start3A_1412] : memref<500000x128xf32, #tpu.memory_space<hbm>> -> memref<64x128xf32, #tpu.memory_space<hbm>>
      %dma_start3A_1414 = arith.constant 0 : i32
      %dma_start3A_1415 = tpu.memref_slice %arg4[%mul3A_1408, %dma_start3A_1414] : memref<500000x128xf32, #tpu.memory_space<hbm>> -> memref<64x128xf32, #tpu.memory_space<hbm>>
      %dma_start3A_1416 = arith.constant 0 : i32
      %dma_start3A_1417 = arith.constant 0 : i32
      %dma_start3A_1418 = tpu.memref_slice %arg12[%dma_start3A_1416, %dma_start3A_1417] : memref<64x129xf32, #tpu.memory_space<vmem>> -> memref<64x128xf32, #tpu.memory_space<vmem>>
      tpu.enqueue_dma source(%dma_start3A_1418 : memref<64x128xf32, #tpu.memory_space<vmem>>) target(%dma_start3A_1415 : memref<64x128xf32, #tpu.memory_space<hbm>>) target_semaphore(%arg20 : memref<!tpu.dma_semaphore, #tpu.memory_space<semaphore_mem>>)
      %add3A_1419 = arith.constant 4 : i32
      %add3A_1420 = arith.addi %add3A_1093, %add3A_1419 : i32
      %lt3A_1421 = arith.constant 244 : i32
      %lt3A_1422 = arith.cmpi slt, %add3A_1420, %lt3A_1421 : i32
      %convert_element_type3A_1423 = arith.extui %lt3A_1422 : i1 to i32
      %cond3A_1424 = arith.constant 0 : i32
      %cond3A_1425 = arith.cmpi ne, %convert_element_type3A_1423, %cond3A_1424 : i32
      scf.if %cond3A_1425 {
        %add3A_1426 = arith.constant 4 : i32
        %add3A_1427 = arith.addi %add3A_1094, %add3A_1426 : i32
        %mul3A_1428 = arith.constant 128 : i32
        %mul3A_1429 = arith.muli %add3A_1427, %mul3A_1428 : i32
        %dma_start3A_1430 = arith.constant 0 : i32
        %dma_start3A_1431 = tpu.memref_slice %arg2[%dma_start3A_1430, %mul3A_1429] : memref<64x1000000xf32, #tpu.memory_space<hbm>> -> memref<64x128xf32, #tpu.memory_space<hbm>>
        %dma_start3A_1432 = arith.constant 0 : i32
        %dma_start3A_1433 = tpu.memref_slice %arg2[%dma_start3A_1432, %mul3A_1429] : memref<64x1000000xf32, #tpu.memory_space<hbm>> -> memref<64x128xf32, #tpu.memory_space<hbm>>
        tpu.enqueue_dma source(%dma_start3A_1433 : memref<64x128xf32, #tpu.memory_space<hbm>>) target(%arg8 : memref<64x128xf32, #tpu.memory_space<vmem>>) target_semaphore(%arg16 : memref<!tpu.dma_semaphore, #tpu.memory_space<semaphore_mem>>)
      } else {
      }
    }
    %scan3A_38 = arith.constant 61 : i32
    %dma_wait3A = arith.constant 0 : i32
    %dma_wait3A_39 = arith.constant 0 : i32
    %dma_wait3A_40 = tpu.memref_slice %arg9[%dma_wait3A, %dma_wait3A_39] : memref<64x129xf32, #tpu.memory_space<vmem>> -> memref<64x128xf32, #tpu.memory_space<vmem>>
    %dma_wait3A_41 = arith.constant 0 : i32
    %dma_wait3A_42 = arith.constant 0 : i32
    %dma_wait3A_43 = tpu.memref_slice %arg4[%dma_wait3A_41, %dma_wait3A_42] : memref<500000x128xf32, #tpu.memory_space<hbm>> -> memref<64x128xf32, #tpu.memory_space<hbm>>
    %dma_wait3A_44 = arith.constant 0 : i32
    %dma_wait3A_45 = arith.constant 0 : i32
    %dma_wait3A_46 = tpu.memref_slice %arg4[%dma_wait3A_44, %dma_wait3A_45] : memref<500000x128xf32, #tpu.memory_space<hbm>> -> memref<64x128xf32, #tpu.memory_space<hbm>>
    %dma_wait3A_47 = arith.constant 0 : i32
    %dma_wait3A_48 = arith.constant 0 : i32
    %dma_wait3A_49 = tpu.memref_slice %arg9[%dma_wait3A_47, %dma_wait3A_48] : memref<64x129xf32, #tpu.memory_space<vmem>> -> memref<64x128xf32, #tpu.memory_space<vmem>>
    tpu.wait_dma2 semaphore(%arg17 : memref<!tpu.dma_semaphore, #tpu.memory_space<semaphore_mem>>) src(%dma_wait3A_49 : memref<64x128xf32, #tpu.memory_space<vmem>>) dst(%dma_wait3A_46 : memref<64x128xf32, #tpu.memory_space<hbm>>)
    %dma_wait3A_50 = arith.constant 0 : i32
    %dma_wait3A_51 = arith.constant 0 : i32
    %dma_wait3A_52 = tpu.memref_slice %arg10[%dma_wait3A_50, %dma_wait3A_51] : memref<64x129xf32, #tpu.memory_space<vmem>> -> memref<64x128xf32, #tpu.memory_space<vmem>>
    %dma_wait3A_53 = arith.constant 0 : i32
    %dma_wait3A_54 = arith.constant 0 : i32
    %dma_wait3A_55 = tpu.memref_slice %arg4[%dma_wait3A_53, %dma_wait3A_54] : memref<500000x128xf32, #tpu.memory_space<hbm>> -> memref<64x128xf32, #tpu.memory_space<hbm>>
    %dma_wait3A_56 = arith.constant 0 : i32
    %dma_wait3A_57 = arith.constant 0 : i32
    %dma_wait3A_58 = tpu.memref_slice %arg4[%dma_wait3A_56, %dma_wait3A_57] : memref<500000x128xf32, #tpu.memory_space<hbm>> -> memref<64x128xf32, #tpu.memory_space<hbm>>
    %dma_wait3A_59 = arith.constant 0 : i32
    %dma_wait3A_60 = arith.constant 0 : i32
    %dma_wait3A_61 = tpu.memref_slice %arg10[%dma_wait3A_59, %dma_wait3A_60] : memref<64x129xf32, #tpu.memory_space<vmem>> -> memref<64x128xf32, #tpu.memory_space<vmem>>
    tpu.wait_dma2 semaphore(%arg18 : memref<!tpu.dma_semaphore, #tpu.memory_space<semaphore_mem>>) src(%dma_wait3A_61 : memref<64x128xf32, #tpu.memory_space<vmem>>) dst(%dma_wait3A_58 : memref<64x128xf32, #tpu.memory_space<hbm>>)
    %dma_wait3A_62 = arith.constant 0 : i32
    %dma_wait3A_63 = arith.constant 0 : i32
    %dma_wait3A_64 = tpu.memref_slice %arg11[%dma_wait3A_62, %dma_wait3A_63] : memref<64x129xf32, #tpu.memory_space<vmem>> -> memref<64x128xf32, #tpu.memory_space<vmem>>
    %dma_wait3A_65 = arith.constant 0 : i32
    %dma_wait3A_66 = arith.constant 0 : i32
    %dma_wait3A_67 = tpu.memref_slice %arg4[%dma_wait3A_65, %dma_wait3A_66] : memref<500000x128xf32, #tpu.memory_space<hbm>> -> memref<64x128xf32, #tpu.memory_space<hbm>>
    %dma_wait3A_68 = arith.constant 0 : i32
    %dma_wait3A_69 = arith.constant 0 : i32
    %dma_wait3A_70 = tpu.memref_slice %arg4[%dma_wait3A_68, %dma_wait3A_69] : memref<500000x128xf32, #tpu.memory_space<hbm>> -> memref<64x128xf32, #tpu.memory_space<hbm>>
    %dma_wait3A_71 = arith.constant 0 : i32
    %dma_wait3A_72 = arith.constant 0 : i32
    %dma_wait3A_73 = tpu.memref_slice %arg11[%dma_wait3A_71, %dma_wait3A_72] : memref<64x129xf32, #tpu.memory_space<vmem>> -> memref<64x128xf32, #tpu.memory_space<vmem>>
    tpu.wait_dma2 semaphore(%arg19 : memref<!tpu.dma_semaphore, #tpu.memory_space<semaphore_mem>>) src(%dma_wait3A_73 : memref<64x128xf32, #tpu.memory_space<vmem>>) dst(%dma_wait3A_70 : memref<64x128xf32, #tpu.memory_space<hbm>>)
    %dma_wait3A_74 = arith.constant 0 : i32
    %dma_wait3A_75 = arith.constant 0 : i32
    %dma_wait3A_76 = tpu.memref_slice %arg12[%dma_wait3A_74, %dma_wait3A_75] : memref<64x129xf32, #tpu.memory_space<vmem>> -> memref<64x128xf32, #tpu.memory_space<vmem>>
    %dma_wait3A_77 = arith.constant 0 : i32
    %dma_wait3A_78 = arith.constant 0 : i32
    %dma_wait3A_79 = tpu.memref_slice %arg4[%dma_wait3A_77, %dma_wait3A_78] : memref<500000x128xf32, #tpu.memory_space<hbm>> -> memref<64x128xf32, #tpu.memory_space<hbm>>
    %dma_wait3A_80 = arith.constant 0 : i32
    %dma_wait3A_81 = arith.constant 0 : i32
    %dma_wait3A_82 = tpu.memref_slice %arg4[%dma_wait3A_80, %dma_wait3A_81] : memref<500000x128xf32, #tpu.memory_space<hbm>> -> memref<64x128xf32, #tpu.memory_space<hbm>>
    %dma_wait3A_83 = arith.constant 0 : i32
    %dma_wait3A_84 = arith.constant 0 : i32
    %dma_wait3A_85 = tpu.memref_slice %arg12[%dma_wait3A_83, %dma_wait3A_84] : memref<64x129xf32, #tpu.memory_space<vmem>> -> memref<64x128xf32, #tpu.memory_space<vmem>>
    tpu.wait_dma2 semaphore(%arg20 : memref<!tpu.dma_semaphore, #tpu.memory_space<semaphore_mem>>) src(%dma_wait3A_85 : memref<64x128xf32, #tpu.memory_space<vmem>>) dst(%dma_wait3A_82 : memref<64x128xf32, #tpu.memory_space<hbm>>)
    %lt3A = arith.constant 4 : i32
    %lt3A_86 = arith.cmpi slt, %add3A, %lt3A : i32
    %convert_element_type3A = arith.extui %lt3A_86 : i1 to i32
    %cond3A = arith.constant 0 : i32
    %cond3A_87 = arith.cmpi ne, %convert_element_type3A, %cond3A : i32
    scf.if %cond3A_87 {
      %add3A_92 = arith.constant 7808 : i32
      %add3A_93 = arith.addi %add3A_92, %add3A : i32
      %mul3A_94 = arith.constant 128 : i32
      %mul3A_95 = arith.muli %add3A_93, %mul3A_94 : i32
      %dma_start3A_96 = arith.constant 0 : i32
      %dma_start3A_97 = tpu.memref_slice %arg2[%dma_start3A_96, %mul3A_95] : memref<64x1000000xf32, #tpu.memory_space<hbm>> -> memref<64x128xf32, #tpu.memory_space<hbm>>
      %dma_start3A_98 = arith.constant 0 : i32
      %dma_start3A_99 = tpu.memref_slice %arg2[%dma_start3A_98, %mul3A_95] : memref<64x1000000xf32, #tpu.memory_space<hbm>> -> memref<64x128xf32, #tpu.memory_space<hbm>>
      tpu.enqueue_dma source(%dma_start3A_99 : memref<64x128xf32, #tpu.memory_space<hbm>>) target(%arg5 : memref<64x128xf32, #tpu.memory_space<vmem>>) target_semaphore(%arg13 : memref<!tpu.dma_semaphore, #tpu.memory_space<semaphore_mem>>)
      %mul3A_100 = arith.constant 128 : i32
      %mul3A_101 = arith.muli %add3A_93, %mul3A_100 : i32
      %dma_wait3A_102 = arith.constant 0 : i32
      %dma_wait3A_103 = tpu.memref_slice %arg2[%dma_wait3A_102, %mul3A_101] : memref<64x1000000xf32, #tpu.memory_space<hbm>> -> memref<64x128xf32, #tpu.memory_space<hbm>>
      %dma_wait3A_104 = arith.constant 0 : i32
      %dma_wait3A_105 = tpu.memref_slice %arg2[%dma_wait3A_104, %mul3A_101] : memref<64x1000000xf32, #tpu.memory_space<hbm>> -> memref<64x128xf32, #tpu.memory_space<hbm>>
      tpu.wait_dma2 semaphore(%arg13 : memref<!tpu.dma_semaphore, #tpu.memory_space<semaphore_mem>>) src(%dma_wait3A_105 : memref<64x128xf32, #tpu.memory_space<hbm>>) dst(%arg5 : memref<64x128xf32, #tpu.memory_space<vmem>>)
      %iota3A = tpu.iota {dimensions = array<i32: 0>} : vector<16xi32>
      %jit3A = arith.constant 2 : i32
      %div3A = vector.broadcast %jit3A : i32 to vector<16xi32>
      %div3A_106 = arith.divsi %iota3A, %div3A : vector<16xi32>
      %sign3A = arith.constant 0 : i32
      %sign3A_107 = vector.broadcast %sign3A : i32 to vector<16xi32>
      %sign3A_108 = arith.cmpi sgt, %iota3A, %sign3A_107 : vector<16xi32>
      %sign3A_109 = arith.extui %sign3A_108 : vector<16xi1> to vector<16xi32>
      %sign3A_110 = arith.constant 0 : i32
      %sign3A_111 = vector.broadcast %sign3A_110 : i32 to vector<16xi32>
      %sign3A_112 = arith.cmpi slt, %iota3A, %sign3A_111 : vector<16xi32>
      %sign3A_113 = arith.extui %sign3A_112 : vector<16xi1> to vector<16xi32>
      %sign3A_114 = arith.subi %sign3A_109, %sign3A_113 : vector<16xi32>
      %sign3A_115 = arith.constant 0 : i32
      %sign3A_116 = arith.cmpi sgt, %jit3A, %sign3A_115 : i32
      %sign3A_117 = arith.extui %sign3A_116 : i1 to i32
      %sign3A_118 = arith.constant 0 : i32
      %sign3A_119 = arith.cmpi slt, %jit3A, %sign3A_118 : i32
      %sign3A_120 = arith.extui %sign3A_119 : i1 to i32
      %sign3A_121 = arith.subi %sign3A_117, %sign3A_120 : i32
      %ne3A = vector.broadcast %sign3A_121 : i32 to vector<16xi32>
      %ne3A_122 = arith.cmpi ne, %sign3A_114, %ne3A : vector<16xi32>
      %rem3A = vector.broadcast %jit3A : i32 to vector<16xi32>
      %rem3A_123 = arith.remsi %iota3A, %rem3A : vector<16xi32>
      %ne3A_124 = arith.constant 0 : i32
      %ne3A_125 = vector.broadcast %ne3A_124 : i32 to vector<16xi32>
      %ne3A_126 = arith.cmpi ne, %rem3A_123, %ne3A_125 : vector<16xi32>
      %and3A = arith.andi %ne3A_122, %ne3A_126 : vector<16xi1>
      %sub3A = arith.constant 1 : i32
      %sub3A_127 = vector.broadcast %sub3A : i32 to vector<16xi32>
      %sub3A_128 = arith.subi %div3A_106, %sub3A_127 : vector<16xi32>
      %select_n3A = arith.select %and3A, %sub3A_128, %div3A_106 : vector<16xi1>, vector<16xi32>
      %add3A_129 = arith.constant 0 : i32
      %add3A_130 = vector.broadcast %add3A_129 : i32 to vector<16xi32>
      %add3A_131 = arith.addi %select_n3A, %add3A_130 : vector<16xi32>
      %jit3A_132 = arith.constant 2 : i32
      %div3A_133 = vector.broadcast %jit3A_132 : i32 to vector<16xi32>
      %div3A_134 = arith.divsi %iota3A, %div3A_133 : vector<16xi32>
      %sign3A_135 = arith.constant 0 : i32
      %sign3A_136 = vector.broadcast %sign3A_135 : i32 to vector<16xi32>
      %sign3A_137 = arith.cmpi sgt, %iota3A, %sign3A_136 : vector<16xi32>
      %sign3A_138 = arith.extui %sign3A_137 : vector<16xi1> to vector<16xi32>
      %sign3A_139 = arith.constant 0 : i32
      %sign3A_140 = vector.broadcast %sign3A_139 : i32 to vector<16xi32>
      %sign3A_141 = arith.cmpi slt, %iota3A, %sign3A_140 : vector<16xi32>
      %sign3A_142 = arith.extui %sign3A_141 : vector<16xi1> to vector<16xi32>
      %sign3A_143 = arith.subi %sign3A_138, %sign3A_142 : vector<16xi32>
      %sign3A_144 = arith.constant 0 : i32
      %sign3A_145 = arith.cmpi sgt, %jit3A_132, %sign3A_144 : i32
      %sign3A_146 = arith.extui %sign3A_145 : i1 to i32
      %sign3A_147 = arith.constant 0 : i32
      %sign3A_148 = arith.cmpi slt, %jit3A_132, %sign3A_147 : i32
      %sign3A_149 = arith.extui %sign3A_148 : i1 to i32
      %sign3A_150 = arith.subi %sign3A_146, %sign3A_149 : i32
      %ne3A_151 = vector.broadcast %sign3A_150 : i32 to vector<16xi32>
      %ne3A_152 = arith.cmpi ne, %sign3A_143, %ne3A_151 : vector<16xi32>
      %rem3A_153 = vector.broadcast %jit3A_132 : i32 to vector<16xi32>
      %rem3A_154 = arith.remsi %iota3A, %rem3A_153 : vector<16xi32>
      %ne3A_155 = arith.constant 0 : i32
      %ne3A_156 = vector.broadcast %ne3A_155 : i32 to vector<16xi32>
      %ne3A_157 = arith.cmpi ne, %rem3A_154, %ne3A_156 : vector<16xi32>
      %and3A_158 = arith.andi %ne3A_152, %ne3A_157 : vector<16xi1>
      %sub3A_159 = arith.constant 1 : i32
      %sub3A_160 = vector.broadcast %sub3A_159 : i32 to vector<16xi32>
      %sub3A_161 = arith.subi %div3A_134, %sub3A_160 : vector<16xi32>
      %select_n3A_162 = arith.select %and3A_158, %sub3A_161, %div3A_134 : vector<16xi1>, vector<16xi32>
      %add3A_163 = arith.constant 8 : i32
      %add3A_164 = vector.broadcast %add3A_163 : i32 to vector<16xi32>
      %add3A_165 = arith.addi %select_n3A_162, %add3A_164 : vector<16xi32>
      %jit3A_166 = arith.constant 2 : i32
      %div3A_167 = vector.broadcast %jit3A_166 : i32 to vector<16xi32>
      %div3A_168 = arith.divsi %iota3A, %div3A_167 : vector<16xi32>
      %sign3A_169 = arith.constant 0 : i32
      %sign3A_170 = vector.broadcast %sign3A_169 : i32 to vector<16xi32>
      %sign3A_171 = arith.cmpi sgt, %iota3A, %sign3A_170 : vector<16xi32>
      %sign3A_172 = arith.extui %sign3A_171 : vector<16xi1> to vector<16xi32>
      %sign3A_173 = arith.constant 0 : i32
      %sign3A_174 = vector.broadcast %sign3A_173 : i32 to vector<16xi32>
      %sign3A_175 = arith.cmpi slt, %iota3A, %sign3A_174 : vector<16xi32>
      %sign3A_176 = arith.extui %sign3A_175 : vector<16xi1> to vector<16xi32>
      %sign3A_177 = arith.subi %sign3A_172, %sign3A_176 : vector<16xi32>
      %sign3A_178 = arith.constant 0 : i32
      %sign3A_179 = arith.cmpi sgt, %jit3A_166, %sign3A_178 : i32
      %sign3A_180 = arith.extui %sign3A_179 : i1 to i32
      %sign3A_181 = arith.constant 0 : i32
      %sign3A_182 = arith.cmpi slt, %jit3A_166, %sign3A_181 : i32
      %sign3A_183 = arith.extui %sign3A_182 : i1 to i32
      %sign3A_184 = arith.subi %sign3A_180, %sign3A_183 : i32
      %ne3A_185 = vector.broadcast %sign3A_184 : i32 to vector<16xi32>
      %ne3A_186 = arith.cmpi ne, %sign3A_177, %ne3A_185 : vector<16xi32>
      %rem3A_187 = vector.broadcast %jit3A_166 : i32 to vector<16xi32>
      %rem3A_188 = arith.remsi %iota3A, %rem3A_187 : vector<16xi32>
      %ne3A_189 = arith.constant 0 : i32
      %ne3A_190 = vector.broadcast %ne3A_189 : i32 to vector<16xi32>
      %ne3A_191 = arith.cmpi ne, %rem3A_188, %ne3A_190 : vector<16xi32>
      %and3A_192 = arith.andi %ne3A_186, %ne3A_191 : vector<16xi1>
      %sub3A_193 = arith.constant 1 : i32
      %sub3A_194 = vector.broadcast %sub3A_193 : i32 to vector<16xi32>
      %sub3A_195 = arith.subi %div3A_168, %sub3A_194 : vector<16xi32>
      %select_n3A_196 = arith.select %and3A_192, %sub3A_195, %div3A_168 : vector<16xi1>, vector<16xi32>
      %add3A_197 = arith.constant 16 : i32
      %add3A_198 = vector.broadcast %add3A_197 : i32 to vector<16xi32>
      %add3A_199 = arith.addi %select_n3A_196, %add3A_198 : vector<16xi32>
      %jit3A_200 = arith.constant 2 : i32
      %div3A_201 = vector.broadcast %jit3A_200 : i32 to vector<16xi32>
      %div3A_202 = arith.divsi %iota3A, %div3A_201 : vector<16xi32>
      %sign3A_203 = arith.constant 0 : i32
      %sign3A_204 = vector.broadcast %sign3A_203 : i32 to vector<16xi32>
      %sign3A_205 = arith.cmpi sgt, %iota3A, %sign3A_204 : vector<16xi32>
      %sign3A_206 = arith.extui %sign3A_205 : vector<16xi1> to vector<16xi32>
      %sign3A_207 = arith.constant 0 : i32
      %sign3A_208 = vector.broadcast %sign3A_207 : i32 to vector<16xi32>
      %sign3A_209 = arith.cmpi slt, %iota3A, %sign3A_208 : vector<16xi32>
      %sign3A_210 = arith.extui %sign3A_209 : vector<16xi1> to vector<16xi32>
      %sign3A_211 = arith.subi %sign3A_206, %sign3A_210 : vector<16xi32>
      %sign3A_212 = arith.constant 0 : i32
      %sign3A_213 = arith.cmpi sgt, %jit3A_200, %sign3A_212 : i32
      %sign3A_214 = arith.extui %sign3A_213 : i1 to i32
      %sign3A_215 = arith.constant 0 : i32
      %sign3A_216 = arith.cmpi slt, %jit3A_200, %sign3A_215 : i32
      %sign3A_217 = arith.extui %sign3A_216 : i1 to i32
      %sign3A_218 = arith.subi %sign3A_214, %sign3A_217 : i32
      %ne3A_219 = vector.broadcast %sign3A_218 : i32 to vector<16xi32>
      %ne3A_220 = arith.cmpi ne, %sign3A_211, %ne3A_219 : vector<16xi32>
      %rem3A_221 = vector.broadcast %jit3A_200 : i32 to vector<16xi32>
      %rem3A_222 = arith.remsi %iota3A, %rem3A_221 : vector<16xi32>
      %ne3A_223 = arith.constant 0 : i32
      %ne3A_224 = vector.broadcast %ne3A_223 : i32 to vector<16xi32>
      %ne3A_225 = arith.cmpi ne, %rem3A_222, %ne3A_224 : vector<16xi32>
      %and3A_226 = arith.andi %ne3A_220, %ne3A_225 : vector<16xi1>
      %sub3A_227 = arith.constant 1 : i32
      %sub3A_228 = vector.broadcast %sub3A_227 : i32 to vector<16xi32>
      %sub3A_229 = arith.subi %div3A_202, %sub3A_228 : vector<16xi32>
      %select_n3A_230 = arith.select %and3A_226, %sub3A_229, %div3A_202 : vector<16xi1>, vector<16xi32>
      %add3A_231 = arith.constant 24 : i32
      %add3A_232 = vector.broadcast %add3A_231 : i32 to vector<16xi32>
      %add3A_233 = arith.addi %select_n3A_230, %add3A_232 : vector<16xi32>
      %jit3A_234 = arith.constant 2 : i32
      %div3A_235 = vector.broadcast %jit3A_234 : i32 to vector<16xi32>
      %div3A_236 = arith.divsi %iota3A, %div3A_235 : vector<16xi32>
      %sign3A_237 = arith.constant 0 : i32
      %sign3A_238 = vector.broadcast %sign3A_237 : i32 to vector<16xi32>
      %sign3A_239 = arith.cmpi sgt, %iota3A, %sign3A_238 : vector<16xi32>
      %sign3A_240 = arith.extui %sign3A_239 : vector<16xi1> to vector<16xi32>
      %sign3A_241 = arith.constant 0 : i32
      %sign3A_242 = vector.broadcast %sign3A_241 : i32 to vector<16xi32>
      %sign3A_243 = arith.cmpi slt, %iota3A, %sign3A_242 : vector<16xi32>
      %sign3A_244 = arith.extui %sign3A_243 : vector<16xi1> to vector<16xi32>
      %sign3A_245 = arith.subi %sign3A_240, %sign3A_244 : vector<16xi32>
      %sign3A_246 = arith.constant 0 : i32
      %sign3A_247 = arith.cmpi sgt, %jit3A_234, %sign3A_246 : i32
      %sign3A_248 = arith.extui %sign3A_247 : i1 to i32
      %sign3A_249 = arith.constant 0 : i32
      %sign3A_250 = arith.cmpi slt, %jit3A_234, %sign3A_249 : i32
      %sign3A_251 = arith.extui %sign3A_250 : i1 to i32
      %sign3A_252 = arith.subi %sign3A_248, %sign3A_251 : i32
      %ne3A_253 = vector.broadcast %sign3A_252 : i32 to vector<16xi32>
      %ne3A_254 = arith.cmpi ne, %sign3A_245, %ne3A_253 : vector<16xi32>
      %rem3A_255 = vector.broadcast %jit3A_234 : i32 to vector<16xi32>
      %rem3A_256 = arith.remsi %iota3A, %rem3A_255 : vector<16xi32>
      %ne3A_257 = arith.constant 0 : i32
      %ne3A_258 = vector.broadcast %ne3A_257 : i32 to vector<16xi32>
      %ne3A_259 = arith.cmpi ne, %rem3A_256, %ne3A_258 : vector<16xi32>
      %and3A_260 = arith.andi %ne3A_254, %ne3A_259 : vector<16xi1>
      %sub3A_261 = arith.constant 1 : i32
      %sub3A_262 = vector.broadcast %sub3A_261 : i32 to vector<16xi32>
      %sub3A_263 = arith.subi %div3A_236, %sub3A_262 : vector<16xi32>
      %select_n3A_264 = arith.select %and3A_260, %sub3A_263, %div3A_236 : vector<16xi1>, vector<16xi32>
      %add3A_265 = arith.constant 32 : i32
      %add3A_266 = vector.broadcast %add3A_265 : i32 to vector<16xi32>
      %add3A_267 = arith.addi %select_n3A_264, %add3A_266 : vector<16xi32>
      %jit3A_268 = arith.constant 2 : i32
      %div3A_269 = vector.broadcast %jit3A_268 : i32 to vector<16xi32>
      %div3A_270 = arith.divsi %iota3A, %div3A_269 : vector<16xi32>
      %sign3A_271 = arith.constant 0 : i32
      %sign3A_272 = vector.broadcast %sign3A_271 : i32 to vector<16xi32>
      %sign3A_273 = arith.cmpi sgt, %iota3A, %sign3A_272 : vector<16xi32>
      %sign3A_274 = arith.extui %sign3A_273 : vector<16xi1> to vector<16xi32>
      %sign3A_275 = arith.constant 0 : i32
      %sign3A_276 = vector.broadcast %sign3A_275 : i32 to vector<16xi32>
      %sign3A_277 = arith.cmpi slt, %iota3A, %sign3A_276 : vector<16xi32>
      %sign3A_278 = arith.extui %sign3A_277 : vector<16xi1> to vector<16xi32>
      %sign3A_279 = arith.subi %sign3A_274, %sign3A_278 : vector<16xi32>
      %sign3A_280 = arith.constant 0 : i32
      %sign3A_281 = arith.cmpi sgt, %jit3A_268, %sign3A_280 : i32
      %sign3A_282 = arith.extui %sign3A_281 : i1 to i32
      %sign3A_283 = arith.constant 0 : i32
      %sign3A_284 = arith.cmpi slt, %jit3A_268, %sign3A_283 : i32
      %sign3A_285 = arith.extui %sign3A_284 : i1 to i32
      %sign3A_286 = arith.subi %sign3A_282, %sign3A_285 : i32
      %ne3A_287 = vector.broadcast %sign3A_286 : i32 to vector<16xi32>
      %ne3A_288 = arith.cmpi ne, %sign3A_279, %ne3A_287 : vector<16xi32>
      %rem3A_289 = vector.broadcast %jit3A_268 : i32 to vector<16xi32>
      %rem3A_290 = arith.remsi %iota3A, %rem3A_289 : vector<16xi32>
      %ne3A_291 = arith.constant 0 : i32
      %ne3A_292 = vector.broadcast %ne3A_291 : i32 to vector<16xi32>
      %ne3A_293 = arith.cmpi ne, %rem3A_290, %ne3A_292 : vector<16xi32>
      %and3A_294 = arith.andi %ne3A_288, %ne3A_293 : vector<16xi1>
      %sub3A_295 = arith.constant 1 : i32
      %sub3A_296 = vector.broadcast %sub3A_295 : i32 to vector<16xi32>
      %sub3A_297 = arith.subi %div3A_270, %sub3A_296 : vector<16xi32>
      %select_n3A_298 = arith.select %and3A_294, %sub3A_297, %div3A_270 : vector<16xi1>, vector<16xi32>
      %add3A_299 = arith.constant 40 : i32
      %add3A_300 = vector.broadcast %add3A_299 : i32 to vector<16xi32>
      %add3A_301 = arith.addi %select_n3A_298, %add3A_300 : vector<16xi32>
      %jit3A_302 = arith.constant 2 : i32
      %div3A_303 = vector.broadcast %jit3A_302 : i32 to vector<16xi32>
      %div3A_304 = arith.divsi %iota3A, %div3A_303 : vector<16xi32>
      %sign3A_305 = arith.constant 0 : i32
      %sign3A_306 = vector.broadcast %sign3A_305 : i32 to vector<16xi32>
      %sign3A_307 = arith.cmpi sgt, %iota3A, %sign3A_306 : vector<16xi32>
      %sign3A_308 = arith.extui %sign3A_307 : vector<16xi1> to vector<16xi32>
      %sign3A_309 = arith.constant 0 : i32
      %sign3A_310 = vector.broadcast %sign3A_309 : i32 to vector<16xi32>
      %sign3A_311 = arith.cmpi slt, %iota3A, %sign3A_310 : vector<16xi32>
      %sign3A_312 = arith.extui %sign3A_311 : vector<16xi1> to vector<16xi32>
      %sign3A_313 = arith.subi %sign3A_308, %sign3A_312 : vector<16xi32>
      %sign3A_314 = arith.constant 0 : i32
      %sign3A_315 = arith.cmpi sgt, %jit3A_302, %sign3A_314 : i32
      %sign3A_316 = arith.extui %sign3A_315 : i1 to i32
      %sign3A_317 = arith.constant 0 : i32
      %sign3A_318 = arith.cmpi slt, %jit3A_302, %sign3A_317 : i32
      %sign3A_319 = arith.extui %sign3A_318 : i1 to i32
      %sign3A_320 = arith.subi %sign3A_316, %sign3A_319 : i32
      %ne3A_321 = vector.broadcast %sign3A_320 : i32 to vector<16xi32>
      %ne3A_322 = arith.cmpi ne, %sign3A_313, %ne3A_321 : vector<16xi32>
      %rem3A_323 = vector.broadcast %jit3A_302 : i32 to vector<16xi32>
      %rem3A_324 = arith.remsi %iota3A, %rem3A_323 : vector<16xi32>
      %ne3A_325 = arith.constant 0 : i32
      %ne3A_326 = vector.broadcast %ne3A_325 : i32 to vector<16xi32>
      %ne3A_327 = arith.cmpi ne, %rem3A_324, %ne3A_326 : vector<16xi32>
      %and3A_328 = arith.andi %ne3A_322, %ne3A_327 : vector<16xi1>
      %sub3A_329 = arith.constant 1 : i32
      %sub3A_330 = vector.broadcast %sub3A_329 : i32 to vector<16xi32>
      %sub3A_331 = arith.subi %div3A_304, %sub3A_330 : vector<16xi32>
      %select_n3A_332 = arith.select %and3A_328, %sub3A_331, %div3A_304 : vector<16xi1>, vector<16xi32>
      %add3A_333 = arith.constant 48 : i32
      %add3A_334 = vector.broadcast %add3A_333 : i32 to vector<16xi32>
      %add3A_335 = arith.addi %select_n3A_332, %add3A_334 : vector<16xi32>
      %jit3A_336 = arith.constant 2 : i32
      %div3A_337 = vector.broadcast %jit3A_336 : i32 to vector<16xi32>
      %div3A_338 = arith.divsi %iota3A, %div3A_337 : vector<16xi32>
      %sign3A_339 = arith.constant 0 : i32
      %sign3A_340 = vector.broadcast %sign3A_339 : i32 to vector<16xi32>
      %sign3A_341 = arith.cmpi sgt, %iota3A, %sign3A_340 : vector<16xi32>
      %sign3A_342 = arith.extui %sign3A_341 : vector<16xi1> to vector<16xi32>
      %sign3A_343 = arith.constant 0 : i32
      %sign3A_344 = vector.broadcast %sign3A_343 : i32 to vector<16xi32>
      %sign3A_345 = arith.cmpi slt, %iota3A, %sign3A_344 : vector<16xi32>
      %sign3A_346 = arith.extui %sign3A_345 : vector<16xi1> to vector<16xi32>
      %sign3A_347 = arith.subi %sign3A_342, %sign3A_346 : vector<16xi32>
      %sign3A_348 = arith.constant 0 : i32
      %sign3A_349 = arith.cmpi sgt, %jit3A_336, %sign3A_348 : i32
      %sign3A_350 = arith.extui %sign3A_349 : i1 to i32
      %sign3A_351 = arith.constant 0 : i32
      %sign3A_352 = arith.cmpi slt, %jit3A_336, %sign3A_351 : i32
      %sign3A_353 = arith.extui %sign3A_352 : i1 to i32
      %sign3A_354 = arith.subi %sign3A_350, %sign3A_353 : i32
      %ne3A_355 = vector.broadcast %sign3A_354 : i32 to vector<16xi32>
      %ne3A_356 = arith.cmpi ne, %sign3A_347, %ne3A_355 : vector<16xi32>
      %rem3A_357 = vector.broadcast %jit3A_336 : i32 to vector<16xi32>
      %rem3A_358 = arith.remsi %iota3A, %rem3A_357 : vector<16xi32>
      %ne3A_359 = arith.constant 0 : i32
      %ne3A_360 = vector.broadcast %ne3A_359 : i32 to vector<16xi32>
      %ne3A_361 = arith.cmpi ne, %rem3A_358, %ne3A_360 : vector<16xi32>
      %and3A_362 = arith.andi %ne3A_356, %ne3A_361 : vector<16xi1>
      %sub3A_363 = arith.constant 1 : i32
      %sub3A_364 = vector.broadcast %sub3A_363 : i32 to vector<16xi32>
      %sub3A_365 = arith.subi %div3A_338, %sub3A_364 : vector<16xi32>
      %select_n3A_366 = arith.select %and3A_362, %sub3A_365, %div3A_338 : vector<16xi1>, vector<16xi32>
      %add3A_367 = arith.constant 56 : i32
      %add3A_368 = vector.broadcast %add3A_367 : i32 to vector<16xi32>
      %add3A_369 = arith.addi %select_n3A_366, %add3A_368 : vector<16xi32>
      %jit3A_370 = arith.constant 2 : i32
      %eq3A_371 = arith.constant 0 : i32
      %eq3A_372 = arith.cmpi eq, %jit3A_370, %eq3A_371 : i32
      %jit3A_373 = arith.constant 1 : i32
      %select_n3A_374 = arith.select %eq3A_372, %jit3A_373, %jit3A_370 : i32
      %rem3A_375 = vector.broadcast %select_n3A_374 : i32 to vector<16xi32>
      %rem3A_376 = arith.remsi %iota3A, %rem3A_375 : vector<16xi32>
      %ne3A_377 = arith.constant 0 : i32
      %ne3A_378 = vector.broadcast %ne3A_377 : i32 to vector<16xi32>
      %ne3A_379 = arith.cmpi ne, %rem3A_376, %ne3A_378 : vector<16xi32>
      %lt3A_380 = arith.constant 0 : i32
      %lt3A_381 = vector.broadcast %lt3A_380 : i32 to vector<16xi32>
      %lt3A_382 = arith.cmpi slt, %rem3A_376, %lt3A_381 : vector<16xi32>
      %lt3A_383 = arith.constant 0 : i32
      %lt3A_384 = arith.cmpi slt, %select_n3A_374, %lt3A_383 : i32
      %ne3A_385 = vector.broadcast %lt3A_384 : i1 to vector<16xi1>
      %ne3A_386 = vector.broadcast %ne3A_385 : vector<16xi1> to vector<16xi1>
      %ne3A_387 = arith.xori %lt3A_382, %ne3A_386 : vector<16xi1>
      %and3A_388 = arith.andi %ne3A_387, %ne3A_379 : vector<16xi1>
      %add3A_389 = vector.broadcast %select_n3A_374 : i32 to vector<16xi32>
      %add3A_390 = arith.addi %rem3A_376, %add3A_389 : vector<16xi32>
      %select_n3A_391 = arith.select %and3A_388, %add3A_390, %rem3A_376 : vector<16xi1>, vector<16xi32>
      %mul3A_392 = arith.constant 64 : i32
      %mul3A_393 = vector.broadcast %mul3A_392 : i32 to vector<16xi32>
      %mul3A_394 = arith.muli %select_n3A_391, %mul3A_393 : vector<16xi32>
      %parallel_loop3A = arith.constant 0 : i32
      %parallel_loop3A_395 = arith.constant 64 : i32
      %parallel_loop3A_396 = arith.constant 1 : i32
      scf.for %parallel_loop3A_419 = %parallel_loop3A to %parallel_loop3A_395 step %parallel_loop3A_396  : i32 {
        %parallel_loop3A_420 = vector.broadcast %parallel_loop3A_419 : i32 to vector<16xi32>
        %parallel_loop3A_421 = arith.addi %mul3A_394, %parallel_loop3A_420 : vector<16xi32>
        %parallel_loop3A_422 = arith.index_cast %parallel_loop3A_419 : i32 to index
        %parallel_loop3A_423 = arith.constant 0 : index
        %parallel_loop3A_424 = tpu.vector_load %arg5[%parallel_loop3A_422, %parallel_loop3A_423] {strides = array<i32>} : memref<64x128xf32, #tpu.memory_space<vmem>>, vector<16xf32>,
        tpu.vector_store_idx %arg9[%add3A_131, %parallel_loop3A_421], %parallel_loop3A_424 : memref<64x129xf32, #tpu.memory_space<vmem>>[vector<16xi32>, vector<16xi32>], vector<16xf32>,
        %parallel_loop3A_425 = arith.index_cast %parallel_loop3A_419 : i32 to index
        %parallel_loop3A_426 = arith.constant 16 : index
        %parallel_loop3A_427 = tpu.vector_load %arg5[%parallel_loop3A_425, %parallel_loop3A_426] {strides = array<i32>} : memref<64x128xf32, #tpu.memory_space<vmem>>, vector<16xf32>,
        tpu.vector_store_idx %arg9[%add3A_165, %parallel_loop3A_421], %parallel_loop3A_427 : memref<64x129xf32, #tpu.memory_space<vmem>>[vector<16xi32>, vector<16xi32>], vector<16xf32>,
        %parallel_loop3A_428 = arith.index_cast %parallel_loop3A_419 : i32 to index
        %parallel_loop3A_429 = arith.constant 32 : index
        %parallel_loop3A_430 = tpu.vector_load %arg5[%parallel_loop3A_428, %parallel_loop3A_429] {strides = array<i32>} : memref<64x128xf32, #tpu.memory_space<vmem>>, vector<16xf32>,
        tpu.vector_store_idx %arg9[%add3A_199, %parallel_loop3A_421], %parallel_loop3A_430 : memref<64x129xf32, #tpu.memory_space<vmem>>[vector<16xi32>, vector<16xi32>], vector<16xf32>,
        %parallel_loop3A_431 = arith.index_cast %parallel_loop3A_419 : i32 to index
        %parallel_loop3A_432 = arith.constant 48 : index
        %parallel_loop3A_433 = tpu.vector_load %arg5[%parallel_loop3A_431, %parallel_loop3A_432] {strides = array<i32>} : memref<64x128xf32, #tpu.memory_space<vmem>>, vector<16xf32>,
        tpu.vector_store_idx %arg9[%add3A_233, %parallel_loop3A_421], %parallel_loop3A_433 : memref<64x129xf32, #tpu.memory_space<vmem>>[vector<16xi32>, vector<16xi32>], vector<16xf32>,
        %parallel_loop3A_434 = arith.index_cast %parallel_loop3A_419 : i32 to index
        %parallel_loop3A_435 = arith.constant 64 : index
        %parallel_loop3A_436 = tpu.vector_load %arg5[%parallel_loop3A_434, %parallel_loop3A_435] {strides = array<i32>} : memref<64x128xf32, #tpu.memory_space<vmem>>, vector<16xf32>,
        tpu.vector_store_idx %arg9[%add3A_267, %parallel_loop3A_421], %parallel_loop3A_436 : memref<64x129xf32, #tpu.memory_space<vmem>>[vector<16xi32>, vector<16xi32>], vector<16xf32>,
        %parallel_loop3A_437 = arith.index_cast %parallel_loop3A_419 : i32 to index
        %parallel_loop3A_438 = arith.constant 80 : index
        %parallel_loop3A_439 = tpu.vector_load %arg5[%parallel_loop3A_437, %parallel_loop3A_438] {strides = array<i32>} : memref<64x128xf32, #tpu.memory_space<vmem>>, vector<16xf32>,
        tpu.vector_store_idx %arg9[%add3A_301, %parallel_loop3A_421], %parallel_loop3A_439 : memref<64x129xf32, #tpu.memory_space<vmem>>[vector<16xi32>, vector<16xi32>], vector<16xf32>,
        %parallel_loop3A_440 = arith.index_cast %parallel_loop3A_419 : i32 to index
        %parallel_loop3A_441 = arith.constant 96 : index
        %parallel_loop3A_442 = tpu.vector_load %arg5[%parallel_loop3A_440, %parallel_loop3A_441] {strides = array<i32>} : memref<64x128xf32, #tpu.memory_space<vmem>>, vector<16xf32>,
        tpu.vector_store_idx %arg9[%add3A_335, %parallel_loop3A_421], %parallel_loop3A_442 : memref<64x129xf32, #tpu.memory_space<vmem>>[vector<16xi32>, vector<16xi32>], vector<16xf32>,
        %parallel_loop3A_443 = arith.index_cast %parallel_loop3A_419 : i32 to index
        %parallel_loop3A_444 = arith.constant 112 : index
        %parallel_loop3A_445 = tpu.vector_load %arg5[%parallel_loop3A_443, %parallel_loop3A_444] {strides = array<i32>} : memref<64x128xf32, #tpu.memory_space<vmem>>, vector<16xf32>,
        tpu.vector_store_idx %arg9[%add3A_369, %parallel_loop3A_421], %parallel_loop3A_445 : memref<64x129xf32, #tpu.memory_space<vmem>>[vector<16xi32>, vector<16xi32>], vector<16xf32>,
      } {sc.loop_unroll_factor = 2 : i64, sc.parallel_access}
      %mul3A_397 = arith.constant 64 : i32
      %mul3A_398 = arith.muli %add3A_93, %mul3A_397 : i32
      %dma_start3A_399 = arith.constant 0 : i32
      %dma_start3A_400 = arith.constant 0 : i32
      %dma_start3A_401 = tpu.memref_slice %arg9[%dma_start3A_399, %dma_start3A_400] : memref<64x129xf32, #tpu.memory_space<vmem>> -> memref<64x128xf32, #tpu.memory_space<vmem>>
      %dma_start3A_402 = arith.constant 0 : i32
      %dma_start3A_403 = tpu.memref_slice %arg4[%mul3A_398, %dma_start3A_402] : memref<500000x128xf32, #tpu.memory_space<hbm>> -> memref<64x128xf32, #tpu.memory_space<hbm>>
      %dma_start3A_404 = arith.constant 0 : i32
      %dma_start3A_405 = tpu.memref_slice %arg4[%mul3A_398, %dma_start3A_404] : memref<500000x128xf32, #tpu.memory_space<hbm>> -> memref<64x128xf32, #tpu.memory_space<hbm>>
      %dma_start3A_406 = arith.constant 0 : i32
      %dma_start3A_407 = arith.constant 0 : i32
      %dma_start3A_408 = tpu.memref_slice %arg9[%dma_start3A_406, %dma_start3A_407] : memref<64x129xf32, #tpu.memory_space<vmem>> -> memref<64x128xf32, #tpu.memory_space<vmem>>
      tpu.enqueue_dma source(%dma_start3A_408 : memref<64x128xf32, #tpu.memory_space<vmem>>) target(%dma_start3A_405 : memref<64x128xf32, #tpu.memory_space<hbm>>) target_semaphore(%arg17 : memref<!tpu.dma_semaphore, #tpu.memory_space<semaphore_mem>>)
      %dma_wait3A_409 = arith.constant 0 : i32
      %dma_wait3A_410 = arith.constant 0 : i32
      %dma_wait3A_411 = tpu.memref_slice %arg9[%dma_wait3A_409, %dma_wait3A_410] : memref<64x129xf32, #tpu.memory_space<vmem>> -> memref<64x128xf32, #tpu.memory_space<vmem>>
      %dma_wait3A_412 = arith.constant 0 : i32
      %dma_wait3A_413 = tpu.memref_slice %arg4[%mul3A_398, %dma_wait3A_412] : memref<500000x128xf32, #tpu.memory_space<hbm>> -> memref<64x128xf32, #tpu.memory_space<hbm>>
      %dma_wait3A_414 = arith.constant 0 : i32
      %dma_wait3A_415 = tpu.memref_slice %arg4[%mul3A_398, %dma_wait3A_414] : memref<500000x128xf32, #tpu.memory_space<hbm>> -> memref<64x128xf32, #tpu.memory_space<hbm>>
      %dma_wait3A_416 = arith.constant 0 : i32
      %dma_wait3A_417 = arith.constant 0 : i32
      %dma_wait3A_418 = tpu.memref_slice %arg9[%dma_wait3A_416, %dma_wait3A_417] : memref<64x129xf32, #tpu.memory_space<vmem>> -> memref<64x128xf32, #tpu.memory_space<vmem>>
      tpu.wait_dma2 semaphore(%arg17 : memref<!tpu.dma_semaphore, #tpu.memory_space<semaphore_mem>>) src(%dma_wait3A_418 : memref<64x128xf32, #tpu.memory_space<vmem>>) dst(%dma_wait3A_415 : memref<64x128xf32, #tpu.memory_space<hbm>>)
    } else {
    }
    %eq3A = arith.constant 31 : i32
    %eq3A_88 = arith.cmpi eq, %add3A, %eq3A : i32
    %convert_element_type3A_89 = arith.extui %eq3A_88 : i1 to i32
    %cond3A_90 = arith.constant 0 : i32
    %cond3A_91 = arith.cmpi ne, %convert_element_type3A_89, %cond3A_90 : i32
    scf.if %cond3A_91 {
      "tpu.region"() ({
        %run_scoped3A = tpu.sem_alloc : memref<!tpu.dma_semaphore, #tpu.memory_space<semaphore_mem>>
        %dma_start3A_92 = arith.constant 0 : i32
        %dma_start3A_93 = arith.constant 0 : i32
        %dma_start3A_94 = tpu.memref_slice %arg10[%dma_start3A_92, %dma_start3A_93] : memref<64x129xf32, #tpu.memory_space<vmem>> -> memref<32x128xf32, #tpu.memory_space<vmem>>
        %dma_start3A_95 = arith.constant 0 : i32
        %dma_start3A_96 = arith.constant 0 : i32
        %dma_start3A_97 = tpu.memref_slice %arg10[%dma_start3A_95, %dma_start3A_96] : memref<64x129xf32, #tpu.memory_space<vmem>> -> memref<32x128xf32, #tpu.memory_space<vmem>>
        tpu.enqueue_dma source(%arg3 : memref<32x128xf32, #tpu.memory_space<hbm>>) target(%dma_start3A_97 : memref<32x128xf32, #tpu.memory_space<vmem>>) target_semaphore(%run_scoped3A : memref<!tpu.dma_semaphore, #tpu.memory_space<semaphore_mem>>)
        %dma_wait3A_98 = arith.constant 0 : i32
        %dma_wait3A_99 = arith.constant 0 : i32
        %dma_wait3A_100 = tpu.memref_slice %arg10[%dma_wait3A_98, %dma_wait3A_99] : memref<64x129xf32, #tpu.memory_space<vmem>> -> memref<32x128xf32, #tpu.memory_space<vmem>>
        %dma_wait3A_101 = arith.constant 0 : i32
        %dma_wait3A_102 = arith.constant 0 : i32
        %dma_wait3A_103 = tpu.memref_slice %arg10[%dma_wait3A_101, %dma_wait3A_102] : memref<64x129xf32, #tpu.memory_space<vmem>> -> memref<32x128xf32, #tpu.memory_space<vmem>>
        tpu.wait_dma2 semaphore(%run_scoped3A : memref<!tpu.dma_semaphore, #tpu.memory_space<semaphore_mem>>) src(%arg3 : memref<32x128xf32, #tpu.memory_space<hbm>>) dst(%dma_wait3A_103 : memref<32x128xf32, #tpu.memory_space<vmem>>)
        tpu.yield
      }) : () -> ()
      "tpu.region"() ({
        %run_scoped3A = tpu.sem_alloc : memref<!tpu.dma_semaphore, #tpu.memory_space<semaphore_mem>>
        %dma_start3A_92 = arith.constant 0 : i32
        %dma_start3A_93 = arith.constant 0 : i32
        %dma_start3A_94 = tpu.memref_slice %arg10[%dma_start3A_92, %dma_start3A_93] : memref<64x129xf32, #tpu.memory_space<vmem>> -> memref<32x128xf32, #tpu.memory_space<vmem>>
        %dma_start3A_95 = arith.constant 499968 : i32
        %dma_start3A_96 = arith.constant 0 : i32
        %dma_start3A_97 = tpu.memref_slice %arg4[%dma_start3A_95, %dma_start3A_96] : memref<500000x128xf32, #tpu.memory_space<hbm>> -> memref<32x128xf32, #tpu.memory_space<hbm>>
        %dma_start3A_98 = arith.constant 499968 : i32
        %dma_start3A_99 = arith.constant 0 : i32
        %dma_start3A_100 = tpu.memref_slice %arg4[%dma_start3A_98, %dma_start3A_99] : memref<500000x128xf32, #tpu.memory_space<hbm>> -> memref<32x128xf32, #tpu.memory_space<hbm>>
        %dma_start3A_101 = arith.constant 0 : i32
        %dma_start3A_102 = arith.constant 0 : i32
        %dma_start3A_103 = tpu.memref_slice %arg10[%dma_start3A_101, %dma_start3A_102] : memref<64x129xf32, #tpu.memory_space<vmem>> -> memref<32x128xf32, #tpu.memory_space<vmem>>
        tpu.enqueue_dma source(%dma_start3A_103 : memref<32x128xf32, #tpu.memory_space<vmem>>) target(%dma_start3A_100 : memref<32x128xf32, #tpu.memory_space<hbm>>) target_semaphore(%run_scoped3A : memref<!tpu.dma_semaphore, #tpu.memory_space<semaphore_mem>>)
        %dma_wait3A_104 = arith.constant 0 : i32
        %dma_wait3A_105 = arith.constant 0 : i32
        %dma_wait3A_106 = tpu.memref_slice %arg10[%dma_wait3A_104, %dma_wait3A_105] : memref<64x129xf32, #tpu.memory_space<vmem>> -> memref<32x128xf32, #tpu.memory_space<vmem>>
        %dma_wait3A_107 = arith.constant 499968 : i32
        %dma_wait3A_108 = arith.constant 0 : i32
        %dma_wait3A_109 = tpu.memref_slice %arg4[%dma_wait3A_107, %dma_wait3A_108] : memref<500000x128xf32, #tpu.memory_space<hbm>> -> memref<32x128xf32, #tpu.memory_space<hbm>>
        %dma_wait3A_110 = arith.constant 499968 : i32
        %dma_wait3A_111 = arith.constant 0 : i32
        %dma_wait3A_112 = tpu.memref_slice %arg4[%dma_wait3A_110, %dma_wait3A_111] : memref<500000x128xf32, #tpu.memory_space<hbm>> -> memref<32x128xf32, #tpu.memory_space<hbm>>
        %dma_wait3A_113 = arith.constant 0 : i32
        %dma_wait3A_114 = arith.constant 0 : i32
        %dma_wait3A_115 = tpu.memref_slice %arg10[%dma_wait3A_113, %dma_wait3A_114] : memref<64x129xf32, #tpu.memory_space<vmem>> -> memref<32x128xf32, #tpu.memory_space<vmem>>
        tpu.wait_dma2 semaphore(%run_scoped3A : memref<!tpu.dma_semaphore, #tpu.memory_space<semaphore_mem>>) src(%dma_wait3A_115 : memref<32x128xf32, #tpu.memory_space<vmem>>) dst(%dma_wait3A_112 : memref<32x128xf32, #tpu.memory_space<hbm>>)
        tpu.yield
      }) : () -> ()
    } else {
    }
    return
  }
}

</mosaic_0001>

<sc_bundles>
// kernel: _convert.3.cloned.1.call-start
scs
__scs_entry_jumppad:
0x0: {  	(pc) =	sbr.rel $0x88, $3  }
0x1: {  	(tag) =	ssettag $0x0;
	lr =	simm.s32 $0x1  }
0x2: {  	[smem:$0x3F9F] =	sst lr;
	_ =	strace $0xD0000000  }
0x3: {  	_ = 	snop  }
0x4: {  	_ = 	snop  }
0x5: {  	_ = 	snop  }
0x6: {  	_ = 	snop  }
0x7: {  	_ = 	snop  }
__scs_overlays_trampoline_lowered:
0x8: {  	[smem:$0x3FAE] =	sst s0  }
0x9: {  	[smem:$0x3FAF] =	sst s1  }
0xa: {  	[smem:$0x3FB0] =	sst s2  }
0xb: {  	[smem:$0x3FB1] =	sst s3  }
0xc: {  	[smem:$0x3FB2] =	sst s4  }
0xd: {  	[smem:$0x3FB3] =	sst s5  }
0xe: {  	[smem:$0x3FB4] =	sst s6  }
0xf: {  	[smem:$0x3FB5] =	sst s7  }
0x10: {  	[smem:$0x3FB6] =	sst s8  }
0x11: {  	[smem:$0x3FB7] =	sst s9;
	s0 =	simm.s32 @!p0 $0x0  }
0x12: {  	s1 =	sld [smem:$0x3F9D];
	s0 =	simm.s32 @p0 $0x1  }
0x13: {  	[smem:$0x3FB8] =	sst s0;
	s0 =	simm.s32 @!p1 $0x0  }
0x14: {  	s2 =	sld [smem:$0x3F9C];
	s0 =	simm.s32 @p1 $0x1  }
0x15: {  	[smem:$0x3FB9] =	sst s0;
	s0 =	simm.s32 @!p2 $0x0  }
0x16: {  	s3 =	sld [smem:$0x3FDB];
	s0 =	simm.s32 @p2 $0x1  }
0x17: {  	s4 =	simm.s32 $0x1BF5;
	[smem:$0x3FBB] =	sst s0  }
0x18: {  	s0 =	sld [smem:$0x3F9E];
	_ =	swait.ge [sflag:s4], $0x0  }
0x19: {  	s7 =	sld [smem:$0x3F9F]  }
0x1a: {  	s8 =	sadd.s32 $0xFFFFE003, lr  }
0x1b: {  	s9 =	sadd.s32 $0xFFFFFEF7, lr;
	s5 =	simm.s32 $0xFFFFFFFF;
	p2 =	slt.u32 s8, $0xFFFFF086  }
0x1c: {  	p1 =	slt.u32 s9, $0xF7A;
	s5 =	simm.s32 @!p2 $0x0  }
0x1d: {  	s5 =	simm.s32 @p1 $0x1;
	p0 =	seq.s32 s7, s2  }
0x1e: {  	s7 =	smul.u32 @!p0 $0xF7A, s2;
	p2 =	seq.s32 @!p0 s5, $0x0  }
0x1f: {  	s9 =	smul.u32 $0xF7A, s1;
	s8 =	simm.s32 @!p0 $0x1BF5;
	p2 =	por !p2, p0  }
0x20: {  	[sflag:s8] =	ssyncset.s32 @!p0 $0xFFFFF086;
	s6 =	sadd.s32 @!p0 s3, s7;
	s7 =	simm.s32 @!p0 $0x108  }
0x21: {  	s3 =	sadd.s32 s3, s9;
	s6 =	sadd.s32 @!p0 $0x88, s6;
	s7 =	simm.s32 @p2 $0x1082  }
0x22: {  	[simem:s7], [sflag:s8] =	dma.local @!p0 [hbm:s6], $0xF7A  }
0x23: {  	s9 =	sor.u32 $0xD0000000, s2;
	s6 =	simm.s32 $0x108;
	_ =	swait.ge @!p0 [sflag:s8], $0x0  }
0x24: {  	s3 =	sadd.s32 $0x88, s3;
	s6 =	simm.s32 @!p1 $0x1082;
	[sflag:s4] =	ssyncset.s32 $0xFFFFF086  }
0x25: {  	[simem:s6], [sflag:s4] =	dma.local [hbm:s3], $0xF7A  }
0x26: {  	[smem:$0x3F9F] =	sst s1;
	(tag) =	ssettag s2;
	_ =	strace s9  }
0x27: {  	s1 =	sld [smem:$0x3FAF]  }
0x28: {  	s2 =	sld [smem:$0x3FB0]  }
0x29: {  	s4 =	sld [smem:$0x3FB2]  }
0x2a: {  	p0 =	seq.s32 s5, $0x0;
	s5 =	sld [smem:$0x3FB3]  }
0x2b: {  	s6 =	sld [smem:$0x3FB4]  }
0x2c: {  	s7 =	sld [smem:$0x3FB5]  }
0x2d: {  	s3 =	simm.s32 $0x108;
	s8 =	sld [smem:$0x3FB6]  }
0x2e: {  	s3 =	simm.s32 @!p0 $0x1082;
	s9 =	sld [smem:$0x3FB7]  }
0x2f: {  	lr =	sadd.s32 s0, s3;
	s0 =	sld [smem:$0x3FAE]  }
0x30: {  	s3 =	sld [smem:$0x3FB1]  }
0x31: {  	[smem:$0x3FBA] =	sst s10  }
0x32: {  	s10 =	sld [smem:$0x3FB8];
	_ =	sdelay $0x3  }
0x33: {  	p0 =	seq.s32 s10, $0x1;
	s10 =	sld [smem:$0x3FBA];
	_ =	sdelay $0x3  }
0x34: {  	[smem:$0x3FBA] =	sst s10  }
0x35: {  	s10 =	sld [smem:$0x3FB9];
	_ =	sdelay $0x3  }
0x36: {  	p1 =	seq.s32 s10, $0x1;
	s10 =	sld [smem:$0x3FBA];
	_ =	sdelay $0x3  }
0x37: {  	[smem:$0x3FBA] =	sst s10  }
0x38: {  	s10 =	sld [smem:$0x3FBB]  }
0x39: {  	_ = 	snop;
	(pc) =	sbr.ind lr, $3  }
0x3a: {  	_ = 	snop  }
0x3b: {  	_ = 	snop  }
0x3c: {  	p2 =	seq.s32 s10, $0x1;
	s10 =	sld [smem:$0x3FBA]  }
0x3d: {  	_ =	shalt  }
0x3e: {  	_ =	shalt  }
0x3f: {  	_ =	shalt  }
0x40: {  	_ =	shalt  }
0x41: {  	_ =	shalt  }
0x42: {  	_ =	shalt  }
0x43: {  	_ =	shalt  }
0x44: {  	_ =	shalt  }
0x45: {  	_ =	shalt  }
0x46: {  	_ =	shalt  }
0x47: {  	_ =	shalt  }
0x48: {  	_ =	shalt  }
0x49: {  	_ =	shalt  }
0x4a: {  	_ =	shalt  }
0x4b: {  	_ =	shalt  }
0x4c: {  	_ =	shalt  }
0x4d: {  	_ =	shalt  }
0x4e: {  	_ =	shalt  }
0x4f: {  	_ =	shalt  }
0x50: {  	_ =	shalt  }
0x51: {  	_ =	shalt  }
0x52: {  	_ =	shalt  }
0x53: {  	_ =	shalt  }
0x54: {  	_ =	shalt  }
0x55: {  	_ =	shalt  }
0x56: {  	_ =	shalt  }
0x57: {  	_ =	shalt  }
0x58: {  	_ =	shalt  }
0x59: {  	_ =	shalt  }
0x5a: {  	_ =	shalt  }
0x5b: {  	_ =	shalt  }
0x5c: {  	_ =	shalt  }
0x5d: {  	_ =	shalt  }
0x5e: {  	_ =	shalt  }
0x5f: {  	_ =	shalt  }
0x60: {  	_ =	shalt  }
0x61: {  	_ =	shalt  }
0x62: {  	_ =	shalt  }
0x63: {  	_ =	shalt  }
0x64: {  	_ =	shalt  }
0x65: {  	_ =	shalt  }
0x66: {  	_ =	shalt  }
0x67: {  	_ =	shalt  }
0x68: {  	_ =	shalt  }
0x69: {  	_ =	shalt  }
0x6a: {  	_ =	shalt  }
0x6b: {  	_ =	shalt  }
0x6c: {  	_ =	shalt  }
0x6d: {  	_ =	shalt  }
0x6e: {  	_ =	shalt  }
0x6f: {  	_ =	shalt  }
0x70: {  	_ =	shalt  }
0x71: {  	_ =	shalt  }
0x72: {  	_ =	shalt  }
0x73: {  	_ =	shalt  }
0x74: {  	_ =	shalt  }
0x75: {  	_ =	shalt  }
0x76: {  	_ =	shalt  }
0x77: {  	_ =	shalt  }
0x78: {  	_ =	shalt  }
0x79: {  	_ =	shalt  }
0x7a: {  	_ =	shalt  }
0x7b: {  	_ =	shalt  }
0x7c: {  	_ =	shalt  }
0x7d: {  	_ =	shalt  }
0x7e: {  	_ =	shalt  }
0x7f: {  	_ =	shalt  }
0x80: {  	_ =	shalt  }
0x81: {  	_ =	shalt  }
0x82: {  	_ =	shalt  }
0x83: {  	_ =	shalt  }
0x84: {  	_ =	shalt  }
0x85: {  	_ =	shalt  }
0x86: {  	_ =	shalt  }
0x87: {  	_ =	shalt  }
.Lfunc_end0:
.L_simem_size_0:
called_computation_lowered:
.L_overlay_start_0:
0x88: {  	s2 =	sld [smem:$0x3FD9]  }
0x89: {  	s3 =	sld [smem:$0x3FFE];
	_ =	sdelay $0x1  }
0x8a: {  	s1 =	srdreg.scid  }
0x8b: {  	s0 =	sand.u32 $0x1, s1  }
0x8c: {  	s18 =	sshll.u32 s0, $0xA;
	s2 =	sadd.s32 s3, s2  }
0x8d: {  	s2 =	sadd.s32 s2, s18  }
0x8e: {  	[smem:$0x3FC6] =	sst s2  }
0x8f: {  	_ = 	snop  }
0x90: {  	s2 =	sld [smem:$0x3FC9]  }
0x91: {  	s19 =	sld [smem:$0x3FC8]  }
0x92: {  	s4 =	sld [smem:$0x3FD0];
	(tm) =	ssettm $0x1  }
0x93: {  	s5 =	sld [smem:$0x3FFB];
	_ =	sdelay $0x3  }
0x94: {  	_ =	strace s5  }
0x95: {  	s5 =	sld [smem:$0x3FFC];
	_ =	sdelay $0x3  }
0x96: {  	_ =	strace s5  }
0x97: {  	s5 =	sld [smem:$0x3FFD];
	_ =	sdelay $0x3  }
0x98: {  	_ =	strace s5  }
0x99: {  	_ =	strace $0x8FFFFFFF  }
0x9a: {  	s20 =	sld [smem:$0x3FDB];
	_ =	sdelay $0x1  }
0x9b: {  	s6 =	simm.s32 $_scs_section_size  }
0x9c: {  	s7 =	simm.s32 $_size__tile_overlayer_lowered;
	s8 =	simm.s32 $_tile_overlayer_lowered  }
0x9d: {  	s23 =	simm.s32 $0x1BFF;
	s22 =	sshll.u32 s8, $0x1;
	s5 =	sadd.s32 s6, s20  }
0x9e: {  	s9 =	simm.s32 $0x0;
	s21 =	sshll.u32 s7, $0x1;
	s7 =	sadd.s32 s22, s5  }
0x9f: {  	[timem:s9], [sflag:s23] =	dma.local [hbm:s7], s21  }
0xa0: {  	_ =	swait.ge [sflag:s23], s21  }
0xa1: {  	s6 =	ssub.s32 $0x0, s21;
	[sflag:s23] =	ssyncset.done $0x0  }
0xa2: {  	[sflag:s23] =	ssyncadd.s32 s6;
	_ =	sdelay $0x1  }
0xa3: {  	s24 =	simm.s32 $0x1B8B  }
0xa4: {  	_ =	swait.ge [sflag:s24], $0x1  }
0xa5: {  	[sflag:s24] =	ssyncset.done $0x0  }
0xa6: {  	s25 =	simm.s32 $0x1B8E;
	[sflag:s24] =	ssyncadd.s32 $0xFFFFFFFF  }
0xa7: {  	s26 =	simm.s32 $execute0_lowered;
	[smem:$0x3FD2] =	sst s25  }
0xa8: {  	s6 =	sshll.u32 s26, $0x1;
	_ =	strace $0x80000046;
	[dreg:$0x1] =	wrdreg $0xFFFFFFFF  }
0xa9: {  	s28 =	simm.s32 $_size_execute0_lowered;
	s5 =	sadd.s32 s5, s6;
	[dreg:$0x0] =	wrdreg $0x0  }
0xaa: {  	s6 =	sshll.u32 s28, $0x1;
	[dreg:$0x2] =	wrdreg s5  }
0xab: {  	[dreg:$0x3] =	wrdreg s6  }
0xac: {  	[dreg:$0x4] =	wrdreg $0xC0  }
0xad: {  	_ =	task [dreg:s9], $0x5FFFF  }
0xae: {  	[dreg:$0x1] =	wrdreg $0xFFFFFFFF  }
0xaf: {  	[dreg:$0x0] =	wrdreg $0x60  }
0xb0: {  	[dreg:$0x2] =	wrdreg s2  }
0xb1: {  	[dreg:$0x3] =	wrdreg s19  }
0xb2: {  	[dreg:$0x4] =	wrdreg s4  }
0xb3: {  	[dreg:$0x5] =	wrdreg $0x9  }
0xb4: {  	_ =	task.clear_ibuf [dreg:s9], $0x6FFFF;
	_ =	strace $0x90000046  }
0xb5: {  	s29 =	simm.s32 $0x9;
	_ =	strace $0x80000048  }
0xb6: {  	_ =	swait.ge [sflag:s29], $0x1  }
0xb7: {  	[sflag:s29] =	ssyncadd.s32 $0xFFFFFFFF  }
0xb8: {  	_ =	strace $0x90000048  }
0xb9: {  	_ =	sfence  }
0xba: {  	s30 =	sld [smem:$0x0];
	_ =	sdelay $0x2  }
0xbb: {  	s31 =	sshll.u32 s1, $0xD;
	s1 =	sshrl.u32 s1, $0x2  }
0xbc: {  	s3 =	sand.u32 $0x4000, s31;
	s1 =	sadd.s32 s1, s30  }
0xbd: {  	s0 =	sor.u32 s3, s0;
	s1 =	sshll.u32 s1, $0x11  }
0xbe: {  	s0 =	sor.u32 s1, s0  }
0xbf: {  	s0 =	sadd.s32 $0x8F2B, s0  }
0xc0: {  	[sflag:s0] =	ssyncadd.remote.s32 $0x1  }
0xc1: {  	_ =	sfence.sel $0xFFFF  }
0xc2: {  	[dreg:$0x0] =	wrdreg $0xFFFFFFFF;
	(pc) =	sbr.abs _section_cstart, $3  }
0xc3: {  	[dreg:$0x1] =	wrdreg $0xFFFFFFFF  }
0xc4: {  	_ =	task.clear_ibuf [dreg:s9], $0x2FFFF;
	_ =	strace $0x9FFFFFFF  }
0xc5: {  	(tm) =	ssettm $0x7FFFFFFF  }
tec
execute0_lowered:
.L_overlay_start_1:
0x0: {  	(tag) =	ssettag $0x1  }
0x1: {  	s0 =	rddreg [dreg:$0x0]  }
0x2: {  	s9 =	rddreg [dreg:$0x1];
	s1 =	srdreg.scid  }
0x3: {  	s8 =	stileid.u32;
	s3 =	rddreg [dreg:$0x2];
	s4 =	simm.s32 $0x0  }
0x4: {  	s18 =	simm.s32 $0x400;
	s19 =	simm.s32 $0x7A1400;
	s20 =	simm.s32 $0xC000  }
0x5: {  	s15 =	simm.s32 $0x3;
	s16 =	simm.s32 $0x10000;
	s17 =	simm.s32 $0x16000  }
0x6: {  	s12 =	simm.s32 $0x17000;
	s13 =	simm.s32 $0x17800;
	s1 =	sand.u32 $0x1, s1  }
0x7: {  	s2 =	sshll.u32 s8, $0x1;
	[smem:$0x7FF] =	sst s4;
	s26 =	sadd.s32 $0x7A1000, s3  }
0x8: {  	s29 =	sadd.s32 $0x80, s9;
	_ =	strace $0x80000047;
	[dreg:$0xa] =	wrdreg s26  }
0x9: {  	s30 =	sadd.s32 $0x100, s9;
	s31 =	sadd.s32 $0x180, s9;
	[dreg:$0xc] =	wrdreg s29  }
0xa: {  	p1 =	sgt.u32 s8, $0x1;
	s2 =	sor.u32 s1, s2;
	[dreg:$0xd] =	wrdreg s30  }
0xb: {  	s1 =	ssub.s32 $0x2, s1;
	[dreg:$0xe] =	wrdreg s31;
	s5 =	smul.u32 $0x7A00, s2  }
0xc: {  	s6 =	sshrl.u32 s1, $0x1;
	s23 =	sor.u32 $0x1E80, s2;
	p0 =	sne.s32 s2, $0x1F  }
0xd: {  	s1 =	ssub.s32 s1, s6;
	s6 =	smul.u32 $0xF4, s2;
	s7 =	sadd.s32 s0, s5  }
0xe: {  	s24 =	sshll.u32 s23, $0x7;
	s28 =	smax.u32 s1, $0x1;
	[dreg:$0x4] =	wrdreg s7  }
0xf: {  	s25 =	sshll.u32 s23, $0xA;
	s5 =	sadd.s32 $0x80, s7;
	[dreg:$0xb] =	wrdreg s28  }
0x10: {  	v0 =	vlaneseq.u32;
	s23 =	simm.s32 $0x1;
	s10 =	sadd.s32 $0x100, s7;
	[dreg:$0x5] =	wrdreg s5  }
.Ltmp0:
0x11: {  	v0 =	vmul.u32 $0x40, v0;
	s7 =	sadd.s32 $0x180, s7;
	[dreg:$0x6] =	wrdreg s10;
	(pc) =	sbr.rel .LBB2_1-.Ltmp0, $4  }
0x12: {  	s2 =	simm.s32 $0x4;
	[dreg:$0x7] =	wrdreg s7;
	s10 =	sadd.s32 $0x200, s0  }
0x13: {  	v1 =	vor.u32 $0x800, v0;
	s0 =	sadd.s32 s0, s24;
	s24 =	simm.s32 $0x8000;
	s7 =	simm.s32 $0x14000  }
0x14: {  	v2 =	vor.u32 $0x1000, v0;
	v3 =	vor.u32 $0x1800, v0;
	v4 =	vor.u32 $0x2000, v0;
	s5 =	simm.s32 $0x16800;
	[dreg:$0x8] =	wrdreg s0;
	s0 =	sadd.s32 s3, s25  }
0x15: {  	v5 =	vor.u32 $0x2800, v0;
	v6 =	vor.u32 $0x3000, v0;
	v7 =	vor.u32 $0x3800, v0;
	s25 =	simm.s32 $0x0;
	[dreg:$0x9] =	wrdreg s0;
	s0 =	simm.s32 $0x2  }
.LBB2_16:
0x16: {  	s1 =	simm.s32 @!p0 $0x0;
	s8 =	simm.s32 @!p0 $0xC000;
	s9 =	rddreg [dreg:$0x1]  }
0x17: {  	[tilespmem:s8], [sflag:$0x9] =	stream.linear.gather @!p0 [hbm4b:s9+s1], $0x400, $0x38;
	[tilespmem:$0x18000] =	vst v63  }
0x18: {  	s11 =	rddreg [dreg:$0xc];
	s9 =	simm.s32 @!p0 $0xC800  }
0x19: {  	[tilespmem:s9], [sflag:$0x9] =	stream.linear.gather @!p0 [hbm4b:s11+s1], $0x400, $0x38;
	[tilespmem:$0x18000] =	vst v63  }
0x1a: {  	s14 =	rddreg [dreg:$0xd];
	s11 =	simm.s32 @!p0 $0xD000  }
0x1b: {  	[tilespmem:s11], [sflag:$0x9] =	stream.linear.gather @!p0 [hbm4b:s14+s1], $0x400, $0x38;
	[tilespmem:$0x18000] =	vst v63  }
0x1c: {  	s21 =	rddreg [dreg:$0xe];
	s14 =	simm.s32 @!p0 $0xD800  }
0x1d: {  	[tilespmem:s14], [sflag:$0x9] =	stream.linear.gather @!p0 [hbm4b:s21+s1], $0x400, $0x38;
	[tilespmem:$0x18000] =	vst v63  }
0x1e: {  	s21 =	simm.s32 @!p0 $0x9  }
0x1f: {  	_ =	swait.ge @!p0 [sflag:s21], $0x1000  }
0x20: {  	[sflag:s21] =	ssyncset.done @!p0 $0x0  }
0x21: {  	s22 =	rddreg [dreg:$0xa];
	[sflag:s21] =	ssyncadd.s32 @!p0 $0xFFFFF000  }
0x22: {  	[hbm4b:s22+s1] =	stream.linear.scatter @!p0 [tilespmem:s8], [sflag:$0x9], $0x400, $0x38;
	[tilespmem:$0x18000] =	vst v63  }
0x23: {  	s8 =	sadd.s32 @!p0 $0x80, s22  }
0x24: {  	[hbm4b:s8+s1] =	stream.linear.scatter @!p0 [tilespmem:s9], [sflag:$0x9], $0x400, $0x38;
	[tilespmem:$0x18000] =	vst v63  }
0x25: {  	s8 =	sadd.s32 @!p0 $0x100, s22  }
0x26: {  	[hbm4b:s8+s1] =	stream.linear.scatter @!p0 [tilespmem:s11], [sflag:$0x9], $0x400, $0x38;
	[tilespmem:$0x18000] =	vst v63  }
0x27: {  	s8 =	sadd.s32 @!p0 $0x180, s22  }
0x28: {  	[hbm4b:s8+s1] =	stream.linear.scatter @!p0 [tilespmem:s14], [sflag:$0x9], $0x400, $0x38;
	[tilespmem:$0x18000] =	vst v63  }
0x29: {  	_ =	swait.ge @!p0 [sflag:s21], $0x1000  }
0x2a: {  	s25 =	sadd.s32 $0x1, s25;
	s31 =	rddreg [dreg:$0xb]  }
0x2b: {  	p2 =	sne.s32 s25, s31  }
.Ltmp1:
0x2c: {  	_ = 	snop;
	(pc) =	sbr.rel @!p2 .LBB2_17-.Ltmp1, $3  }
0x2d: {  	_ =	sdelay $0x1  }
0x2e: {  	[sflag:s21] =	ssyncset.done @!p0 $0x0  }
0x2f: {  	[sflag:s21] =	ssyncadd.s32 @!p0 $0xFFFFF000  }
.LBB2_1:
0x30: {  	[dreg:$0xf] =	wrdreg s25  }
0x31: {  	s1 =	rddreg [dreg:$0x4]  }
0x32: {  	[tilespmem:s4], [sflag:$0x1] =	stream.strided.gather [hbm4b:s1+s18], $0x2000, s19, s18, $0x38;
	[tilespmem:$0x18000] =	vst v63  }
0x33: {  	s26 =	rddreg [dreg:$0x5];
	s8 =	simm.s32 $0x2000  }
0x34: {  	[tilespmem:s8], [sflag:$0x2] =	stream.strided.gather [hbm4b:s26+s18], $0x2000, s19, s18, $0x38;
	[tilespmem:$0x18000] =	vst v63  }
0x35: {  	s28 =	rddreg [dreg:$0x6];
	s29 =	simm.s32 $0x4000  }
0x36: {  	[tilespmem:s29], [sflag:$0x3] =	stream.strided.gather [hbm4b:s28+s18], $0x2000, s19, s18, $0x38;
	[tilespmem:$0x18000] =	vst v63  }
0x37: {  	s30 =	rddreg [dreg:$0x7];
	s31 =	simm.s32 $0x6000;
	s22 =	simm.s32 $0x0  }
0x38: {  	[tilespmem:s31], [sflag:$0x4] =	stream.strided.gather [hbm4b:s30+s18], $0x2000, s19, s18, $0x38;
	[tilespmem:$0x18000] =	vst v63  }
.LBB2_2:
0x39: {  	_ =	swait.ge [sflag:s23], $0x2000  }
0x3a: {  	p2 =	seq.s32 s22, $0x0;
	[sflag:s23] =	ssyncset.done $0x0  }
0x3b: {  	s1 =	simm.s32 @!p2 $0x5;
	[sflag:s23] =	ssyncadd.s32 $0xFFFFE000  }
0x3c: {  	_ =	swait.ge @!p2 [sflag:s1], $0x2000  }
0x3d: {  	[sflag:s1] =	ssyncset.done @!p2 $0x0  }
0x3e: {  	s14 =	simm.s32 $0x80;
	s21 =	simm.s32 $0x1;
	[sflag:s1] =	ssyncadd.s32 @!p2 $0xFFFFE000  }
0x3f: {  	s9 =	simm.s32 $0x0;
	v9 =	vor.u32 s21, v0;
	v8 =	vld [tilespmem:s14+$0x0]  }
0x40: {  	v11 =	vor.u32 s9, v0;
	v10 =	vld [tilespmem:s14+$0xFFFFFF80];
	_ =	sdelay $0x3  }
0x41: {  	[tilespmem:v9+s24+$0x0] =	vst.idx.msk $0xffff, v8  }
0x42: {  	[tilespmem:v11+s24+$0x0] =	vst.idx.msk $0xffff, v10;
	v9 =	vor.u32 s21, v1;
	v8 =	vld [tilespmem:s14+$0x10]  }
0x43: {  	v11 =	vor.u32 s9, v1;
	v10 =	vld [tilespmem:s14+$0xFFFFFF90];
	_ =	sdelay $0x3  }
0x44: {  	[tilespmem:v9+s24+$0x0] =	vst.idx.msk $0xffff, v8  }
0x45: {  	[tilespmem:v11+s24+$0x0] =	vst.idx.msk $0xffff, v10;
	v9 =	vor.u32 s21, v2;
	v8 =	vld [tilespmem:s14+$0x20]  }
0x46: {  	v11 =	vor.u32 s9, v2;
	v10 =	vld [tilespmem:s14+$0xFFFFFFA0];
	_ =	sdelay $0x1  }
0x47: {  	s25 =	simm.s32 $0x3;
	s26 =	simm.s32 $0x180  }
0x48: {  	s11 =	simm.s32 $0x2;
	v13 =	vor.u32 s25, v0;
	v12 =	vld [tilespmem:s26+$0x0]  }
0x49: {  	v15 =	vor.u32 s11, v0;
	v14 =	vld [tilespmem:s26+$0xFFFFFF80];
	[tilespmem:v9+s24+$0x0] =	vst.idx.msk $0xffff, v8  }
0x4a: {  	[tilespmem:v11+s24+$0x0] =	vst.idx.msk $0xffff, v10;
	v9 =	vor.u32 s21, v3;
	v8 =	vld [tilespmem:s14+$0x30]  }
0x4b: {  	v11 =	vor.u32 s9, v3;
	v10 =	vld [tilespmem:s14+$0xFFFFFFB0];
	_ =	sdelay $0x1  }
0x4c: {  	[tilespmem:v13+s24+$0x0] =	vst.idx.msk $0xffff, v12  }
0x4d: {  	[tilespmem:v15+s24+$0x0] =	vst.idx.msk $0xffff, v14;
	v13 =	vor.u32 s25, v1;
	v12 =	vld [tilespmem:s26+$0x10]  }
0x4e: {  	v15 =	vor.u32 s11, v1;
	v14 =	vld [tilespmem:s26+$0xFFFFFF90];
	[tilespmem:v9+s24+$0x0] =	vst.idx.msk $0xffff, v8  }
0x4f: {  	[tilespmem:v11+s24+$0x0] =	vst.idx.msk $0xffff, v10;
	v9 =	vor.u32 s21, v4;
	v8 =	vld [tilespmem:s14+$0x40]  }
0x50: {  	v11 =	vor.u32 s9, v4;
	v10 =	vld [tilespmem:s14+$0xFFFFFFC0];
	_ =	sdelay $0x1  }
0x51: {  	[tilespmem:v13+s24+$0x0] =	vst.idx.msk $0xffff, v12  }
0x52: {  	[tilespmem:v15+s24+$0x0] =	vst.idx.msk $0xffff, v14;
	v13 =	vor.u32 s25, v2;
	v12 =	vld [tilespmem:s26+$0x20]  }
0x53: {  	v15 =	vor.u32 s11, v2;
	v14 =	vld [tilespmem:s26+$0xFFFFFFA0];
	[tilespmem:v9+s24+$0x0] =	vst.idx.msk $0xffff, v8  }
0x54: {  	[tilespmem:v11+s24+$0x0] =	vst.idx.msk $0xffff, v10;
	v9 =	vor.u32 s21, v5;
	v8 =	vld [tilespmem:s14+$0x50]  }
0x55: {  	s8 =	simm.s32 $0x5;
	s28 =	simm.s32 $0x280;
	v11 =	vor.u32 s9, v5;
	v10 =	vld [tilespmem:s14+$0xFFFFFFD0]  }
0x56: {  	s29 =	simm.s32 $0x4;
	v17 =	vor.u32 s8, v0;
	v16 =	vld [tilespmem:s28+$0x0]  }
0x57: {  	v19 =	vor.u32 s29, v0;
	v18 =	vld [tilespmem:s28+$0xFFFFFF80];
	[tilespmem:v13+s24+$0x0] =	vst.idx.msk $0xffff, v12  }
0x58: {  	[tilespmem:v15+s24+$0x0] =	vst.idx.msk $0xffff, v14;
	v13 =	vor.u32 s25, v3;
	v12 =	vld [tilespmem:s26+$0x30]  }
0x59: {  	v15 =	vor.u32 s11, v3;
	v14 =	vld [tilespmem:s26+$0xFFFFFFB0];
	[tilespmem:v9+s24+$0x0] =	vst.idx.msk $0xffff, v8  }
0x5a: {  	[tilespmem:v11+s24+$0x0] =	vst.idx.msk $0xffff, v10;
	v9 =	vor.u32 s21, v6;
	v8 =	vld [tilespmem:s14+$0x60]  }
0x5b: {  	[tilespmem:v17+s24+$0x0] =	vst.idx.msk $0xffff, v16;
	v11 =	vor.u32 s9, v6;
	v10 =	vld [tilespmem:s14+$0xFFFFFFE0]  }
0x5c: {  	[tilespmem:v19+s24+$0x0] =	vst.idx.msk $0xffff, v18;
	v17 =	vor.u32 s8, v1;
	v16 =	vld [tilespmem:s28+$0x10]  }
0x5d: {  	v19 =	vor.u32 s29, v1;
	v18 =	vld [tilespmem:s28+$0xFFFFFF90];
	[tilespmem:v13+s24+$0x0] =	vst.idx.msk $0xffff, v12  }
0x5e: {  	[tilespmem:v15+s24+$0x0] =	vst.idx.msk $0xffff, v14;
	v13 =	vor.u32 s25, v4;
	v12 =	vld [tilespmem:s26+$0x40]  }
0x5f: {  	v21 =	vor.u32 s11, v4;
	v20 =	vld [tilespmem:s26+$0xFFFFFFC0];
	[tilespmem:v9+s24+$0x0] =	vst.idx.msk $0xffff, v8  }
0x60: {  	v23 =	vor.u32 s21, v7;
	[tilespmem:v11+s24+$0x0] =	vst.idx.msk $0xffff, v10;
	v22 =	vld [tilespmem:s14+$0x70]  }
0x61: {  	[tilespmem:v17+s24+$0x0] =	vst.idx.msk $0xffff, v16;
	v9 =	vor.u32 s9, v7;
	v8 =	vld [tilespmem:s14+$0xFFFFFFF0]  }
0x62: {  	[tilespmem:v19+s24+$0x0] =	vst.idx.msk $0xffff, v18;
	v16 =	vor.u32 s8, v2;
	v14 =	vld [tilespmem:s28+$0x20]  }
0x63: {  	v17 =	vor.u32 s29, v2;
	v15 =	vld [tilespmem:s28+$0xFFFFFFA0];
	[tilespmem:v13+s24+$0x0] =	vst.idx.msk $0xffff, v12  }
0x64: {  	s30 =	simm.s32 $0x6;
	s31 =	simm.s32 $0x7;
	[tilespmem:v21+s24+$0x0] =	vst.idx.msk $0xffff, v20;
	s21 =	sshll.u32 s22, $0x2;
	v10 =	vld [tilespmem:s26+$0x50];
	v11 =	vor.u32 s25, v5  }
0x65: {  	s1 =	simm.s32 $0x8;
	v13 =	vor.u32 s11, v5;
	v12 =	vld [tilespmem:s26+$0xFFFFFFD0];
	s9 =	sadd.s32 s6, s21;
	s14 =	simm.s32 $0x380;
	[tilespmem:v23+s24+$0x0] =	vst.idx.msk $0xffff, v22  }
.LBB2_3:
0x66: {  	p3 =	slt.u32 s1, $0x3E;
	v18 =	vld [tilespmem:s14+$0x0];
	v19 =	vor.u32 s31, v0;
	[tilespmem:v9+s24+$0x0] =	vst.idx.msk $0xffff, v8  }
0x67: {  	v9 =	vor.u32 s30, v0;
	v8 =	vld [tilespmem:s14+$0xFFFFFF80];
	[tilespmem:v16+s24+$0x0] =	vst.idx.msk $0xffff, v14  }
0x68: {  	[tilespmem:v17+s24+$0x0] =	vst.idx.msk $0xffff, v15;
	v14 =	vld [tilespmem:s28+$0x30];
	v15 =	vor.u32 s8, v3  }
0x69: {  	v17 =	vor.u32 s29, v3;
	v16 =	vld [tilespmem:s28+$0xFFFFFFB0];
	[tilespmem:v11+s24+$0x0] =	vst.idx.msk $0xffff, v10  }
0x6a: {  	v11 =	vor.u32 s25, v6;
	[tilespmem:v13+s24+$0x0] =	vst.idx.msk $0xffff, v12;
	v10 =	vld [tilespmem:s26+$0x60]  }
0x6b: {  	v13 =	vor.u32 s11, v6;
	[tilespmem:v19+s24+$0x0] =	vst.idx.msk $0xffff, v18;
	v12 =	vld [tilespmem:s26+$0xFFFFFFE0]  }
0x6c: {  	[tilespmem:v9+s24+$0x0] =	vst.idx.msk $0xffff, v8;
	v8 =	vld [tilespmem:s14+$0x10];
	v9 =	vor.u32 s31, v1  }
0x6d: {  	v19 =	vor.u32 s30, v1;
	v18 =	vld [tilespmem:s14+$0xFFFFFF90];
	[tilespmem:v15+s24+$0x0] =	vst.idx.msk $0xffff, v14  }
0x6e: {  	v21 =	vor.u32 s8, v4;
	[tilespmem:v17+s24+$0x0] =	vst.idx.msk $0xffff, v16;
	v20 =	vld [tilespmem:s28+$0x40]  }
0x6f: {  	v23 =	vor.u32 s29, v4;
	v22 =	vld [tilespmem:s28+$0xFFFFFFC0];
	[tilespmem:v11+s24+$0x0] =	vst.idx.msk $0xffff, v10  }
0x70: {  	v25 =	vor.u32 s25, v7;
	s25 =	smov.u32 s8;
	s8 =	smov.u32 s31;
	[tilespmem:v13+s24+$0x0] =	vst.idx.msk $0xffff, v12;
	v24 =	vld [tilespmem:s26+$0x70]  }
.Ltmp2:
0x71: {  	[tilespmem:v9+s24+$0x0] =	vst.idx.msk $0xffff, v8;
	v8 =	vld [tilespmem:s26+$0xFFFFFFF0];
	v9 =	vor.u32 s11, v7;
	s11 =	smov.u32 s29;
	s29 =	smov.u32 s30;
	(pc) =	sbr.rel @p3 .LBB2_3-.Ltmp2, $4  }
0x72: {  	v16 =	vor.u32 s8, v2;
	s30 =	smov.u32 s1;
	s26 =	smov.u32 s28;
	s28 =	smov.u32 s14;
	[tilespmem:v19+s24+$0x0] =	vst.idx.msk $0xffff, v18;
	v14 =	vld [tilespmem:s14+$0x20]  }
0x73: {  	v17 =	vor.u32 s29, v2;
	v15 =	vld [tilespmem:s14+$0xFFFFFFA0];
	[tilespmem:v21+s24+$0x0] =	vst.idx.msk $0xffff, v20  }
0x74: {  	v11 =	vor.u32 s25, v5;
	[tilespmem:v23+s24+$0x0] =	vst.idx.msk $0xffff, v22;
	v10 =	vld [tilespmem:s26+$0x50]  }
0x75: {  	s1 =	sadd.s32 $0x2, s1;
	s31 =	sadd.s32 $0x1, s30;
	v13 =	vor.u32 s11, v5;
	s14 =	sadd.s32 $0x100, s14;
	v12 =	vld [tilespmem:s26+$0xFFFFFFD0];
	[tilespmem:v25+s24+$0x0] =	vst.idx.msk $0xffff, v24  }
0x76: {  	v18 =	vld [tilespmem:s14+$0x0];
	v19 =	vor.u32 s31, v0  }
0x77: {  	v20 =	vld [tilespmem:s14+$0xFFFFFF80];
	v21 =	vor.u32 s30, v0;
	_ =	sdelay $0x3  }
0x78: {  	[tilespmem:v19+s24+$0x0] =	vst.idx.msk $0xffff, v18  }
0x79: {  	[tilespmem:v21+s24+$0x0] =	vst.idx.msk $0xffff, v20;
	v19 =	vor.u32 s31, v1;
	v18 =	vld [tilespmem:s14+$0x10]  }
0x7a: {  	v58 =	vor.u32 s30, v1;
	v20 =	vld [tilespmem:s14+$0xFFFFFF90];
	_ =	sdelay $0x3  }
0x7b: {  	[tilespmem:v19+s24+$0x0] =	vst.idx.msk $0xffff, v18  }
0x7c: {  	[tilespmem:v58+s24+$0x0] =	vst.idx.msk $0xffff, v20;
	v19 =	vor.u32 s31, v2;
	v18 =	vld [tilespmem:s14+$0x20]  }
0x7d: {  	v59 =	vor.u32 s30, v2;
	[tilespmem:v16+s24+$0x0] =	vst.idx.msk $0xffff, v14;
	v20 =	vld [tilespmem:s14+$0xFFFFFFA0]  }
0x7e: {  	[tilespmem:v17+s24+$0x0] =	vst.idx.msk $0xffff, v15;
	v14 =	vld [tilespmem:s28+$0x30];
	v15 =	vor.u32 s8, v3  }
0x7f: {  	v17 =	vor.u32 s29, v3;
	v16 =	vld [tilespmem:s28+$0xFFFFFFB0];
	_ =	sdelay $0x1  }
0x80: {  	[tilespmem:v19+s24+$0x0] =	vst.idx.msk $0xffff, v18  }
0x81: {  	[tilespmem:v59+s24+$0x0] =	vst.idx.msk $0xffff, v20;
	v19 =	vor.u32 s31, v3;
	v18 =	vld [tilespmem:s14+$0x30]  }
0x82: {  	v60 =	vor.u32 s30, v3;
	[tilespmem:v15+s24+$0x0] =	vst.idx.msk $0xffff, v14;
	v20 =	vld [tilespmem:s14+$0xFFFFFFB0]  }
0x83: {  	v15 =	vor.u32 s8, v4;
	[tilespmem:v17+s24+$0x0] =	vst.idx.msk $0xffff, v16;
	v14 =	vld [tilespmem:s28+$0x40]  }
0x84: {  	v17 =	vor.u32 s29, v4;
	v16 =	vld [tilespmem:s28+$0xFFFFFFC0]  }
0x85: {  	[tilespmem:v9+s24+$0x0] =	vst.idx.msk $0xffff, v8  }
0x86: {  	[tilespmem:v19+s24+$0x0] =	vst.idx.msk $0xffff, v18  }
0x87: {  	[tilespmem:v60+s24+$0x0] =	vst.idx.msk $0xffff, v20;
	v19 =	vor.u32 s31, v4;
	v18 =	vld [tilespmem:s14+$0x40]  }
0x88: {  	v61 =	vor.u32 s30, v4;
	[tilespmem:v15+s24+$0x0] =	vst.idx.msk $0xffff, v14;
	v20 =	vld [tilespmem:s14+$0xFFFFFFC0]  }
0x89: {  	v9 =	vor.u32 s8, v5;
	[tilespmem:v17+s24+$0x0] =	vst.idx.msk $0xffff, v16;
	v8 =	vld [tilespmem:s28+$0x50]  }
0x8a: {  	[tilespmem:v11+s24+$0x0] =	vst.idx.msk $0xffff, v10;
	v15 =	vor.u32 s29, v5;
	v14 =	vld [tilespmem:s28+$0xFFFFFFD0]  }
0x8b: {  	[tilespmem:v13+s24+$0x0] =	vst.idx.msk $0xffff, v12  }
0x8c: {  	v12 =	vld [tilespmem:s26+$0x60];
	v13 =	vor.u32 s25, v6;
	[tilespmem:v19+s24+$0x0] =	vst.idx.msk $0xffff, v18  }
0x8d: {  	v17 =	vor.u32 s31, v5;
	[tilespmem:v61+s24+$0x0] =	vst.idx.msk $0xffff, v20;
	v16 =	vld [tilespmem:s14+$0x50]  }
0x8e: {  	v11 =	vor.u32 s30, v5;
	[tilespmem:v9+s24+$0x0] =	vst.idx.msk $0xffff, v8;
	v10 =	vld [tilespmem:s14+$0xFFFFFFD0]  }
0x8f: {  	v9 =	vor.u32 s8, v6;
	[tilespmem:v15+s24+$0x0] =	vst.idx.msk $0xffff, v14;
	v8 =	vld [tilespmem:s28+$0x60]  }
0x90: {  	v15 =	vor.u32 s29, v6;
	v14 =	vld [tilespmem:s28+$0xFFFFFFE0]  }
0x91: {  	[tilespmem:v13+s24+$0x0] =	vst.idx.msk $0xffff, v12  }
0x92: {  	v18 =	vld [tilespmem:s26+$0xFFFFFFE0];
	v19 =	vor.u32 s11, v6;
	[tilespmem:v17+s24+$0x0] =	vst.idx.msk $0xffff, v16  }
0x93: {  	[tilespmem:v11+s24+$0x0] =	vst.idx.msk $0xffff, v10;
	v11 =	vor.u32 s31, v6;
	v10 =	vld [tilespmem:s14+$0x60]  }
0x94: {  	v13 =	vor.u32 s30, v6;
	[tilespmem:v9+s24+$0x0] =	vst.idx.msk $0xffff, v8;
	v12 =	vld [tilespmem:s14+$0xFFFFFFE0]  }
0x95: {  	v9 =	vor.u32 s8, v7;
	[tilespmem:v15+s24+$0x0] =	vst.idx.msk $0xffff, v14;
	v8 =	vld [tilespmem:s28+$0x70]  }
0x96: {  	v15 =	vor.u32 s29, v7;
	v14 =	vld [tilespmem:s28+$0xFFFFFFF0]  }
0x97: {  	[tilespmem:v19+s24+$0x0] =	vst.idx.msk $0xffff, v18;
	v16 =	vld [tilespmem:s26+$0x70];
	v17 =	vor.u32 s25, v7  }
0x98: {  	v19 =	vor.u32 s11, v7;
	v18 =	vld [tilespmem:s26+$0xFFFFFFF0];
	[tilespmem:v11+s24+$0x0] =	vst.idx.msk $0xffff, v10  }
0x99: {  	[tilespmem:v13+s24+$0x0] =	vst.idx.msk $0xffff, v12;
	v11 =	vor.u32 s31, v7;
	v10 =	vld [tilespmem:s14+$0x70]  }
0x9a: {  	[tilespmem:v9+s24+$0x0] =	vst.idx.msk $0xffff, v8;
	v13 =	vor.u32 s30, v7;
	v12 =	vld [tilespmem:s14+$0xFFFFFFF0]  }
0x9b: {  	[tilespmem:v15+s24+$0x0] =	vst.idx.msk $0xffff, v14  }
0x9c: {  	[tilespmem:v17+s24+$0x0] =	vst.idx.msk $0xffff, v16  }
0x9d: {  	[tilespmem:v19+s24+$0x0] =	vst.idx.msk $0xffff, v18  }
0x9e: {  	s1 =	sshll.u32 s9, $0xA;
	[tilespmem:v11+s24+$0x0] =	vst.idx.msk $0xffff, v10  }
0x9f: {  	s1 =	sadd.s32 s3, s1;
	[tilespmem:v13+s24+$0x0] =	vst.idx.msk $0xffff, v12  }
0xa0: {  	[hbm4b:s1+s4] =	stream.linear.scatter [tilespmem:s24], [sflag:$0x5], $0x400, $0x38;
	[tilespmem:$0x18000] =	vst v63  }
0xa1: {  	s25 =	sadd.s32 $0x80, s1;
	s26 =	simm.s32 $0x8800  }
0xa2: {  	[hbm4b:s25+s4] =	stream.linear.scatter [tilespmem:s26], [sflag:$0x5], $0x400, $0x38;
	[tilespmem:$0x18000] =	vst v63  }
0xa3: {  	s11 =	sadd.s32 $0x100, s1;
	s14 =	simm.s32 $0x9000  }
0xa4: {  	[hbm4b:s11+s4] =	stream.linear.scatter [tilespmem:s14], [sflag:$0x5], $0x400, $0x38;
	[tilespmem:$0x18000] =	vst v63  }
0xa5: {  	s25 =	sadd.s32 $0x180, s1;
	s26 =	simm.s32 $0x9800  }
0xa6: {  	[hbm4b:s25+s4] =	stream.linear.scatter [tilespmem:s26], [sflag:$0x5], $0x400, $0x38;
	[tilespmem:$0x18000] =	vst v63  }
0xa7: {  	s11 =	sadd.s32 $0x200, s1;
	s14 =	simm.s32 $0xA000  }
0xa8: {  	[hbm4b:s11+s4] =	stream.linear.scatter [tilespmem:s14], [sflag:$0x5], $0x400, $0x38;
	[tilespmem:$0x18000] =	vst v63  }
0xa9: {  	s25 =	sadd.s32 $0x280, s1;
	s26 =	simm.s32 $0xA800  }
0xaa: {  	[hbm4b:s25+s4] =	stream.linear.scatter [tilespmem:s26], [sflag:$0x5], $0x400, $0x38;
	[tilespmem:$0x18000] =	vst v63  }
0xab: {  	s14 =	sadd.s32 $0x300, s1;
	s25 =	simm.s32 $0xB000  }
0xac: {  	[hbm4b:s14+s4] =	stream.linear.scatter [tilespmem:s25], [sflag:$0x5], $0x400, $0x38;
	[tilespmem:$0x18000] =	vst v63  }
0xad: {  	p3 =	seq.s32 s22, $0x3C;
	s1 =	sadd.s32 $0x380, s1;
	s26 =	simm.s32 $0xB800  }
0xae: {  	[hbm4b:s1+s4] =	stream.linear.scatter [tilespmem:s26], [sflag:$0x5], $0x400, $0x38;
	[tilespmem:$0x18000] =	vst v63  }
0xaf: {  	s8 =	simm.s32 @!p3 $0x400;
	s1 =	sshll.u32 @!p3 s9, $0x7  }
0xb0: {  	s11 =	simm.s32 @!p3 $0x0;
	s9 =	simm.s32 @!p3 $0x7A1400;
	s1 =	sadd.s32 @!p3 s1, s10  }
0xb1: {  	[tilespmem:s11], [sflag:$0x1] =	stream.strided.gather @!p3 [hbm4b:s1+s8], $0x2000, s9, s8, $0x38;
	[tilespmem:$0x18000] =	vst v63  }
0xb2: {  	_ =	swait.ge [sflag:s0], $0x2000  }
0xb3: {  	[sflag:s0] =	ssyncset.done $0x0  }
0xb4: {  	s1 =	simm.s32 @!p2 $0x6;
	[sflag:s0] =	ssyncadd.s32 $0xFFFFE000  }
0xb5: {  	_ =	swait.ge @!p2 [sflag:s1], $0x2000  }
0xb6: {  	[sflag:s1] =	ssyncset.done @!p2 $0x0  }
0xb7: {  	s30 =	simm.s32 $0x1;
	s9 =	simm.s32 $0x2080;
	[sflag:s1] =	ssyncadd.s32 @!p2 $0xFFFFE000  }
0xb8: {  	v9 =	vor.u32 s30, v0;
	s1 =	simm.s32 $0x0;
	v8 =	vld [tilespmem:s9+$0x0]  }
0xb9: {  	v10 =	vld [tilespmem:s9+$0xFFFFFF80];
	v11 =	vor.u32 s1, v0;
	_ =	sdelay $0x3  }
0xba: {  	[tilespmem:v9+s20+$0x0] =	vst.idx.msk $0xffff, v8  }
0xbb: {  	[tilespmem:v11+s20+$0x0] =	vst.idx.msk $0xffff, v10;
	v9 =	vor.u32 s30, v1;
	v8 =	vld [tilespmem:s9+$0x10]  }
0xbc: {  	v11 =	vor.u32 s1, v1;
	v10 =	vld [tilespmem:s9+$0xFFFFFF90];
	_ =	sdelay $0x3  }
0xbd: {  	[tilespmem:v9+s20+$0x0] =	vst.idx.msk $0xffff, v8  }
0xbe: {  	[tilespmem:v11+s20+$0x0] =	vst.idx.msk $0xffff, v10;
	v9 =	vor.u32 s30, v2;
	v8 =	vld [tilespmem:s9+$0x20]  }
0xbf: {  	v11 =	vor.u32 s1, v2;
	v10 =	vld [tilespmem:s9+$0xFFFFFFA0];
	_ =	sdelay $0x1  }
0xc0: {  	s26 =	simm.s32 $0x2180;
	s11 =	simm.s32 $0x3  }
0xc1: {  	s25 =	simm.s32 $0x2;
	v13 =	vor.u32 s11, v0;
	v12 =	vld [tilespmem:s26+$0x0]  }
0xc2: {  	v15 =	vor.u32 s25, v0;
	v14 =	vld [tilespmem:s26+$0xFFFFFF80];
	[tilespmem:v9+s20+$0x0] =	vst.idx.msk $0xffff, v8  }
0xc3: {  	[tilespmem:v11+s20+$0x0] =	vst.idx.msk $0xffff, v10;
	v9 =	vor.u32 s30, v3;
	v8 =	vld [tilespmem:s9+$0x30]  }
0xc4: {  	v11 =	vor.u32 s1, v3;
	v10 =	vld [tilespmem:s9+$0xFFFFFFB0];
	_ =	sdelay $0x1  }
0xc5: {  	[tilespmem:v13+s20+$0x0] =	vst.idx.msk $0xffff, v12  }
0xc6: {  	[tilespmem:v15+s20+$0x0] =	vst.idx.msk $0xffff, v14;
	v13 =	vor.u32 s11, v1;
	v12 =	vld [tilespmem:s26+$0x10]  }
0xc7: {  	v15 =	vor.u32 s25, v1;
	v14 =	vld [tilespmem:s26+$0xFFFFFF90];
	[tilespmem:v9+s20+$0x0] =	vst.idx.msk $0xffff, v8  }
0xc8: {  	[tilespmem:v11+s20+$0x0] =	vst.idx.msk $0xffff, v10;
	v9 =	vor.u32 s30, v4;
	v8 =	vld [tilespmem:s9+$0x40]  }
0xc9: {  	v11 =	vor.u32 s1, v4;
	v10 =	vld [tilespmem:s9+$0xFFFFFFC0];
	_ =	sdelay $0x1  }
0xca: {  	[tilespmem:v13+s20+$0x0] =	vst.idx.msk $0xffff, v12  }
0xcb: {  	[tilespmem:v15+s20+$0x0] =	vst.idx.msk $0xffff, v14;
	v13 =	vor.u32 s11, v2;
	v12 =	vld [tilespmem:s26+$0x20]  }
0xcc: {  	v15 =	vor.u32 s25, v2;
	v14 =	vld [tilespmem:s26+$0xFFFFFFA0];
	[tilespmem:v9+s20+$0x0] =	vst.idx.msk $0xffff, v8  }
0xcd: {  	[tilespmem:v11+s20+$0x0] =	vst.idx.msk $0xffff, v10;
	v9 =	vor.u32 s30, v5;
	v8 =	vld [tilespmem:s9+$0x50]  }
0xce: {  	s28 =	simm.s32 $0x5;
	s8 =	simm.s32 $0x2280;
	v11 =	vor.u32 s1, v5;
	v10 =	vld [tilespmem:s9+$0xFFFFFFD0]  }
0xcf: {  	s29 =	simm.s32 $0x4;
	v17 =	vor.u32 s28, v0;
	v16 =	vld [tilespmem:s8+$0x0]  }
0xd0: {  	v19 =	vor.u32 s29, v0;
	v18 =	vld [tilespmem:s8+$0xFFFFFF80];
	[tilespmem:v13+s20+$0x0] =	vst.idx.msk $0xffff, v12  }
0xd1: {  	[tilespmem:v15+s20+$0x0] =	vst.idx.msk $0xffff, v14;
	v13 =	vor.u32 s11, v3;
	v12 =	vld [tilespmem:s26+$0x30]  }
0xd2: {  	v15 =	vor.u32 s25, v3;
	v14 =	vld [tilespmem:s26+$0xFFFFFFB0];
	[tilespmem:v9+s20+$0x0] =	vst.idx.msk $0xffff, v8  }
0xd3: {  	[tilespmem:v11+s20+$0x0] =	vst.idx.msk $0xffff, v10;
	v9 =	vor.u32 s30, v6;
	v8 =	vld [tilespmem:s9+$0x60]  }
0xd4: {  	[tilespmem:v17+s20+$0x0] =	vst.idx.msk $0xffff, v16;
	v11 =	vor.u32 s1, v6;
	v10 =	vld [tilespmem:s9+$0xFFFFFFE0]  }
0xd5: {  	[tilespmem:v19+s20+$0x0] =	vst.idx.msk $0xffff, v18;
	v17 =	vor.u32 s28, v1;
	v16 =	vld [tilespmem:s8+$0x10]  }
0xd6: {  	v19 =	vor.u32 s29, v1;
	v18 =	vld [tilespmem:s8+$0xFFFFFF90];
	[tilespmem:v13+s20+$0x0] =	vst.idx.msk $0xffff, v12  }
0xd7: {  	[tilespmem:v15+s20+$0x0] =	vst.idx.msk $0xffff, v14;
	v13 =	vor.u32 s11, v4;
	v12 =	vld [tilespmem:s26+$0x40]  }
0xd8: {  	v63 =	vor.u32 s25, v4;
	v62 =	vld [tilespmem:s26+$0xFFFFFFC0];
	[tilespmem:v9+s20+$0x0] =	vst.idx.msk $0xffff, v8  }
0xd9: {  	v23 =	vor.u32 s30, v7;
	[tilespmem:v11+s20+$0x0] =	vst.idx.msk $0xffff, v10;
	v22 =	vld [tilespmem:s9+$0x70]  }
0xda: {  	[tilespmem:v17+s20+$0x0] =	vst.idx.msk $0xffff, v16;
	v9 =	vor.u32 s1, v7;
	v8 =	vld [tilespmem:s9+$0xFFFFFFF0]  }
0xdb: {  	[tilespmem:v19+s20+$0x0] =	vst.idx.msk $0xffff, v18;
	v16 =	vor.u32 s28, v2;
	v14 =	vld [tilespmem:s8+$0x20]  }
0xdc: {  	v17 =	vor.u32 s29, v2;
	v15 =	vld [tilespmem:s8+$0xFFFFFFA0];
	[tilespmem:v13+s20+$0x0] =	vst.idx.msk $0xffff, v12  }
0xdd: {  	s21 =	sadd.s32 s21, s6;
	s31 =	simm.s32 $0x7;
	s14 =	simm.s32 $0x2380;
	[tilespmem:v63+s20+$0x0] =	vst.idx.msk $0xffff, v62;
	v10 =	vld [tilespmem:s26+$0x50];
	v11 =	vor.u32 s11, v5  }
0xde: {  	v13 =	vor.u32 s25, v5;
	v12 =	vld [tilespmem:s26+$0xFFFFFFD0];
	s30 =	simm.s32 $0x6;
	s1 =	simm.s32 $0x8;
	s9 =	sadd.s32 $0x1, s21;
	[tilespmem:v23+s20+$0x0] =	vst.idx.msk $0xffff, v22  }
.LBB2_5:
0xdf: {  	p4 =	slt.u32 s1, $0x3E;
	v18 =	vld [tilespmem:s14+$0x0];
	v19 =	vor.u32 s31, v0;
	[tilespmem:v9+s20+$0x0] =	vst.idx.msk $0xffff, v8  }
0xe0: {  	v9 =	vor.u32 s30, v0;
	v8 =	vld [tilespmem:s14+$0xFFFFFF80];
	[tilespmem:v16+s20+$0x0] =	vst.idx.msk $0xffff, v14  }
0xe1: {  	[tilespmem:v17+s20+$0x0] =	vst.idx.msk $0xffff, v15;
	v14 =	vld [tilespmem:s8+$0x30];
	v15 =	vor.u32 s28, v3  }
0xe2: {  	v17 =	vor.u32 s29, v3;
	v16 =	vld [tilespmem:s8+$0xFFFFFFB0];
	[tilespmem:v11+s20+$0x0] =	vst.idx.msk $0xffff, v10  }
0xe3: {  	v11 =	vor.u32 s11, v6;
	[tilespmem:v13+s20+$0x0] =	vst.idx.msk $0xffff, v12;
	v10 =	vld [tilespmem:s26+$0x60]  }
0xe4: {  	v13 =	vor.u32 s25, v6;
	[tilespmem:v19+s20+$0x0] =	vst.idx.msk $0xffff, v18;
	v12 =	vld [tilespmem:s26+$0xFFFFFFE0]  }
0xe5: {  	[tilespmem:v9+s20+$0x0] =	vst.idx.msk $0xffff, v8;
	v8 =	vld [tilespmem:s14+$0x10];
	v9 =	vor.u32 s31, v1  }
0xe6: {  	v19 =	vor.u32 s30, v1;
	v18 =	vld [tilespmem:s14+$0xFFFFFF90];
	[tilespmem:v15+s20+$0x0] =	vst.idx.msk $0xffff, v14  }
0xe7: {  	v21 =	vor.u32 s28, v4;
	[tilespmem:v17+s20+$0x0] =	vst.idx.msk $0xffff, v16;
	v20 =	vld [tilespmem:s8+$0x40]  }
0xe8: {  	v23 =	vor.u32 s29, v4;
	v22 =	vld [tilespmem:s8+$0xFFFFFFC0];
	[tilespmem:v11+s20+$0x0] =	vst.idx.msk $0xffff, v10  }
0xe9: {  	v25 =	vor.u32 s11, v7;
	s11 =	smov.u32 s28;
	s28 =	smov.u32 s31;
	[tilespmem:v13+s20+$0x0] =	vst.idx.msk $0xffff, v12;
	v24 =	vld [tilespmem:s26+$0x70]  }
.Ltmp3:
0xea: {  	[tilespmem:v9+s20+$0x0] =	vst.idx.msk $0xffff, v8;
	v8 =	vld [tilespmem:s26+$0xFFFFFFF0];
	v9 =	vor.u32 s25, v7;
	s25 =	smov.u32 s29;
	s29 =	smov.u32 s30;
	(pc) =	sbr.rel @p4 .LBB2_5-.Ltmp3, $4  }
0xeb: {  	v16 =	vor.u32 s28, v2;
	s30 =	smov.u32 s1;
	s26 =	smov.u32 s8;
	s8 =	smov.u32 s14;
	[tilespmem:v19+s20+$0x0] =	vst.idx.msk $0xffff, v18;
	v14 =	vld [tilespmem:s14+$0x20]  }
0xec: {  	v17 =	vor.u32 s29, v2;
	v15 =	vld [tilespmem:s14+$0xFFFFFFA0];
	[tilespmem:v21+s20+$0x0] =	vst.idx.msk $0xffff, v20  }
0xed: {  	v11 =	vor.u32 s11, v5;
	[tilespmem:v23+s20+$0x0] =	vst.idx.msk $0xffff, v22;
	v10 =	vld [tilespmem:s26+$0x50]  }
0xee: {  	s1 =	sadd.s32 $0x2, s1;
	s31 =	sadd.s32 $0x1, s30;
	v13 =	vor.u32 s25, v5;
	s14 =	sadd.s32 $0x100, s14;
	v12 =	vld [tilespmem:s26+$0xFFFFFFD0];
	[tilespmem:v25+s20+$0x0] =	vst.idx.msk $0xffff, v24  }
0xef: {  	v18 =	vld [tilespmem:s14+$0x0];
	v19 =	vor.u32 s31, v0  }
0xf0: {  	v20 =	vld [tilespmem:s14+$0xFFFFFF80];
	v21 =	vor.u32 s30, v0;
	_ =	sdelay $0x3  }
0xf1: {  	[tilespmem:v19+s20+$0x0] =	vst.idx.msk $0xffff, v18  }
0xf2: {  	[tilespmem:v21+s20+$0x0] =	vst.idx.msk $0xffff, v20;
	v19 =	vor.u32 s31, v1;
	v18 =	vld [tilespmem:s14+$0x10]  }
0xf3: {  	v58 =	vor.u32 s30, v1;
	v20 =	vld [tilespmem:s14+$0xFFFFFF90];
	_ =	sdelay $0x3  }
0xf4: {  	[tilespmem:v19+s20+$0x0] =	vst.idx.msk $0xffff, v18  }
0xf5: {  	[tilespmem:v58+s20+$0x0] =	vst.idx.msk $0xffff, v20;
	v19 =	vor.u32 s31, v2;
	v18 =	vld [tilespmem:s14+$0x20]  }
0xf6: {  	v59 =	vor.u32 s30, v2;
	[tilespmem:v16+s20+$0x0] =	vst.idx.msk $0xffff, v14;
	v20 =	vld [tilespmem:s14+$0xFFFFFFA0]  }
0xf7: {  	[tilespmem:v17+s20+$0x0] =	vst.idx.msk $0xffff, v15;
	v14 =	vld [tilespmem:s8+$0x30];
	v15 =	vor.u32 s28, v3  }
0xf8: {  	v17 =	vor.u32 s29, v3;
	v16 =	vld [tilespmem:s8+$0xFFFFFFB0];
	_ =	sdelay $0x1  }
0xf9: {  	[tilespmem:v19+s20+$0x0] =	vst.idx.msk $0xffff, v18  }
0xfa: {  	[tilespmem:v59+s20+$0x0] =	vst.idx.msk $0xffff, v20;
	v19 =	vor.u32 s31, v3;
	v18 =	vld [tilespmem:s14+$0x30]  }
0xfb: {  	v60 =	vor.u32 s30, v3;
	[tilespmem:v15+s20+$0x0] =	vst.idx.msk $0xffff, v14;
	v20 =	vld [tilespmem:s14+$0xFFFFFFB0]  }
0xfc: {  	v15 =	vor.u32 s28, v4;
	[tilespmem:v17+s20+$0x0] =	vst.idx.msk $0xffff, v16;
	v14 =	vld [tilespmem:s8+$0x40]  }
0xfd: {  	v17 =	vor.u32 s29, v4;
	v16 =	vld [tilespmem:s8+$0xFFFFFFC0]  }
0xfe: {  	[tilespmem:v9+s20+$0x0] =	vst.idx.msk $0xffff, v8  }
0xff: {  	[tilespmem:v19+s20+$0x0] =	vst.idx.msk $0xffff, v18  }
0x100: {  	[tilespmem:v60+s20+$0x0] =	vst.idx.msk $0xffff, v20;
	v19 =	vor.u32 s31, v4;
	v18 =	vld [tilespmem:s14+$0x40]  }
0x101: {  	v61 =	vor.u32 s30, v4;
	[tilespmem:v15+s20+$0x0] =	vst.idx.msk $0xffff, v14;
	v20 =	vld [tilespmem:s14+$0xFFFFFFC0]  }
0x102: {  	v9 =	vor.u32 s28, v5;
	[tilespmem:v17+s20+$0x0] =	vst.idx.msk $0xffff, v16;
	v8 =	vld [tilespmem:s8+$0x50]  }
0x103: {  	[tilespmem:v11+s20+$0x0] =	vst.idx.msk $0xffff, v10;
	v15 =	vor.u32 s29, v5;
	v14 =	vld [tilespmem:s8+$0xFFFFFFD0]  }
0x104: {  	[tilespmem:v13+s20+$0x0] =	vst.idx.msk $0xffff, v12  }
0x105: {  	v12 =	vld [tilespmem:s26+$0x60];
	v13 =	vor.u32 s11, v6;
	[tilespmem:v19+s20+$0x0] =	vst.idx.msk $0xffff, v18  }
0x106: {  	v17 =	vor.u32 s31, v5;
	[tilespmem:v61+s20+$0x0] =	vst.idx.msk $0xffff, v20;
	v16 =	vld [tilespmem:s14+$0x50]  }
0x107: {  	v11 =	vor.u32 s30, v5;
	[tilespmem:v9+s20+$0x0] =	vst.idx.msk $0xffff, v8;
	v10 =	vld [tilespmem:s14+$0xFFFFFFD0]  }
0x108: {  	v9 =	vor.u32 s28, v6;
	[tilespmem:v15+s20+$0x0] =	vst.idx.msk $0xffff, v14;
	v8 =	vld [tilespmem:s8+$0x60]  }
0x109: {  	v15 =	vor.u32 s29, v6;
	v14 =	vld [tilespmem:s8+$0xFFFFFFE0]  }
0x10a: {  	[tilespmem:v13+s20+$0x0] =	vst.idx.msk $0xffff, v12  }
0x10b: {  	v18 =	vld [tilespmem:s26+$0xFFFFFFE0];
	v19 =	vor.u32 s25, v6;
	[tilespmem:v17+s20+$0x0] =	vst.idx.msk $0xffff, v16  }
0x10c: {  	[tilespmem:v11+s20+$0x0] =	vst.idx.msk $0xffff, v10;
	v11 =	vor.u32 s31, v6;
	v10 =	vld [tilespmem:s14+$0x60]  }
0x10d: {  	v13 =	vor.u32 s30, v6;
	[tilespmem:v9+s20+$0x0] =	vst.idx.msk $0xffff, v8;
	v12 =	vld [tilespmem:s14+$0xFFFFFFE0]  }
0x10e: {  	v9 =	vor.u32 s28, v7;
	[tilespmem:v15+s20+$0x0] =	vst.idx.msk $0xffff, v14;
	v8 =	vld [tilespmem:s8+$0x70]  }
0x10f: {  	v15 =	vor.u32 s29, v7;
	v14 =	vld [tilespmem:s8+$0xFFFFFFF0]  }
0x110: {  	[tilespmem:v19+s20+$0x0] =	vst.idx.msk $0xffff, v18;
	v16 =	vld [tilespmem:s26+$0x70];
	v17 =	vor.u32 s11, v7  }
0x111: {  	v19 =	vor.u32 s25, v7;
	v18 =	vld [tilespmem:s26+$0xFFFFFFF0];
	[tilespmem:v11+s20+$0x0] =	vst.idx.msk $0xffff, v10  }
0x112: {  	[tilespmem:v13+s20+$0x0] =	vst.idx.msk $0xffff, v12;
	v11 =	vor.u32 s31, v7;
	v10 =	vld [tilespmem:s14+$0x70]  }
0x113: {  	[tilespmem:v9+s20+$0x0] =	vst.idx.msk $0xffff, v8;
	v13 =	vor.u32 s30, v7;
	v12 =	vld [tilespmem:s14+$0xFFFFFFF0]  }
0x114: {  	[tilespmem:v15+s20+$0x0] =	vst.idx.msk $0xffff, v14  }
0x115: {  	[tilespmem:v17+s20+$0x0] =	vst.idx.msk $0xffff, v16  }
0x116: {  	s1 =	sshll.u32 s9, $0xA;
	[tilespmem:v19+s20+$0x0] =	vst.idx.msk $0xffff, v18  }
0x117: {  	s1 =	sand.u32 $0x1FFFF400, s1;
	[tilespmem:v11+s20+$0x0] =	vst.idx.msk $0xffff, v10  }
0x118: {  	s1 =	sadd.s32 s3, s1;
	[tilespmem:v13+s20+$0x0] =	vst.idx.msk $0xffff, v12  }
0x119: {  	[hbm4b:s1+s4] =	stream.linear.scatter [tilespmem:s20], [sflag:$0x6], $0x400, $0x38;
	[tilespmem:$0x18000] =	vst v63  }
0x11a: {  	s25 =	sadd.s32 $0x80, s1;
	s26 =	simm.s32 $0xC800  }
0x11b: {  	[hbm4b:s25+s4] =	stream.linear.scatter [tilespmem:s26], [sflag:$0x6], $0x400, $0x38;
	[tilespmem:$0x18000] =	vst v63  }
0x11c: {  	s11 =	sadd.s32 $0x100, s1;
	s14 =	simm.s32 $0xD000  }
0x11d: {  	[hbm4b:s11+s4] =	stream.linear.scatter [tilespmem:s14], [sflag:$0x6], $0x400, $0x38;
	[tilespmem:$0x18000] =	vst v63  }
0x11e: {  	s25 =	sadd.s32 $0x180, s1;
	s26 =	simm.s32 $0xD800  }
0x11f: {  	[hbm4b:s25+s4] =	stream.linear.scatter [tilespmem:s26], [sflag:$0x6], $0x400, $0x38;
	[tilespmem:$0x18000] =	vst v63  }
0x120: {  	s11 =	sadd.s32 $0x200, s1;
	s14 =	simm.s32 $0xE000  }
0x121: {  	[hbm4b:s11+s4] =	stream.linear.scatter [tilespmem:s14], [sflag:$0x6], $0x400, $0x38;
	[tilespmem:$0x18000] =	vst v63  }
0x122: {  	s25 =	sadd.s32 $0x280, s1;
	s26 =	simm.s32 $0xE800  }
0x123: {  	[hbm4b:s25+s4] =	stream.linear.scatter [tilespmem:s26], [sflag:$0x6], $0x400, $0x38;
	[tilespmem:$0x18000] =	vst v63  }
0x124: {  	s14 =	sadd.s32 $0x300, s1;
	s25 =	simm.s32 $0xF000  }
0x125: {  	[hbm4b:s14+s4] =	stream.linear.scatter [tilespmem:s25], [sflag:$0x6], $0x400, $0x38;
	[tilespmem:$0x18000] =	vst v63  }
0x126: {  	s1 =	sadd.s32 $0x380, s1;
	s26 =	simm.s32 $0xF800  }
0x127: {  	[hbm4b:s1+s4] =	stream.linear.scatter [tilespmem:s26], [sflag:$0x6], $0x400, $0x38;
	[tilespmem:$0x18000] =	vst v63  }
0x128: {  	s8 =	simm.s32 @!p3 $0x400;
	s1 =	sshll.u32 @!p3 s9, $0x7  }
0x129: {  	s11 =	simm.s32 @!p3 $0x2000;
	s9 =	simm.s32 @!p3 $0x7A1400;
	s1 =	sadd.s32 @!p3 s1, s10  }
0x12a: {  	[tilespmem:s11], [sflag:$0x2] =	stream.strided.gather @!p3 [hbm4b:s1+s8], $0x2000, s9, s8, $0x38;
	[tilespmem:$0x18000] =	vst v63  }
0x12b: {  	_ =	swait.ge [sflag:s15], $0x2000  }
0x12c: {  	[sflag:s15] =	ssyncset.done $0x0  }
0x12d: {  	s1 =	simm.s32 @!p2 $0x7;
	[sflag:s15] =	ssyncadd.s32 $0xFFFFE000  }
0x12e: {  	_ =	swait.ge @!p2 [sflag:s1], $0x2000  }
0x12f: {  	[sflag:s1] =	ssyncset.done @!p2 $0x0  }
0x130: {  	s30 =	simm.s32 $0x1;
	s9 =	simm.s32 $0x4080;
	[sflag:s1] =	ssyncadd.s32 @!p2 $0xFFFFE000  }
0x131: {  	v9 =	vor.u32 s30, v0;
	s1 =	simm.s32 $0x0;
	v8 =	vld [tilespmem:s9+$0x0]  }
0x132: {  	v10 =	vld [tilespmem:s9+$0xFFFFFF80];
	v11 =	vor.u32 s1, v0;
	_ =	sdelay $0x3  }
0x133: {  	[tilespmem:v9+s16+$0x0] =	vst.idx.msk $0xffff, v8  }
0x134: {  	[tilespmem:v11+s16+$0x0] =	vst.idx.msk $0xffff, v10;
	v9 =	vor.u32 s30, v1;
	v8 =	vld [tilespmem:s9+$0x10]  }
0x135: {  	v11 =	vor.u32 s1, v1;
	v10 =	vld [tilespmem:s9+$0xFFFFFF90];
	_ =	sdelay $0x3  }
0x136: {  	[tilespmem:v9+s16+$0x0] =	vst.idx.msk $0xffff, v8  }
0x137: {  	[tilespmem:v11+s16+$0x0] =	vst.idx.msk $0xffff, v10;
	v9 =	vor.u32 s30, v2;
	v8 =	vld [tilespmem:s9+$0x20]  }
0x138: {  	v11 =	vor.u32 s1, v2;
	v10 =	vld [tilespmem:s9+$0xFFFFFFA0];
	_ =	sdelay $0x1  }
0x139: {  	s26 =	simm.s32 $0x4180;
	s11 =	simm.s32 $0x3  }
0x13a: {  	s25 =	simm.s32 $0x2;
	v13 =	vor.u32 s11, v0;
	v12 =	vld [tilespmem:s26+$0x0]  }
0x13b: {  	v15 =	vor.u32 s25, v0;
	v14 =	vld [tilespmem:s26+$0xFFFFFF80];
	[tilespmem:v9+s16+$0x0] =	vst.idx.msk $0xffff, v8  }
0x13c: {  	[tilespmem:v11+s16+$0x0] =	vst.idx.msk $0xffff, v10;
	v9 =	vor.u32 s30, v3;
	v8 =	vld [tilespmem:s9+$0x30]  }
0x13d: {  	v11 =	vor.u32 s1, v3;
	v10 =	vld [tilespmem:s9+$0xFFFFFFB0];
	_ =	sdelay $0x1  }
0x13e: {  	[tilespmem:v13+s16+$0x0] =	vst.idx.msk $0xffff, v12  }
0x13f: {  	[tilespmem:v15+s16+$0x0] =	vst.idx.msk $0xffff, v14;
	v13 =	vor.u32 s11, v1;
	v12 =	vld [tilespmem:s26+$0x10]  }
0x140: {  	v15 =	vor.u32 s25, v1;
	v14 =	vld [tilespmem:s26+$0xFFFFFF90];
	[tilespmem:v9+s16+$0x0] =	vst.idx.msk $0xffff, v8  }
0x141: {  	[tilespmem:v11+s16+$0x0] =	vst.idx.msk $0xffff, v10;
	v9 =	vor.u32 s30, v4;
	v8 =	vld [tilespmem:s9+$0x40]  }
0x142: {  	v11 =	vor.u32 s1, v4;
	v10 =	vld [tilespmem:s9+$0xFFFFFFC0];
	_ =	sdelay $0x1  }
0x143: {  	[tilespmem:v13+s16+$0x0] =	vst.idx.msk $0xffff, v12  }
0x144: {  	[tilespmem:v15+s16+$0x0] =	vst.idx.msk $0xffff, v14;
	v13 =	vor.u32 s11, v2;
	v12 =	vld [tilespmem:s26+$0x20]  }
0x145: {  	v15 =	vor.u32 s25, v2;
	v14 =	vld [tilespmem:s26+$0xFFFFFFA0];
	[tilespmem:v9+s16+$0x0] =	vst.idx.msk $0xffff, v8  }
0x146: {  	[tilespmem:v11+s16+$0x0] =	vst.idx.msk $0xffff, v10;
	v9 =	vor.u32 s30, v5;
	v8 =	vld [tilespmem:s9+$0x50]  }
0x147: {  	s28 =	simm.s32 $0x5;
	s8 =	simm.s32 $0x4280;
	v11 =	vor.u32 s1, v5;
	v10 =	vld [tilespmem:s9+$0xFFFFFFD0]  }
0x148: {  	s29 =	simm.s32 $0x4;
	v17 =	vor.u32 s28, v0;
	v16 =	vld [tilespmem:s8+$0x0]  }
0x149: {  	v19 =	vor.u32 s29, v0;
	v18 =	vld [tilespmem:s8+$0xFFFFFF80];
	[tilespmem:v13+s16+$0x0] =	vst.idx.msk $0xffff, v12  }
0x14a: {  	[tilespmem:v15+s16+$0x0] =	vst.idx.msk $0xffff, v14;
	v13 =	vor.u32 s11, v3;
	v12 =	vld [tilespmem:s26+$0x30]  }
0x14b: {  	v15 =	vor.u32 s25, v3;
	v14 =	vld [tilespmem:s26+$0xFFFFFFB0];
	[tilespmem:v9+s16+$0x0] =	vst.idx.msk $0xffff, v8  }
0x14c: {  	[tilespmem:v11+s16+$0x0] =	vst.idx.msk $0xffff, v10;
	v9 =	vor.u32 s30, v6;
	v8 =	vld [tilespmem:s9+$0x60]  }
0x14d: {  	[tilespmem:v17+s16+$0x0] =	vst.idx.msk $0xffff, v16;
	v11 =	vor.u32 s1, v6;
	v10 =	vld [tilespmem:s9+$0xFFFFFFE0]  }
0x14e: {  	[tilespmem:v19+s16+$0x0] =	vst.idx.msk $0xffff, v18;
	v17 =	vor.u32 s28, v1;
	v16 =	vld [tilespmem:s8+$0x10]  }
0x14f: {  	v19 =	vor.u32 s29, v1;
	v18 =	vld [tilespmem:s8+$0xFFFFFF90];
	[tilespmem:v13+s16+$0x0] =	vst.idx.msk $0xffff, v12  }
0x150: {  	[tilespmem:v15+s16+$0x0] =	vst.idx.msk $0xffff, v14;
	v13 =	vor.u32 s11, v4;
	v12 =	vld [tilespmem:s26+$0x40]  }
0x151: {  	v63 =	vor.u32 s25, v4;
	v62 =	vld [tilespmem:s26+$0xFFFFFFC0];
	[tilespmem:v9+s16+$0x0] =	vst.idx.msk $0xffff, v8  }
0x152: {  	v23 =	vor.u32 s30, v7;
	[tilespmem:v11+s16+$0x0] =	vst.idx.msk $0xffff, v10;
	v22 =	vld [tilespmem:s9+$0x70]  }
0x153: {  	[tilespmem:v17+s16+$0x0] =	vst.idx.msk $0xffff, v16;
	v9 =	vor.u32 s1, v7;
	v8 =	vld [tilespmem:s9+$0xFFFFFFF0]  }
0x154: {  	[tilespmem:v19+s16+$0x0] =	vst.idx.msk $0xffff, v18;
	v16 =	vor.u32 s28, v2;
	v14 =	vld [tilespmem:s8+$0x20]  }
0x155: {  	v17 =	vor.u32 s29, v2;
	v15 =	vld [tilespmem:s8+$0xFFFFFFA0];
	[tilespmem:v13+s16+$0x0] =	vst.idx.msk $0xffff, v12  }
0x156: {  	s31 =	simm.s32 $0x7;
	s14 =	simm.s32 $0x4380;
	[tilespmem:v63+s16+$0x0] =	vst.idx.msk $0xffff, v62;
	v10 =	vld [tilespmem:s26+$0x50];
	v11 =	vor.u32 s11, v5  }
0x157: {  	v13 =	vor.u32 s25, v5;
	v12 =	vld [tilespmem:s26+$0xFFFFFFD0];
	s30 =	simm.s32 $0x6;
	s1 =	simm.s32 $0x8;
	s9 =	sadd.s32 $0x2, s21;
	[tilespmem:v23+s16+$0x0] =	vst.idx.msk $0xffff, v22  }
.LBB2_7:
0x158: {  	p4 =	slt.u32 s1, $0x3E;
	v18 =	vld [tilespmem:s14+$0x0];
	v19 =	vor.u32 s31, v0;
	[tilespmem:v9+s16+$0x0] =	vst.idx.msk $0xffff, v8  }
0x159: {  	v9 =	vor.u32 s30, v0;
	v8 =	vld [tilespmem:s14+$0xFFFFFF80];
	[tilespmem:v16+s16+$0x0] =	vst.idx.msk $0xffff, v14  }
0x15a: {  	[tilespmem:v17+s16+$0x0] =	vst.idx.msk $0xffff, v15;
	v14 =	vld [tilespmem:s8+$0x30];
	v15 =	vor.u32 s28, v3  }
0x15b: {  	v17 =	vor.u32 s29, v3;
	v16 =	vld [tilespmem:s8+$0xFFFFFFB0];
	[tilespmem:v11+s16+$0x0] =	vst.idx.msk $0xffff, v10  }
0x15c: {  	v11 =	vor.u32 s11, v6;
	[tilespmem:v13+s16+$0x0] =	vst.idx.msk $0xffff, v12;
	v10 =	vld [tilespmem:s26+$0x60]  }
0x15d: {  	v13 =	vor.u32 s25, v6;
	[tilespmem:v19+s16+$0x0] =	vst.idx.msk $0xffff, v18;
	v12 =	vld [tilespmem:s26+$0xFFFFFFE0]  }
0x15e: {  	[tilespmem:v9+s16+$0x0] =	vst.idx.msk $0xffff, v8;
	v8 =	vld [tilespmem:s14+$0x10];
	v9 =	vor.u32 s31, v1  }
0x15f: {  	v19 =	vor.u32 s30, v1;
	v18 =	vld [tilespmem:s14+$0xFFFFFF90];
	[tilespmem:v15+s16+$0x0] =	vst.idx.msk $0xffff, v14  }
0x160: {  	v21 =	vor.u32 s28, v4;
	[tilespmem:v17+s16+$0x0] =	vst.idx.msk $0xffff, v16;
	v20 =	vld [tilespmem:s8+$0x40]  }
0x161: {  	v23 =	vor.u32 s29, v4;
	v22 =	vld [tilespmem:s8+$0xFFFFFFC0];
	[tilespmem:v11+s16+$0x0] =	vst.idx.msk $0xffff, v10  }
0x162: {  	v25 =	vor.u32 s11, v7;
	s11 =	smov.u32 s28;
	s28 =	smov.u32 s31;
	[tilespmem:v13+s16+$0x0] =	vst.idx.msk $0xffff, v12;
	v24 =	vld [tilespmem:s26+$0x70]  }
.Ltmp4:
0x163: {  	[tilespmem:v9+s16+$0x0] =	vst.idx.msk $0xffff, v8;
	v8 =	vld [tilespmem:s26+$0xFFFFFFF0];
	v9 =	vor.u32 s25, v7;
	s25 =	smov.u32 s29;
	s29 =	smov.u32 s30;
	(pc) =	sbr.rel @p4 .LBB2_7-.Ltmp4, $4  }
0x164: {  	v16 =	vor.u32 s28, v2;
	s30 =	smov.u32 s1;
	s26 =	smov.u32 s8;
	s8 =	smov.u32 s14;
	[tilespmem:v19+s16+$0x0] =	vst.idx.msk $0xffff, v18;
	v14 =	vld [tilespmem:s14+$0x20]  }
0x165: {  	v17 =	vor.u32 s29, v2;
	v15 =	vld [tilespmem:s14+$0xFFFFFFA0];
	[tilespmem:v21+s16+$0x0] =	vst.idx.msk $0xffff, v20  }
0x166: {  	v11 =	vor.u32 s11, v5;
	[tilespmem:v23+s16+$0x0] =	vst.idx.msk $0xffff, v22;
	v10 =	vld [tilespmem:s26+$0x50]  }
0x167: {  	s1 =	sadd.s32 $0x2, s1;
	s31 =	sadd.s32 $0x1, s30;
	v13 =	vor.u32 s25, v5;
	s14 =	sadd.s32 $0x100, s14;
	v12 =	vld [tilespmem:s26+$0xFFFFFFD0];
	[tilespmem:v25+s16+$0x0] =	vst.idx.msk $0xffff, v24  }
0x168: {  	v18 =	vld [tilespmem:s14+$0x0];
	v19 =	vor.u32 s31, v0  }
0x169: {  	v20 =	vld [tilespmem:s14+$0xFFFFFF80];
	v21 =	vor.u32 s30, v0;
	_ =	sdelay $0x3  }
0x16a: {  	[tilespmem:v19+s16+$0x0] =	vst.idx.msk $0xffff, v18  }
0x16b: {  	[tilespmem:v21+s16+$0x0] =	vst.idx.msk $0xffff, v20;
	v19 =	vor.u32 s31, v1;
	v18 =	vld [tilespmem:s14+$0x10]  }
0x16c: {  	v58 =	vor.u32 s30, v1;
	v20 =	vld [tilespmem:s14+$0xFFFFFF90];
	_ =	sdelay $0x3  }
0x16d: {  	[tilespmem:v19+s16+$0x0] =	vst.idx.msk $0xffff, v18  }
0x16e: {  	[tilespmem:v58+s16+$0x0] =	vst.idx.msk $0xffff, v20;
	v19 =	vor.u32 s31, v2;
	v18 =	vld [tilespmem:s14+$0x20]  }
0x16f: {  	v59 =	vor.u32 s30, v2;
	[tilespmem:v16+s16+$0x0] =	vst.idx.msk $0xffff, v14;
	v20 =	vld [tilespmem:s14+$0xFFFFFFA0]  }
0x170: {  	[tilespmem:v17+s16+$0x0] =	vst.idx.msk $0xffff, v15;
	v14 =	vld [tilespmem:s8+$0x30];
	v15 =	vor.u32 s28, v3  }
0x171: {  	v17 =	vor.u32 s29, v3;
	v16 =	vld [tilespmem:s8+$0xFFFFFFB0];
	_ =	sdelay $0x1  }
0x172: {  	[tilespmem:v19+s16+$0x0] =	vst.idx.msk $0xffff, v18  }
0x173: {  	[tilespmem:v59+s16+$0x0] =	vst.idx.msk $0xffff, v20;
	v19 =	vor.u32 s31, v3;
	v18 =	vld [tilespmem:s14+$0x30]  }
0x174: {  	v60 =	vor.u32 s30, v3;
	[tilespmem:v15+s16+$0x0] =	vst.idx.msk $0xffff, v14;
	v20 =	vld [tilespmem:s14+$0xFFFFFFB0]  }
0x175: {  	v15 =	vor.u32 s28, v4;
	[tilespmem:v17+s16+$0x0] =	vst.idx.msk $0xffff, v16;
	v14 =	vld [tilespmem:s8+$0x40]  }
0x176: {  	v17 =	vor.u32 s29, v4;
	v16 =	vld [tilespmem:s8+$0xFFFFFFC0]  }
0x177: {  	[tilespmem:v9+s16+$0x0] =	vst.idx.msk $0xffff, v8  }
0x178: {  	[tilespmem:v19+s16+$0x0] =	vst.idx.msk $0xffff, v18  }
0x179: {  	[tilespmem:v60+s16+$0x0] =	vst.idx.msk $0xffff, v20;
	v19 =	vor.u32 s31, v4;
	v18 =	vld [tilespmem:s14+$0x40]  }
0x17a: {  	v61 =	vor.u32 s30, v4;
	[tilespmem:v15+s16+$0x0] =	vst.idx.msk $0xffff, v14;
	v20 =	vld [tilespmem:s14+$0xFFFFFFC0]  }
0x17b: {  	v9 =	vor.u32 s28, v5;
	[tilespmem:v17+s16+$0x0] =	vst.idx.msk $0xffff, v16;
	v8 =	vld [tilespmem:s8+$0x50]  }
0x17c: {  	[tilespmem:v11+s16+$0x0] =	vst.idx.msk $0xffff, v10;
	v15 =	vor.u32 s29, v5;
	v14 =	vld [tilespmem:s8+$0xFFFFFFD0]  }
0x17d: {  	[tilespmem:v13+s16+$0x0] =	vst.idx.msk $0xffff, v12  }
0x17e: {  	v12 =	vld [tilespmem:s26+$0x60];
	v13 =	vor.u32 s11, v6;
	[tilespmem:v19+s16+$0x0] =	vst.idx.msk $0xffff, v18  }
0x17f: {  	v17 =	vor.u32 s31, v5;
	[tilespmem:v61+s16+$0x0] =	vst.idx.msk $0xffff, v20;
	v16 =	vld [tilespmem:s14+$0x50]  }
0x180: {  	v11 =	vor.u32 s30, v5;
	[tilespmem:v9+s16+$0x0] =	vst.idx.msk $0xffff, v8;
	v10 =	vld [tilespmem:s14+$0xFFFFFFD0]  }
0x181: {  	v9 =	vor.u32 s28, v6;
	[tilespmem:v15+s16+$0x0] =	vst.idx.msk $0xffff, v14;
	v8 =	vld [tilespmem:s8+$0x60]  }
0x182: {  	v15 =	vor.u32 s29, v6;
	v14 =	vld [tilespmem:s8+$0xFFFFFFE0]  }
0x183: {  	[tilespmem:v13+s16+$0x0] =	vst.idx.msk $0xffff, v12  }
0x184: {  	v18 =	vld [tilespmem:s26+$0xFFFFFFE0];
	v19 =	vor.u32 s25, v6;
	[tilespmem:v17+s16+$0x0] =	vst.idx.msk $0xffff, v16  }
0x185: {  	[tilespmem:v11+s16+$0x0] =	vst.idx.msk $0xffff, v10;
	v11 =	vor.u32 s31, v6;
	v10 =	vld [tilespmem:s14+$0x60]  }
0x186: {  	v13 =	vor.u32 s30, v6;
	[tilespmem:v9+s16+$0x0] =	vst.idx.msk $0xffff, v8;
	v12 =	vld [tilespmem:s14+$0xFFFFFFE0]  }
0x187: {  	v9 =	vor.u32 s28, v7;
	[tilespmem:v15+s16+$0x0] =	vst.idx.msk $0xffff, v14;
	v8 =	vld [tilespmem:s8+$0x70]  }
0x188: {  	v15 =	vor.u32 s29, v7;
	v14 =	vld [tilespmem:s8+$0xFFFFFFF0]  }
0x189: {  	[tilespmem:v19+s16+$0x0] =	vst.idx.msk $0xffff, v18;
	v16 =	vld [tilespmem:s26+$0x70];
	v17 =	vor.u32 s11, v7  }
0x18a: {  	v19 =	vor.u32 s25, v7;
	v18 =	vld [tilespmem:s26+$0xFFFFFFF0];
	[tilespmem:v11+s16+$0x0] =	vst.idx.msk $0xffff, v10  }
0x18b: {  	[tilespmem:v13+s16+$0x0] =	vst.idx.msk $0xffff, v12;
	v11 =	vor.u32 s31, v7;
	v10 =	vld [tilespmem:s14+$0x70]  }
0x18c: {  	[tilespmem:v9+s16+$0x0] =	vst.idx.msk $0xffff, v8;
	v13 =	vor.u32 s30, v7;
	v12 =	vld [tilespmem:s14+$0xFFFFFFF0]  }
0x18d: {  	[tilespmem:v15+s16+$0x0] =	vst.idx.msk $0xffff, v14  }
0x18e: {  	[tilespmem:v17+s16+$0x0] =	vst.idx.msk $0xffff, v16  }
0x18f: {  	s1 =	sshll.u32 s9, $0xA;
	[tilespmem:v19+s16+$0x0] =	vst.idx.msk $0xffff, v18  }
0x190: {  	s1 =	sand.u32 $0x1FFFF800, s1;
	[tilespmem:v11+s16+$0x0] =	vst.idx.msk $0xffff, v10  }
0x191: {  	s1 =	sadd.s32 s3, s1;
	[tilespmem:v13+s16+$0x0] =	vst.idx.msk $0xffff, v12  }
0x192: {  	[hbm4b:s1+s4] =	stream.linear.scatter [tilespmem:s16], [sflag:$0x7], $0x400, $0x38;
	[tilespmem:$0x18000] =	vst v63  }
0x193: {  	s25 =	simm.s32 $0x10800;
	s14 =	sadd.s32 $0x80, s1  }
0x194: {  	[hbm4b:s14+s4] =	stream.linear.scatter [tilespmem:s25], [sflag:$0x7], $0x400, $0x38;
	[tilespmem:$0x18000] =	vst v63  }
0x195: {  	s26 =	sadd.s32 $0x100, s1;
	s31 =	simm.s32 $0x11000  }
0x196: {  	[hbm4b:s26+s4] =	stream.linear.scatter [tilespmem:s31], [sflag:$0x7], $0x400, $0x38;
	[tilespmem:$0x18000] =	vst v63  }
0x197: {  	s14 =	sadd.s32 $0x180, s1;
	s25 =	simm.s32 $0x11800  }
0x198: {  	[hbm4b:s14+s4] =	stream.linear.scatter [tilespmem:s25], [sflag:$0x7], $0x400, $0x38;
	[tilespmem:$0x18000] =	vst v63  }
0x199: {  	s26 =	sadd.s32 $0x200, s1;
	s31 =	simm.s32 $0x12000  }
0x19a: {  	[hbm4b:s26+s4] =	stream.linear.scatter [tilespmem:s31], [sflag:$0x7], $0x400, $0x38;
	[tilespmem:$0x18000] =	vst v63  }
0x19b: {  	s11 =	sadd.s32 $0x280, s1;
	s14 =	simm.s32 $0x12800  }
0x19c: {  	[hbm4b:s11+s4] =	stream.linear.scatter [tilespmem:s14], [sflag:$0x7], $0x400, $0x38;
	[tilespmem:$0x18000] =	vst v63  }
0x19d: {  	s25 =	sadd.s32 $0x300, s1;
	s26 =	simm.s32 $0x13000  }
0x19e: {  	[hbm4b:s25+s4] =	stream.linear.scatter [tilespmem:s26], [sflag:$0x7], $0x400, $0x38;
	[tilespmem:$0x18000] =	vst v63  }
0x19f: {  	s1 =	sadd.s32 $0x380, s1;
	s31 =	simm.s32 $0x13800  }
0x1a0: {  	[hbm4b:s1+s4] =	stream.linear.scatter [tilespmem:s31], [sflag:$0x7], $0x400, $0x38;
	[tilespmem:$0x18000] =	vst v63  }
0x1a1: {  	s8 =	simm.s32 @!p3 $0x400;
	s1 =	sshll.u32 @!p3 s9, $0x7  }
0x1a2: {  	s11 =	simm.s32 @!p3 $0x4000;
	s9 =	simm.s32 @!p3 $0x7A1400;
	s1 =	sadd.s32 @!p3 s1, s10  }
0x1a3: {  	[tilespmem:s11], [sflag:$0x3] =	stream.strided.gather @!p3 [hbm4b:s1+s8], $0x2000, s9, s8, $0x38;
	[tilespmem:$0x18000] =	vst v63  }
0x1a4: {  	_ =	swait.ge [sflag:s2], $0x2000  }
0x1a5: {  	[sflag:s2] =	ssyncset.done $0x0  }
0x1a6: {  	s1 =	simm.s32 @!p2 $0x8;
	[sflag:s2] =	ssyncadd.s32 $0xFFFFE000  }
0x1a7: {  	_ =	swait.ge @!p2 [sflag:s1], $0x2000  }
0x1a8: {  	[sflag:s1] =	ssyncset.done @!p2 $0x0  }
0x1a9: {  	s30 =	simm.s32 $0x1;
	s9 =	simm.s32 $0x6080;
	[sflag:s1] =	ssyncadd.s32 @!p2 $0xFFFFE000  }
0x1aa: {  	v9 =	vor.u32 s30, v0;
	s31 =	simm.s32 $0x0;
	v8 =	vld [tilespmem:s9+$0x0]  }
0x1ab: {  	v11 =	vor.u32 s31, v0;
	v10 =	vld [tilespmem:s9+$0xFFFFFF80];
	_ =	sdelay $0x3  }
0x1ac: {  	[tilespmem:v9+s7+$0x0] =	vst.idx.msk $0xffff, v8  }
0x1ad: {  	[tilespmem:v11+s7+$0x0] =	vst.idx.msk $0xffff, v10;
	v9 =	vor.u32 s30, v1;
	v8 =	vld [tilespmem:s9+$0x10]  }
0x1ae: {  	v11 =	vor.u32 s31, v1;
	v10 =	vld [tilespmem:s9+$0xFFFFFF90];
	_ =	sdelay $0x3  }
0x1af: {  	[tilespmem:v9+s7+$0x0] =	vst.idx.msk $0xffff, v8  }
0x1b0: {  	[tilespmem:v11+s7+$0x0] =	vst.idx.msk $0xffff, v10;
	v9 =	vor.u32 s30, v2;
	v8 =	vld [tilespmem:s9+$0x20]  }
0x1b1: {  	v11 =	vor.u32 s31, v2;
	v10 =	vld [tilespmem:s9+$0xFFFFFFA0];
	_ =	sdelay $0x1  }
0x1b2: {  	s26 =	simm.s32 $0x6180;
	s11 =	simm.s32 $0x3  }
0x1b3: {  	s25 =	simm.s32 $0x2;
	v13 =	vor.u32 s11, v0;
	v12 =	vld [tilespmem:s26+$0x0]  }
0x1b4: {  	v15 =	vor.u32 s25, v0;
	v14 =	vld [tilespmem:s26+$0xFFFFFF80];
	[tilespmem:v9+s7+$0x0] =	vst.idx.msk $0xffff, v8  }
0x1b5: {  	[tilespmem:v11+s7+$0x0] =	vst.idx.msk $0xffff, v10;
	v9 =	vor.u32 s30, v3;
	v8 =	vld [tilespmem:s9+$0x30]  }
0x1b6: {  	v11 =	vor.u32 s31, v3;
	v10 =	vld [tilespmem:s9+$0xFFFFFFB0];
	_ =	sdelay $0x1  }
0x1b7: {  	[tilespmem:v13+s7+$0x0] =	vst.idx.msk $0xffff, v12  }
0x1b8: {  	[tilespmem:v15+s7+$0x0] =	vst.idx.msk $0xffff, v14;
	v13 =	vor.u32 s11, v1;
	v12 =	vld [tilespmem:s26+$0x10]  }
0x1b9: {  	v15 =	vor.u32 s25, v1;
	v14 =	vld [tilespmem:s26+$0xFFFFFF90];
	[tilespmem:v9+s7+$0x0] =	vst.idx.msk $0xffff, v8  }
0x1ba: {  	[tilespmem:v11+s7+$0x0] =	vst.idx.msk $0xffff, v10;
	v9 =	vor.u32 s30, v4;
	v8 =	vld [tilespmem:s9+$0x40]  }
0x1bb: {  	v11 =	vor.u32 s31, v4;
	v10 =	vld [tilespmem:s9+$0xFFFFFFC0];
	_ =	sdelay $0x1  }
0x1bc: {  	[tilespmem:v13+s7+$0x0] =	vst.idx.msk $0xffff, v12  }
0x1bd: {  	[tilespmem:v15+s7+$0x0] =	vst.idx.msk $0xffff, v14;
	v13 =	vor.u32 s11, v2;
	v12 =	vld [tilespmem:s26+$0x20]  }
0x1be: {  	v15 =	vor.u32 s25, v2;
	v14 =	vld [tilespmem:s26+$0xFFFFFFA0];
	[tilespmem:v9+s7+$0x0] =	vst.idx.msk $0xffff, v8  }
0x1bf: {  	[tilespmem:v11+s7+$0x0] =	vst.idx.msk $0xffff, v10;
	v9 =	vor.u32 s30, v5;
	v8 =	vld [tilespmem:s9+$0x50]  }
0x1c0: {  	s28 =	simm.s32 $0x5;
	s8 =	simm.s32 $0x6280;
	v11 =	vor.u32 s31, v5;
	v10 =	vld [tilespmem:s9+$0xFFFFFFD0]  }
0x1c1: {  	s29 =	simm.s32 $0x4;
	v17 =	vor.u32 s28, v0;
	v16 =	vld [tilespmem:s8+$0x0]  }
0x1c2: {  	v19 =	vor.u32 s29, v0;
	v18 =	vld [tilespmem:s8+$0xFFFFFF80];
	[tilespmem:v13+s7+$0x0] =	vst.idx.msk $0xffff, v12  }
0x1c3: {  	[tilespmem:v15+s7+$0x0] =	vst.idx.msk $0xffff, v14;
	v13 =	vor.u32 s11, v3;
	v12 =	vld [tilespmem:s26+$0x30]  }
0x1c4: {  	v15 =	vor.u32 s25, v3;
	v14 =	vld [tilespmem:s26+$0xFFFFFFB0];
	[tilespmem:v9+s7+$0x0] =	vst.idx.msk $0xffff, v8  }
0x1c5: {  	[tilespmem:v11+s7+$0x0] =	vst.idx.msk $0xffff, v10;
	v9 =	vor.u32 s30, v6;
	v8 =	vld [tilespmem:s9+$0x60]  }
0x1c6: {  	[tilespmem:v17+s7+$0x0] =	vst.idx.msk $0xffff, v16;
	v11 =	vor.u32 s31, v6;
	v10 =	vld [tilespmem:s9+$0xFFFFFFE0]  }
0x1c7: {  	[tilespmem:v19+s7+$0x0] =	vst.idx.msk $0xffff, v18;
	v17 =	vor.u32 s28, v1;
	v16 =	vld [tilespmem:s8+$0x10]  }
0x1c8: {  	v19 =	vor.u32 s29, v1;
	v18 =	vld [tilespmem:s8+$0xFFFFFF90];
	[tilespmem:v13+s7+$0x0] =	vst.idx.msk $0xffff, v12  }
0x1c9: {  	[tilespmem:v15+s7+$0x0] =	vst.idx.msk $0xffff, v14;
	v13 =	vor.u32 s11, v4;
	v12 =	vld [tilespmem:s26+$0x40]  }
0x1ca: {  	v63 =	vor.u32 s25, v4;
	v62 =	vld [tilespmem:s26+$0xFFFFFFC0];
	[tilespmem:v9+s7+$0x0] =	vst.idx.msk $0xffff, v8  }
0x1cb: {  	v23 =	vor.u32 s30, v7;
	[tilespmem:v11+s7+$0x0] =	vst.idx.msk $0xffff, v10;
	v22 =	vld [tilespmem:s9+$0x70]  }
0x1cc: {  	[tilespmem:v17+s7+$0x0] =	vst.idx.msk $0xffff, v16;
	v9 =	vor.u32 s31, v7;
	v8 =	vld [tilespmem:s9+$0xFFFFFFF0]  }
0x1cd: {  	[tilespmem:v19+s7+$0x0] =	vst.idx.msk $0xffff, v18;
	v16 =	vor.u32 s28, v2;
	v14 =	vld [tilespmem:s8+$0x20]  }
0x1ce: {  	v17 =	vor.u32 s29, v2;
	v15 =	vld [tilespmem:s8+$0xFFFFFFA0];
	[tilespmem:v13+s7+$0x0] =	vst.idx.msk $0xffff, v12  }
0x1cf: {  	s21 =	sadd.s32 $0x3, s21;
	s14 =	simm.s32 $0x6380;
	[tilespmem:v63+s7+$0x0] =	vst.idx.msk $0xffff, v62;
	v10 =	vld [tilespmem:s26+$0x50];
	v11 =	vor.u32 s11, v5  }
0x1d0: {  	s1 =	simm.s32 $0x8;
	v13 =	vor.u32 s25, v5;
	v12 =	vld [tilespmem:s26+$0xFFFFFFD0];
	s30 =	simm.s32 $0x7;
	s9 =	simm.s32 $0x6;
	[tilespmem:v23+s7+$0x0] =	vst.idx.msk $0xffff, v22  }
.LBB2_9:
0x1d1: {  	p2 =	slt.u32 s1, $0x3E;
	v18 =	vld [tilespmem:s14+$0x0];
	v19 =	vor.u32 s30, v0;
	[tilespmem:v9+s7+$0x0] =	vst.idx.msk $0xffff, v8  }
0x1d2: {  	v9 =	vor.u32 s9, v0;
	v8 =	vld [tilespmem:s14+$0xFFFFFF80];
	[tilespmem:v16+s7+$0x0] =	vst.idx.msk $0xffff, v14  }
0x1d3: {  	[tilespmem:v17+s7+$0x0] =	vst.idx.msk $0xffff, v15;
	v14 =	vld [tilespmem:s8+$0x30];
	v15 =	vor.u32 s28, v3  }
0x1d4: {  	v17 =	vor.u32 s29, v3;
	v16 =	vld [tilespmem:s8+$0xFFFFFFB0];
	[tilespmem:v11+s7+$0x0] =	vst.idx.msk $0xffff, v10  }
0x1d5: {  	v11 =	vor.u32 s11, v6;
	[tilespmem:v13+s7+$0x0] =	vst.idx.msk $0xffff, v12;
	v10 =	vld [tilespmem:s26+$0x60]  }
0x1d6: {  	v13 =	vor.u32 s25, v6;
	[tilespmem:v19+s7+$0x0] =	vst.idx.msk $0xffff, v18;
	v12 =	vld [tilespmem:s26+$0xFFFFFFE0]  }
0x1d7: {  	[tilespmem:v9+s7+$0x0] =	vst.idx.msk $0xffff, v8;
	v8 =	vld [tilespmem:s14+$0x10];
	v9 =	vor.u32 s30, v1  }
0x1d8: {  	v19 =	vor.u32 s9, v1;
	v18 =	vld [tilespmem:s14+$0xFFFFFF90];
	[tilespmem:v15+s7+$0x0] =	vst.idx.msk $0xffff, v14  }
0x1d9: {  	v21 =	vor.u32 s28, v4;
	[tilespmem:v17+s7+$0x0] =	vst.idx.msk $0xffff, v16;
	v20 =	vld [tilespmem:s8+$0x40]  }
0x1da: {  	v23 =	vor.u32 s29, v4;
	v22 =	vld [tilespmem:s8+$0xFFFFFFC0];
	[tilespmem:v11+s7+$0x0] =	vst.idx.msk $0xffff, v10  }
0x1db: {  	v25 =	vor.u32 s11, v7;
	s11 =	smov.u32 s28;
	s28 =	smov.u32 s30;
	[tilespmem:v13+s7+$0x0] =	vst.idx.msk $0xffff, v12;
	v24 =	vld [tilespmem:s26+$0x70]  }
.Ltmp5:
0x1dc: {  	[tilespmem:v9+s7+$0x0] =	vst.idx.msk $0xffff, v8;
	v8 =	vld [tilespmem:s26+$0xFFFFFFF0];
	v9 =	vor.u32 s25, v7;
	s25 =	smov.u32 s29;
	s29 =	smov.u32 s9;
	(pc) =	sbr.rel @p2 .LBB2_9-.Ltmp5, $4  }
0x1dd: {  	v16 =	vor.u32 s28, v2;
	s9 =	smov.u32 s1;
	s26 =	smov.u32 s8;
	s8 =	smov.u32 s14;
	[tilespmem:v19+s7+$0x0] =	vst.idx.msk $0xffff, v18;
	v14 =	vld [tilespmem:s14+$0x20]  }
0x1de: {  	v17 =	vor.u32 s29, v2;
	v15 =	vld [tilespmem:s14+$0xFFFFFFA0];
	[tilespmem:v21+s7+$0x0] =	vst.idx.msk $0xffff, v20  }
0x1df: {  	v11 =	vor.u32 s11, v5;
	[tilespmem:v23+s7+$0x0] =	vst.idx.msk $0xffff, v22;
	v10 =	vld [tilespmem:s26+$0x50]  }
0x1e0: {  	s1 =	sadd.s32 $0x2, s1;
	s30 =	sadd.s32 $0x1, s9;
	v13 =	vor.u32 s25, v5;
	s14 =	sadd.s32 $0x100, s14;
	v12 =	vld [tilespmem:s26+$0xFFFFFFD0];
	[tilespmem:v25+s7+$0x0] =	vst.idx.msk $0xffff, v24  }
0x1e1: {  	v18 =	vld [tilespmem:s14+$0x0];
	v19 =	vor.u32 s30, v0  }
0x1e2: {  	v20 =	vld [tilespmem:s14+$0xFFFFFF80];
	v21 =	vor.u32 s9, v0;
	_ =	sdelay $0x3  }
0x1e3: {  	[tilespmem:v19+s7+$0x0] =	vst.idx.msk $0xffff, v18  }
0x1e4: {  	v27 =	vor.u32 s30, v1;
	[tilespmem:v21+s7+$0x0] =	vst.idx.msk $0xffff, v20;
	v18 =	vld [tilespmem:s14+$0x10]  }
0x1e5: {  	v28 =	vor.u32 s9, v1;
	v20 =	vld [tilespmem:s14+$0xFFFFFF90];
	_ =	sdelay $0x3  }
0x1e6: {  	[tilespmem:v27+s7+$0x0] =	vst.idx.msk $0xffff, v18  }
0x1e7: {  	v29 =	vor.u32 s30, v2;
	[tilespmem:v28+s7+$0x0] =	vst.idx.msk $0xffff, v20;
	v18 =	vld [tilespmem:s14+$0x20]  }
0x1e8: {  	v30 =	vor.u32 s9, v2;
	v20 =	vld [tilespmem:s14+$0xFFFFFFA0]  }
0x1e9: {  	[tilespmem:v16+s7+$0x0] =	vst.idx.msk $0xffff, v14  }
0x1ea: {  	v31 =	vor.u32 s28, v3;
	[tilespmem:v17+s7+$0x0] =	vst.idx.msk $0xffff, v15;
	v14 =	vld [tilespmem:s8+$0x30]  }
0x1eb: {  	v33 =	vor.u32 s29, v3;
	v32 =	vld [tilespmem:s8+$0xFFFFFFB0]  }
0x1ec: {  	[tilespmem:v29+s7+$0x0] =	vst.idx.msk $0xffff, v18  }
0x1ed: {  	v34 =	vor.u32 s30, v3;
	[tilespmem:v30+s7+$0x0] =	vst.idx.msk $0xffff, v20;
	v18 =	vld [tilespmem:s14+$0x30]  }
0x1ee: {  	v35 =	vor.u32 s9, v3;
	v20 =	vld [tilespmem:s14+$0xFFFFFFB0]  }
0x1ef: {  	[tilespmem:v31+s7+$0x0] =	vst.idx.msk $0xffff, v14  }
0x1f0: {  	v36 =	vor.u32 s28, v4;
	[tilespmem:v33+s7+$0x0] =	vst.idx.msk $0xffff, v32;
	v14 =	vld [tilespmem:s8+$0x40]  }
0x1f1: {  	v37 =	vor.u32 s29, v4;
	v16 =	vld [tilespmem:s8+$0xFFFFFFC0]  }
0x1f2: {  	[tilespmem:v34+s7+$0x0] =	vst.idx.msk $0xffff, v18  }
0x1f3: {  	v38 =	vor.u32 s30, v4;
	[tilespmem:v35+s7+$0x0] =	vst.idx.msk $0xffff, v20;
	v18 =	vld [tilespmem:s14+$0x40]  }
0x1f4: {  	v39 =	vor.u32 s9, v4;
	[tilespmem:v9+s7+$0x0] =	vst.idx.msk $0xffff, v8;
	v20 =	vld [tilespmem:s14+$0xFFFFFFC0]  }
0x1f5: {  	[tilespmem:v36+s7+$0x0] =	vst.idx.msk $0xffff, v14  }
0x1f6: {  	v40 =	vor.u32 s28, v5;
	[tilespmem:v37+s7+$0x0] =	vst.idx.msk $0xffff, v16;
	v8 =	vld [tilespmem:s8+$0x50]  }
0x1f7: {  	v42 =	vor.u32 s29, v5;
	v41 =	vld [tilespmem:s8+$0xFFFFFFD0]  }
0x1f8: {  	[tilespmem:v38+s7+$0x0] =	vst.idx.msk $0xffff, v18  }
0x1f9: {  	v44 =	vor.u32 s30, v5;
	[tilespmem:v39+s7+$0x0] =	vst.idx.msk $0xffff, v20;
	v43 =	vld [tilespmem:s14+$0x50]  }
0x1fa: {  	v46 =	vor.u32 s9, v5;
	[tilespmem:v11+s7+$0x0] =	vst.idx.msk $0xffff, v10;
	v45 =	vld [tilespmem:s14+$0xFFFFFFD0]  }
0x1fb: {  	v48 =	vor.u32 s11, v6;
	v47 =	vld [tilespmem:s26+$0x60];
	[tilespmem:v40+s7+$0x0] =	vst.idx.msk $0xffff, v8  }
0x1fc: {  	v51 =	vor.u32 s28, v6;
	[tilespmem:v42+s7+$0x0] =	vst.idx.msk $0xffff, v41;
	v8 =	vld [tilespmem:s8+$0x60]  }
0x1fd: {  	v52 =	vor.u32 s29, v6;
	[tilespmem:v13+s7+$0x0] =	vst.idx.msk $0xffff, v12;
	v14 =	vld [tilespmem:s8+$0xFFFFFFE0]  }
0x1fe: {  	v50 =	vor.u32 s25, v6;
	v49 =	vld [tilespmem:s26+$0xFFFFFFE0];
	[tilespmem:v44+s7+$0x0] =	vst.idx.msk $0xffff, v43  }
0x1ff: {  	v54 =	vor.u32 s30, v6;
	[tilespmem:v46+s7+$0x0] =	vst.idx.msk $0xffff, v45;
	v53 =	vld [tilespmem:s14+$0x60]  }
0x200: {  	v56 =	vor.u32 s9, v6;
	[tilespmem:v48+s7+$0x0] =	vst.idx.msk $0xffff, v47;
	v55 =	vld [tilespmem:s14+$0xFFFFFFE0]  }
0x201: {  	v58 =	vor.u32 s11, v7;
	v57 =	vld [tilespmem:s26+$0x70];
	[tilespmem:v51+s7+$0x0] =	vst.idx.msk $0xffff, v8  }
0x202: {  	v60 =	vor.u32 s28, v7;
	[tilespmem:v52+s7+$0x0] =	vst.idx.msk $0xffff, v14;
	v8 =	vld [tilespmem:s8+$0x70]  }
0x203: {  	v61 =	vor.u32 s29, v7;
	[tilespmem:v50+s7+$0x0] =	vst.idx.msk $0xffff, v49;
	v14 =	vld [tilespmem:s8+$0xFFFFFFF0]  }
0x204: {  	v59 =	vor.u32 s25, v7;
	v18 =	vld [tilespmem:s26+$0xFFFFFFF0];
	[tilespmem:v54+s7+$0x0] =	vst.idx.msk $0xffff, v53  }
0x205: {  	v62 =	vor.u32 s30, v7;
	[tilespmem:v56+s7+$0x0] =	vst.idx.msk $0xffff, v55;
	v10 =	vld [tilespmem:s14+$0x70]  }
0x206: {  	v63 =	vor.u32 s9, v7;
	[tilespmem:v58+s7+$0x0] =	vst.idx.msk $0xffff, v57;
	v12 =	vld [tilespmem:s14+$0xFFFFFFF0]  }
0x207: {  	[tilespmem:v60+s7+$0x0] =	vst.idx.msk $0xffff, v8  }
0x208: {  	[tilespmem:v61+s7+$0x0] =	vst.idx.msk $0xffff, v14  }
0x209: {  	s1 =	sshll.u32 s21, $0xA;
	[tilespmem:v59+s7+$0x0] =	vst.idx.msk $0xffff, v18  }
0x20a: {  	s1 =	sand.u32 $0x1FFFFC00, s1;
	[tilespmem:v62+s7+$0x0] =	vst.idx.msk $0xffff, v10  }
0x20b: {  	s1 =	sadd.s32 s3, s1;
	[tilespmem:v63+s7+$0x0] =	vst.idx.msk $0xffff, v12  }
0x20c: {  	[hbm4b:s1+s4] =	stream.linear.scatter [tilespmem:s7], [sflag:$0x8], $0x400, $0x38;
	[tilespmem:$0x18000] =	vst v63  }
0x20d: {  	s11 =	simm.s32 $0x14800;
	s9 =	sadd.s32 $0x80, s1  }
0x20e: {  	[hbm4b:s9+s4] =	stream.linear.scatter [tilespmem:s11], [sflag:$0x8], $0x400, $0x38;
	[tilespmem:$0x18000] =	vst v63  }
0x20f: {  	s25 =	simm.s32 $0x15000;
	s14 =	sadd.s32 $0x100, s1  }
0x210: {  	[hbm4b:s14+s4] =	stream.linear.scatter [tilespmem:s25], [sflag:$0x8], $0x400, $0x38;
	[tilespmem:$0x18000] =	vst v63  }
0x211: {  	s28 =	simm.s32 $0x15800;
	s26 =	sadd.s32 $0x180, s1  }
0x212: {  	[hbm4b:s26+s4] =	stream.linear.scatter [tilespmem:s28], [sflag:$0x8], $0x400, $0x38;
	[tilespmem:$0x18000] =	vst v63  }
0x213: {  	s29 =	sadd.s32 $0x200, s1  }
0x214: {  	[hbm4b:s29+s4] =	stream.linear.scatter [tilespmem:s17], [sflag:$0x8], $0x400, $0x38;
	[tilespmem:$0x18000] =	vst v63  }
0x215: {  	s30 =	sadd.s32 $0x280, s1  }
0x216: {  	[hbm4b:s30+s4] =	stream.linear.scatter [tilespmem:s5], [sflag:$0x8], $0x400, $0x38;
	[tilespmem:$0x18000] =	vst v63  }
.Ltmp6:
0x217: {  	_ = 	snop;
	(pc) =	sbr.rel @p3 .LBB2_12-.Ltmp6, $4  }
0x218: {  	s31 =	sadd.s32 $0x300, s1  }
0x219: {  	[hbm4b:s31+s4] =	stream.linear.scatter [tilespmem:s12], [sflag:$0x8], $0x400, $0x38;
	[tilespmem:$0x18000] =	vst v63  }
0x21a: {  	s1 =	sadd.s32 $0x380, s1  }
0x21b: {  	[hbm4b:s1+s4] =	stream.linear.scatter [tilespmem:s13], [sflag:$0x8], $0x400, $0x38;
	[tilespmem:$0x18000] =	vst v63  }
.Ltmp7:
0x21c: {  	(pc) =	sbr.rel .LBB2_2-.Ltmp7, $4  }
0x21d: {  	_ = 	snop  }
0x21e: {  	s1 =	sshll.u32 s21, $0x7  }
0x21f: {  	s8 =	simm.s32 $0x6000;
	s22 =	sadd.s32 $0x1, s22;
	s1 =	sadd.s32 s1, s10  }
0x220: {  	[tilespmem:s8], [sflag:$0x4] =	stream.strided.gather [hbm4b:s1+s18], $0x2000, s19, s18, $0x38;
	[tilespmem:$0x18000] =	vst v63  }
.LBB2_12:
0x221: {  	s1 =	simm.s32 $0x5  }
0x222: {  	_ =	swait.ge [sflag:s1], $0x2000  }
0x223: {  	[sflag:s1] =	ssyncset.done $0x0  }
0x224: {  	s29 =	simm.s32 $0x6;
	[sflag:s1] =	ssyncadd.s32 $0xFFFFE000  }
0x225: {  	_ =	swait.ge [sflag:s29], $0x2000  }
0x226: {  	[sflag:s29] =	ssyncset.done $0x0  }
0x227: {  	s30 =	simm.s32 $0x7;
	[sflag:s29] =	ssyncadd.s32 $0xFFFFE000  }
0x228: {  	_ =	swait.ge [sflag:s30], $0x2000  }
.Ltmp8:
0x229: {  	[sflag:s30] =	ssyncset.done $0x0;
	(pc) =	sbr.rel @p1 .LBB2_16-.Ltmp8, $4  }
0x22a: {  	s31 =	simm.s32 $0x8;
	[sflag:s30] =	ssyncadd.s32 $0xFFFFE000  }
0x22b: {  	_ =	swait.ge [sflag:s31], $0x2000  }
0x22c: {  	[sflag:s31] =	ssyncset.done $0x0  }
0x22d: {  	s25 =	rddreg [dreg:$0xf];
	[sflag:s31] =	ssyncadd.s32 $0xFFFFE000  }
0x22e: {  	s9 =	simm.s32 $0x0;
	s1 =	rddreg [dreg:$0x8]  }
0x22f: {  	[tilespmem:s9], [sflag:$0x1] =	stream.strided.gather [hbm4b:s1+s18], $0x2000, s19, s18, $0x38;
	[tilespmem:$0x18000] =	vst v63  }
0x230: {  	_ =	swait.ge [sflag:s23], $0x2000  }
0x231: {  	[sflag:s23] =	ssyncset.done $0x0  }
0x232: {  	s14 =	simm.s32 $0x80;
	s28 =	simm.s32 $0x1;
	[sflag:s23] =	ssyncadd.s32 $0xFFFFE000  }
0x233: {  	v9 =	vor.u32 s28, v0;
	v8 =	vld [tilespmem:s14+$0x0]  }
0x234: {  	v11 =	vor.u32 s9, v0;
	v10 =	vld [tilespmem:s14+$0xFFFFFF80];
	_ =	sdelay $0x3  }
0x235: {  	[tilespmem:v9+s24+$0x0] =	vst.idx.msk $0xffff, v8  }
0x236: {  	[tilespmem:v11+s24+$0x0] =	vst.idx.msk $0xffff, v10;
	v9 =	vor.u32 s28, v1;
	v8 =	vld [tilespmem:s14+$0x10]  }
0x237: {  	v11 =	vor.u32 s9, v1;
	v10 =	vld [tilespmem:s14+$0xFFFFFF90];
	_ =	sdelay $0x3  }
0x238: {  	[tilespmem:v9+s24+$0x0] =	vst.idx.msk $0xffff, v8  }
0x239: {  	[tilespmem:v11+s24+$0x0] =	vst.idx.msk $0xffff, v10;
	v9 =	vor.u32 s28, v2;
	v8 =	vld [tilespmem:s14+$0x20]  }
0x23a: {  	v11 =	vor.u32 s9, v2;
	v10 =	vld [tilespmem:s14+$0xFFFFFFA0];
	_ =	sdelay $0x1  }
0x23b: {  	s11 =	simm.s32 $0x3;
	s22 =	simm.s32 $0x180  }
0x23c: {  	s21 =	simm.s32 $0x2;
	v13 =	vor.u32 s11, v0;
	v12 =	vld [tilespmem:s22+$0x0]  }
0x23d: {  	v15 =	vor.u32 s21, v0;
	v14 =	vld [tilespmem:s22+$0xFFFFFF80];
	[tilespmem:v9+s24+$0x0] =	vst.idx.msk $0xffff, v8  }
0x23e: {  	[tilespmem:v11+s24+$0x0] =	vst.idx.msk $0xffff, v10;
	v9 =	vor.u32 s28, v3;
	v8 =	vld [tilespmem:s14+$0x30]  }
0x23f: {  	v11 =	vor.u32 s9, v3;
	v10 =	vld [tilespmem:s14+$0xFFFFFFB0];
	_ =	sdelay $0x1  }
0x240: {  	[tilespmem:v13+s24+$0x0] =	vst.idx.msk $0xffff, v12  }
0x241: {  	[tilespmem:v15+s24+$0x0] =	vst.idx.msk $0xffff, v14;
	v13 =	vor.u32 s11, v1;
	v12 =	vld [tilespmem:s22+$0x10]  }
0x242: {  	v15 =	vor.u32 s21, v1;
	v14 =	vld [tilespmem:s22+$0xFFFFFF90];
	[tilespmem:v9+s24+$0x0] =	vst.idx.msk $0xffff, v8  }
0x243: {  	[tilespmem:v11+s24+$0x0] =	vst.idx.msk $0xffff, v10;
	v9 =	vor.u32 s28, v4;
	v8 =	vld [tilespmem:s14+$0x40]  }
0x244: {  	v11 =	vor.u32 s9, v4;
	v10 =	vld [tilespmem:s14+$0xFFFFFFC0];
	_ =	sdelay $0x1  }
0x245: {  	[tilespmem:v13+s24+$0x0] =	vst.idx.msk $0xffff, v12  }
0x246: {  	[tilespmem:v15+s24+$0x0] =	vst.idx.msk $0xffff, v14;
	v13 =	vor.u32 s11, v2;
	v12 =	vld [tilespmem:s22+$0x20]  }
0x247: {  	v15 =	vor.u32 s21, v2;
	v14 =	vld [tilespmem:s22+$0xFFFFFFA0];
	[tilespmem:v9+s24+$0x0] =	vst.idx.msk $0xffff, v8  }
0x248: {  	[tilespmem:v11+s24+$0x0] =	vst.idx.msk $0xffff, v10;
	v9 =	vor.u32 s28, v5;
	v8 =	vld [tilespmem:s14+$0x50]  }
0x249: {  	s25 =	simm.s32 $0x5;
	s8 =	simm.s32 $0x280;
	v11 =	vor.u32 s9, v5;
	v10 =	vld [tilespmem:s14+$0xFFFFFFD0]  }
0x24a: {  	s26 =	simm.s32 $0x4;
	v17 =	vor.u32 s25, v0;
	v16 =	vld [tilespmem:s8+$0x0]  }
0x24b: {  	v19 =	vor.u32 s26, v0;
	v18 =	vld [tilespmem:s8+$0xFFFFFF80];
	[tilespmem:v13+s24+$0x0] =	vst.idx.msk $0xffff, v12  }
0x24c: {  	[tilespmem:v15+s24+$0x0] =	vst.idx.msk $0xffff, v14;
	v13 =	vor.u32 s11, v3;
	v12 =	vld [tilespmem:s22+$0x30]  }
0x24d: {  	v15 =	vor.u32 s21, v3;
	v14 =	vld [tilespmem:s22+$0xFFFFFFB0];
	[tilespmem:v9+s24+$0x0] =	vst.idx.msk $0xffff, v8  }
0x24e: {  	[tilespmem:v11+s24+$0x0] =	vst.idx.msk $0xffff, v10;
	v9 =	vor.u32 s28, v6;
	v8 =	vld [tilespmem:s14+$0x60]  }
0x24f: {  	[tilespmem:v17+s24+$0x0] =	vst.idx.msk $0xffff, v16;
	v11 =	vor.u32 s9, v6;
	v10 =	vld [tilespmem:s14+$0xFFFFFFE0]  }
0x250: {  	[tilespmem:v19+s24+$0x0] =	vst.idx.msk $0xffff, v18;
	v17 =	vor.u32 s25, v1;
	v16 =	vld [tilespmem:s8+$0x10]  }
0x251: {  	v19 =	vor.u32 s26, v1;
	v18 =	vld [tilespmem:s8+$0xFFFFFF90];
	[tilespmem:v13+s24+$0x0] =	vst.idx.msk $0xffff, v12  }
0x252: {  	[tilespmem:v15+s24+$0x0] =	vst.idx.msk $0xffff, v14;
	v13 =	vor.u32 s11, v4;
	v12 =	vld [tilespmem:s22+$0x40]  }
0x253: {  	v21 =	vor.u32 s21, v4;
	v20 =	vld [tilespmem:s22+$0xFFFFFFC0];
	[tilespmem:v9+s24+$0x0] =	vst.idx.msk $0xffff, v8  }
0x254: {  	v23 =	vor.u32 s28, v7;
	[tilespmem:v11+s24+$0x0] =	vst.idx.msk $0xffff, v10;
	v22 =	vld [tilespmem:s14+$0x70]  }
0x255: {  	[tilespmem:v17+s24+$0x0] =	vst.idx.msk $0xffff, v16;
	v9 =	vor.u32 s9, v7;
	v8 =	vld [tilespmem:s14+$0xFFFFFFF0]  }
0x256: {  	[tilespmem:v19+s24+$0x0] =	vst.idx.msk $0xffff, v18;
	v16 =	vor.u32 s25, v2;
	v14 =	vld [tilespmem:s8+$0x20]  }
0x257: {  	v17 =	vor.u32 s26, v2;
	v15 =	vld [tilespmem:s8+$0xFFFFFFA0];
	[tilespmem:v13+s24+$0x0] =	vst.idx.msk $0xffff, v12  }
0x258: {  	s1 =	simm.s32 $0x8;
	[tilespmem:v21+s24+$0x0] =	vst.idx.msk $0xffff, v20;
	v10 =	vld [tilespmem:s22+$0x50];
	v11 =	vor.u32 s11, v5  }
0x259: {  	v13 =	vor.u32 s21, v5;
	v12 =	vld [tilespmem:s22+$0xFFFFFFD0];
	s28 =	simm.s32 $0x7;
	s9 =	simm.s32 $0x6;
	s14 =	simm.s32 $0x380;
	[tilespmem:v23+s24+$0x0] =	vst.idx.msk $0xffff, v22  }
.LBB2_14:
0x25a: {  	p2 =	slt.u32 s1, $0x3E;
	v18 =	vld [tilespmem:s14+$0x0];
	v19 =	vor.u32 s28, v0;
	[tilespmem:v9+s24+$0x0] =	vst.idx.msk $0xffff, v8  }
0x25b: {  	v9 =	vor.u32 s9, v0;
	v8 =	vld [tilespmem:s14+$0xFFFFFF80];
	[tilespmem:v16+s24+$0x0] =	vst.idx.msk $0xffff, v14  }
0x25c: {  	[tilespmem:v17+s24+$0x0] =	vst.idx.msk $0xffff, v15;
	v14 =	vld [tilespmem:s8+$0x30];
	v15 =	vor.u32 s25, v3  }
0x25d: {  	v17 =	vor.u32 s26, v3;
	v16 =	vld [tilespmem:s8+$0xFFFFFFB0];
	[tilespmem:v11+s24+$0x0] =	vst.idx.msk $0xffff, v10  }
0x25e: {  	v11 =	vor.u32 s11, v6;
	[tilespmem:v13+s24+$0x0] =	vst.idx.msk $0xffff, v12;
	v10 =	vld [tilespmem:s22+$0x60]  }
0x25f: {  	v13 =	vor.u32 s21, v6;
	[tilespmem:v19+s24+$0x0] =	vst.idx.msk $0xffff, v18;
	v12 =	vld [tilespmem:s22+$0xFFFFFFE0]  }
0x260: {  	[tilespmem:v9+s24+$0x0] =	vst.idx.msk $0xffff, v8;
	v8 =	vld [tilespmem:s14+$0x10];
	v9 =	vor.u32 s28, v1  }
0x261: {  	v19 =	vor.u32 s9, v1;
	v18 =	vld [tilespmem:s14+$0xFFFFFF90];
	[tilespmem:v15+s24+$0x0] =	vst.idx.msk $0xffff, v14  }
0x262: {  	v21 =	vor.u32 s25, v4;
	[tilespmem:v17+s24+$0x0] =	vst.idx.msk $0xffff, v16;
	v20 =	vld [tilespmem:s8+$0x40]  }
0x263: {  	v23 =	vor.u32 s26, v4;
	v22 =	vld [tilespmem:s8+$0xFFFFFFC0];
	[tilespmem:v11+s24+$0x0] =	vst.idx.msk $0xffff, v10  }
0x264: {  	v25 =	vor.u32 s11, v7;
	s11 =	smov.u32 s25;
	s25 =	smov.u32 s28;
	[tilespmem:v13+s24+$0x0] =	vst.idx.msk $0xffff, v12;
	v24 =	vld [tilespmem:s22+$0x70]  }
.Ltmp9:
0x265: {  	[tilespmem:v9+s24+$0x0] =	vst.idx.msk $0xffff, v8;
	v8 =	vld [tilespmem:s22+$0xFFFFFFF0];
	v9 =	vor.u32 s21, v7;
	s21 =	smov.u32 s26;
	s26 =	smov.u32 s9;
	(pc) =	sbr.rel @p2 .LBB2_14-.Ltmp9, $4  }
0x266: {  	v16 =	vor.u32 s25, v2;
	s9 =	smov.u32 s1;
	s22 =	smov.u32 s8;
	s8 =	smov.u32 s14;
	[tilespmem:v19+s24+$0x0] =	vst.idx.msk $0xffff, v18;
	v14 =	vld [tilespmem:s14+$0x20]  }
0x267: {  	v17 =	vor.u32 s26, v2;
	v15 =	vld [tilespmem:s14+$0xFFFFFFA0];
	[tilespmem:v21+s24+$0x0] =	vst.idx.msk $0xffff, v20  }
0x268: {  	v11 =	vor.u32 s11, v5;
	[tilespmem:v23+s24+$0x0] =	vst.idx.msk $0xffff, v22;
	v10 =	vld [tilespmem:s22+$0x50]  }
0x269: {  	s1 =	sadd.s32 $0x2, s1;
	s28 =	sadd.s32 $0x1, s9;
	v13 =	vor.u32 s21, v5;
	s14 =	sadd.s32 $0x100, s14;
	v12 =	vld [tilespmem:s22+$0xFFFFFFD0];
	[tilespmem:v25+s24+$0x0] =	vst.idx.msk $0xffff, v24  }
0x26a: {  	v18 =	vld [tilespmem:s14+$0x0];
	v19 =	vor.u32 s28, v0  }
0x26b: {  	v20 =	vld [tilespmem:s14+$0xFFFFFF80];
	v21 =	vor.u32 s9, v0;
	_ =	sdelay $0x3  }
0x26c: {  	[tilespmem:v19+s24+$0x0] =	vst.idx.msk $0xffff, v18  }
0x26d: {  	v27 =	vor.u32 s28, v1;
	[tilespmem:v21+s24+$0x0] =	vst.idx.msk $0xffff, v20;
	v18 =	vld [tilespmem:s14+$0x10]  }
0x26e: {  	v28 =	vor.u32 s9, v1;
	v20 =	vld [tilespmem:s14+$0xFFFFFF90];
	_ =	sdelay $0x3  }
0x26f: {  	[tilespmem:v27+s24+$0x0] =	vst.idx.msk $0xffff, v18  }
0x270: {  	v29 =	vor.u32 s28, v2;
	[tilespmem:v28+s24+$0x0] =	vst.idx.msk $0xffff, v20;
	v18 =	vld [tilespmem:s14+$0x20]  }
0x271: {  	v30 =	vor.u32 s9, v2;
	v20 =	vld [tilespmem:s14+$0xFFFFFFA0]  }
0x272: {  	[tilespmem:v16+s24+$0x0] =	vst.idx.msk $0xffff, v14  }
0x273: {  	v31 =	vor.u32 s25, v3;
	[tilespmem:v17+s24+$0x0] =	vst.idx.msk $0xffff, v15;
	v14 =	vld [tilespmem:s8+$0x30]  }
0x274: {  	v33 =	vor.u32 s26, v3;
	v32 =	vld [tilespmem:s8+$0xFFFFFFB0]  }
0x275: {  	[tilespmem:v29+s24+$0x0] =	vst.idx.msk $0xffff, v18  }
0x276: {  	v34 =	vor.u32 s28, v3;
	[tilespmem:v30+s24+$0x0] =	vst.idx.msk $0xffff, v20;
	v18 =	vld [tilespmem:s14+$0x30]  }
0x277: {  	v35 =	vor.u32 s9, v3;
	v20 =	vld [tilespmem:s14+$0xFFFFFFB0]  }
0x278: {  	[tilespmem:v31+s24+$0x0] =	vst.idx.msk $0xffff, v14  }
0x279: {  	v36 =	vor.u32 s25, v4;
	[tilespmem:v33+s24+$0x0] =	vst.idx.msk $0xffff, v32;
	v14 =	vld [tilespmem:s8+$0x40]  }
0x27a: {  	v37 =	vor.u32 s26, v4;
	v16 =	vld [tilespmem:s8+$0xFFFFFFC0]  }
0x27b: {  	[tilespmem:v34+s24+$0x0] =	vst.idx.msk $0xffff, v18  }
0x27c: {  	v38 =	vor.u32 s28, v4;
	[tilespmem:v35+s24+$0x0] =	vst.idx.msk $0xffff, v20;
	v18 =	vld [tilespmem:s14+$0x40]  }
0x27d: {  	v39 =	vor.u32 s9, v4;
	[tilespmem:v9+s24+$0x0] =	vst.idx.msk $0xffff, v8;
	v20 =	vld [tilespmem:s14+$0xFFFFFFC0]  }
0x27e: {  	[tilespmem:v36+s24+$0x0] =	vst.idx.msk $0xffff, v14  }
0x27f: {  	v40 =	vor.u32 s25, v5;
	[tilespmem:v37+s24+$0x0] =	vst.idx.msk $0xffff, v16;
	v8 =	vld [tilespmem:s8+$0x50]  }
0x280: {  	v42 =	vor.u32 s26, v5;
	v41 =	vld [tilespmem:s8+$0xFFFFFFD0]  }
0x281: {  	[tilespmem:v38+s24+$0x0] =	vst.idx.msk $0xffff, v18  }
0x282: {  	v44 =	vor.u32 s28, v5;
	[tilespmem:v39+s24+$0x0] =	vst.idx.msk $0xffff, v20;
	v43 =	vld [tilespmem:s14+$0x50]  }
0x283: {  	v46 =	vor.u32 s9, v5;
	[tilespmem:v11+s24+$0x0] =	vst.idx.msk $0xffff, v10;
	v45 =	vld [tilespmem:s14+$0xFFFFFFD0]  }
0x284: {  	v48 =	vor.u32 s11, v6;
	v47 =	vld [tilespmem:s22+$0x60];
	[tilespmem:v40+s24+$0x0] =	vst.idx.msk $0xffff, v8  }
0x285: {  	v51 =	vor.u32 s25, v6;
	[tilespmem:v42+s24+$0x0] =	vst.idx.msk $0xffff, v41;
	v8 =	vld [tilespmem:s8+$0x60]  }
0x286: {  	v52 =	vor.u32 s26, v6;
	[tilespmem:v13+s24+$0x0] =	vst.idx.msk $0xffff, v12;
	v14 =	vld [tilespmem:s8+$0xFFFFFFE0]  }
0x287: {  	v50 =	vor.u32 s21, v6;
	v49 =	vld [tilespmem:s22+$0xFFFFFFE0];
	[tilespmem:v44+s24+$0x0] =	vst.idx.msk $0xffff, v43  }
0x288: {  	v54 =	vor.u32 s28, v6;
	[tilespmem:v46+s24+$0x0] =	vst.idx.msk $0xffff, v45;
	v53 =	vld [tilespmem:s14+$0x60]  }
0x289: {  	v56 =	vor.u32 s9, v6;
	[tilespmem:v48+s24+$0x0] =	vst.idx.msk $0xffff, v47;
	v55 =	vld [tilespmem:s14+$0xFFFFFFE0]  }
0x28a: {  	v58 =	vor.u32 s11, v7;
	v57 =	vld [tilespmem:s22+$0x70];
	[tilespmem:v51+s24+$0x0] =	vst.idx.msk $0xffff, v8  }
0x28b: {  	v60 =	vor.u32 s25, v7;
	[tilespmem:v52+s24+$0x0] =	vst.idx.msk $0xffff, v14;
	v8 =	vld [tilespmem:s8+$0x70]  }
0x28c: {  	v61 =	vor.u32 s26, v7;
	[tilespmem:v50+s24+$0x0] =	vst.idx.msk $0xffff, v49;
	v14 =	vld [tilespmem:s8+$0xFFFFFFF0]  }
0x28d: {  	v59 =	vor.u32 s21, v7;
	v18 =	vld [tilespmem:s22+$0xFFFFFFF0];
	[tilespmem:v54+s24+$0x0] =	vst.idx.msk $0xffff, v53  }
0x28e: {  	v62 =	vor.u32 s28, v7;
	[tilespmem:v56+s24+$0x0] =	vst.idx.msk $0xffff, v55;
	v10 =	vld [tilespmem:s14+$0x70]  }
0x28f: {  	v63 =	vor.u32 s9, v7;
	[tilespmem:v58+s24+$0x0] =	vst.idx.msk $0xffff, v57;
	v12 =	vld [tilespmem:s14+$0xFFFFFFF0]  }
0x290: {  	[tilespmem:v60+s24+$0x0] =	vst.idx.msk $0xffff, v8  }
0x291: {  	[tilespmem:v61+s24+$0x0] =	vst.idx.msk $0xffff, v14  }
0x292: {  	[tilespmem:v59+s24+$0x0] =	vst.idx.msk $0xffff, v18  }
0x293: {  	[tilespmem:v62+s24+$0x0] =	vst.idx.msk $0xffff, v10  }
0x294: {  	[tilespmem:v63+s24+$0x0] =	vst.idx.msk $0xffff, v12  }
0x295: {  	s8 =	rddreg [dreg:$0x9]  }
0x296: {  	[hbm4b:s8+s4] =	stream.linear.scatter [tilespmem:s24], [sflag:$0x5], $0x400, $0x38;
	[tilespmem:$0x18000] =	vst v63  }
0x297: {  	s29 =	simm.s32 $0x8800;
	s1 =	sadd.s32 $0x80, s8  }
0x298: {  	[hbm4b:s1+s4] =	stream.linear.scatter [tilespmem:s29], [sflag:$0x5], $0x400, $0x38;
	[tilespmem:$0x18000] =	vst v63  }
0x299: {  	s31 =	simm.s32 $0x9000;
	s30 =	sadd.s32 $0x100, s8  }
0x29a: {  	[hbm4b:s30+s4] =	stream.linear.scatter [tilespmem:s31], [sflag:$0x5], $0x400, $0x38;
	[tilespmem:$0x18000] =	vst v63  }
0x29b: {  	s11 =	simm.s32 $0x9800;
	s9 =	sadd.s32 $0x180, s8  }
0x29c: {  	[hbm4b:s9+s4] =	stream.linear.scatter [tilespmem:s11], [sflag:$0x5], $0x400, $0x38;
	[tilespmem:$0x18000] =	vst v63  }
0x29d: {  	s21 =	simm.s32 $0xA000;
	s14 =	sadd.s32 $0x200, s8  }
0x29e: {  	[hbm4b:s14+s4] =	stream.linear.scatter [tilespmem:s21], [sflag:$0x5], $0x400, $0x38;
	[tilespmem:$0x18000] =	vst v63  }
0x29f: {  	s25 =	simm.s32 $0xA800;
	s22 =	sadd.s32 $0x280, s8  }
0x2a0: {  	[hbm4b:s22+s4] =	stream.linear.scatter [tilespmem:s25], [sflag:$0x5], $0x400, $0x38;
	[tilespmem:$0x18000] =	vst v63  }
0x2a1: {  	s28 =	simm.s32 $0xB000;
	s26 =	sadd.s32 $0x300, s8;
	s29 =	sadd.s32 $0x380, s8  }
0x2a2: {  	[hbm4b:s26+s4] =	stream.linear.scatter [tilespmem:s28], [sflag:$0x5], $0x400, $0x38;
	[tilespmem:$0x18000] =	vst v63  }
.Ltmp10:
0x2a3: {  	s30 =	simm.s32 $0xB800;
	s31 =	simm.s32 $0x5;
	(pc) =	sbr.rel .LBB2_16-.Ltmp10, $4  }
0x2a4: {  	[hbm4b:s29+s4] =	stream.linear.scatter [tilespmem:s30], [sflag:$0x5], $0x400, $0x38;
	[tilespmem:$0x18000] =	vst v63  }
0x2a5: {  	_ =	swait.ge [sflag:s31], $0x2000  }
0x2a6: {  	[sflag:s31] =	ssyncset.done $0x0  }
0x2a7: {  	s25 =	rddreg [dreg:$0xf];
	[sflag:s31] =	ssyncadd.s32 $0xFFFFE000  }
.LBB2_17:
0x2a8: {  	_ =	sfence.sel $0x180000  }
0x2a9: {  	[bflag:$0x0] =	sbarrier.arrive $0xFFFF  }
0x2aa: {  	_ =	strace $0x90000047  }
0x2ab: {  	s0 =	stileid.u32;
	[bflag:$0x2] =	sbarrier.arrive $0xFFFF  }
0x2ac: {  	p0 =	sne.s32 s0, $0x0;
	s0 =	rddreg [dreg:$0x3]  }
0x2ad: {  	s0 =	sadd.s32 @!p0 $0x100000, s0  }
0x2ae: {  	[sflag:s0] =	ssyncadd.tile.s32 @!p0 $0x1;
	_ =	shalt  }
.Lfunc_end2:
_tile_overlayer_lowered:
.L_overlay_start_2:
0x2af: {  	(tag) =	ssettag $0x2  }
0x2b0: {  	s0 =	rddreg [dreg:$0x0];
	s2 =	stileid.u32  }
0x2b1: {  	s1 =	rddreg [dreg:$0x1];
	p0 =	sne.s32 s2, $0x0  }
0x2b2: {  	s3 =	rddreg [dreg:$0x2];
	[bflag:$0x3] =	sbarrier.arrive $0xFFFF;
	s2 =	simm.s32 @!p0 $0x1C09  }
0x2b3: {  	[timem:s3], [sflag:s2] =	dma.local @!p0 [hbm:s0], s1  }
0x2b4: {  	s0 =	simm.s32 @!p0 $0x9  }
0x2b5: {  	_ =	swait.ge @!p0 [sflag:s0], s1  }
0x2b6: {  	s1 =	ssub.s32 @!p0 $0x0, s1;
	[sflag:s0] =	ssyncset.done @!p0 $0x0  }
0x2b7: {  	[sflag:s0] =	ssyncadd.s32 @!p0 s1  }
0x2b8: {  	[bflag:$0x3] =	sbarrier.arrive $0xFFFF  }
0x2b9: {  	_ =	shalt  }

</sc_bundles>
